<compile_context>
chip_gen: v7x
topology: tpu7x:2x2x1
jax: 0.10.2.dev20260603
libtpu: 0.0.44.dev20260713+nightly
codegen_flags: <defaults>
</compile_context>

<pallas_src>
import functools

import jax
import jax.numpy as jnp
from jax import lax
from jax.experimental import pallas as pl
from jax.experimental.pallas import tpu as pltpu
from jax.experimental.pallas import tpu_sc as plsc

NQ = 4096
CCH = 256
W0 = 64
NLVL = 4
RAD = 4
NT = 9
PYR_COLS = 4096 + 1024 + 256 + 64
ROWS_PER_Q = PYR_COLS // 64
OUTC = NLVL * NT * NT
OUTP = 336
QB = 128
NTILES = 32
QPT = NQ // NTILES


def _pool_mat(n):
    m = n // 2
    a = (jnp.arange(n) // 2)
    ay = (a[:, None] == jnp.arange(m)[None, :]).astype(jnp.float32)
    g = jnp.einsum('yY,xX->yxYX', ay, ay).reshape(n * n, m * m) * 0.25
    return g


def _tc_pyramid(f1t, f2m, g1, g2, g3):

    def body(f1_ref, f2_ref, g1_ref, g2_ref, g3_ref, out_ref, f2all_ref):
        @pl.when(pl.program_id(0) == 0)
        def _():
            f2 = f2_ref[...]
            nrm = jnp.sqrt(jnp.sum(f2 * f2, axis=0, keepdims=True)) + 1e-8
            f2n = f2 / nrm
            f2all_ref[:, 0:4096] = f2n
            p1 = jnp.dot(f2n, g1_ref[...],
                         preferred_element_type=jnp.float32,
                         precision=lax.Precision.DEFAULT)
            f2all_ref[:, 4096:5120] = p1
            p2 = jnp.dot(p1, g2_ref[...],
                         preferred_element_type=jnp.float32,
                         precision=lax.Precision.DEFAULT)
            f2all_ref[:, 5120:5376] = p2
            f2all_ref[:, 5376:5440] = jnp.dot(
                p2, g3_ref[...], preferred_element_type=jnp.float32,
                precision=lax.Precision.DEFAULT)

        f1 = f1_ref[...]
        nrm1 = jnp.sqrt(jnp.sum(f1 * f1, axis=1, keepdims=True)) + 1e-8
        f1n = f1 / nrm1
        corr = jnp.dot(f1n, f2all_ref[...],
                       preferred_element_type=jnp.float32,
                       precision=lax.Precision.DEFAULT)
        for cb in range(42):
            out_ref[:, cb, :] = corr[:, cb * 128:(cb + 1) * 128]
        out_ref[:, 42, 0:64] = corr[:, 5376:5440]

    return pl.pallas_call(
        body,
        grid=(NQ // QB,),
        in_specs=[
            pl.BlockSpec((QB, CCH), lambda i: (i, 0)),
            pl.BlockSpec((CCH, 4096), lambda i: (0, 0)),
            pl.BlockSpec((4096, 1024), lambda i: (0, 0)),
            pl.BlockSpec((1024, 256), lambda i: (0, 0)),
            pl.BlockSpec((256, 64), lambda i: (0, 0)),
        ],
        out_specs=pl.BlockSpec((QB, 48, 128), lambda i: (i, 0, 0)),
        out_shape=jax.ShapeDtypeStruct((NQ, 48, 128), jnp.float32),
        scratch_shapes=[pltpu.VMEM((CCH, PYR_COLS), jnp.float32)],
    )(f1t, f2m, g1, g2, g3)


_LEVELS = ((64, 1.0, 0), (32, 0.5, 81), (16, 0.25, 162), (8, 0.125, 243))


def _sc_sample(pyr_flat, cq):
    mesh = plsc.VectorSubcoreMesh(core_axis_name="c", subcore_axis_name="s")

    @functools.partial(
        pl.kernel,
        out_type=jax.ShapeDtypeStruct((NQ * OUTP,), jnp.float32),
        mesh=mesh,
        compiler_params=pltpu.CompilerParams(needs_layout_passes=False),
        scratch_types=[
            pltpu.VMEM((2 * QPT + 16,), jnp.float32),
            pltpu.VMEM((2 * 640,), jnp.float32),
            pltpu.VMEM((2 * 384,), jnp.float32),
            pltpu.VMEM((2 * 320,), jnp.float32),
            pltpu.VMEM((2 * OUTP,), jnp.float32),
            pltpu.SemaphoreType.DMA,
            pltpu.SemaphoreType.DMA,
            pltpu.SemaphoreType.DMA,
            pltpu.SemaphoreType.DMA,
            pltpu.SemaphoreType.DMA,
            pltpu.SemaphoreType.DMA,
            pltpu.SemaphoreType.DMA,
        ],
    )
    def ker(pyr_hbm, cq_hbm, out_hbm, cbuf, b0, b1, b23, obuf,
            sa0, sa1, sa2, sb0, sb1, sb2, osem):
        wid = lax.axis_index("s") * 2 + lax.axis_index("c")
        q0 = wid * QPT
        pltpu.sync_copy(cq_hbm.at[pl.ds(q0 * 2, 2 * QPT)],
                        cbuf.at[pl.ds(0, 2 * QPT)])

        def floori(s):
            r = s.astype(jnp.int32)
            return jnp.where(r.astype(jnp.float32) > s, r - 1, r)

        def windows(qi):
            cv = cbuf[pl.ds(2 * qi, 16)]
            c0 = cv[0]
            c1 = cv[1]
            ts0 = jnp.clip(floori(c1) - 4, 0, 54)
            ts1 = jnp.clip((floori(c1 * 0.5) - 4) // 2, 0, 10)
            return c0, c1, ts0, ts1

        def start_in(qi, h, s0, s1, s2):
            _, _, ts0, ts1 = windows(qi)
            base = (q0 + qi) * 96
            pltpu.make_async_copy(
                pyr_hbm.at[pl.ds((base + ts0) * 64, 640)],
                b0.at[pl.ds(h * 640, 640)], s0).start()
            pltpu.make_async_copy(
                pyr_hbm.at[pl.ds((base + 64 + ts1) * 64, 384)],
                b1.at[pl.ds(h * 384, 384)], s1).start()
            pltpu.make_async_copy(
                pyr_hbm.at[pl.ds((base + 80) * 64, 320)],
                b23.at[pl.ds(h * 320, 320)], s2).start()

        def wait_in(h, s0, s1, s2):
            pltpu.make_async_copy(pyr_hbm.at[pl.ds(0, 640)],
                                  b0.at[pl.ds(h * 640, 640)], s0).wait()
            pltpu.make_async_copy(pyr_hbm.at[pl.ds(0, 384)],
                                  b1.at[pl.ds(h * 384, 384)], s1).wait()
            pltpu.make_async_copy(pyr_hbm.at[pl.ds(0, 320)],
                                  b23.at[pl.ds(h * 320, 320)], s2).wait()

        def wait_out():
            pltpu.make_async_copy(obuf.at[pl.ds(0, OUTP)],
                                  out_hbm.at[pl.ds(0, OUTP)], osem).wait()

        start_in(0, 0, sa0, sa1, sa2)
        pltpu.make_async_copy(obuf.at[pl.ds(0, OUTP)],
                              out_hbm.at[pl.ds(q0 * OUTP, OUTP)],
                              osem).start()

        def body(qi, carry):
            iota = lax.iota(jnp.int32, 16)
            lane9 = iota < NT
            phase = qi & 1
            nqi = jnp.where(qi + 1 < QPT, qi + 1, 0)

            @pl.when(phase == 0)
            def _():
                start_in(nqi, 1, sb0, sb1, sb2)
                wait_in(0, sa0, sa1, sa2)

            @pl.when(phase == 1)
            def _():
                start_in(nqi, 0, sa0, sa1, sa2)
                wait_in(1, sb0, sb1, sb2)

            c0, c1, ts0, ts1 = windows(qi)
            o0 = phase * 640
            o1 = phase * 384
            o23 = phase * 320
            oo = phase * OUTP

            def bcast_i(s):
                return jnp.broadcast_to(s, (16,)).astype(jnp.int32)

            def bcast_f(s):
                return jnp.broadcast_to(s, (16,)).astype(jnp.float32)

            def do_level(dref, dbase, ybase, w, inv_s, obase):
                xs = c0 * inv_s
                ys = c1 * inv_s
                xi = floori(xs)
                fx = xs - xi.astype(jnp.float32)
                yi = floori(ys)
                fy = ys - yi.astype(jnp.float32)
                x0 = xi - 4
                y0 = yi - 4
                one_v = jnp.full((16,), 1.0, jnp.float32)
                zero_v = jnp.zeros((16,), jnp.float32)
                xa = bcast_i(x0) + iota
                xb = xa + 1
                va = jnp.where((xa >= 0) & (xa <= w - 1), one_v, zero_v)
                vb = jnp.where((xb >= 0) & (xb <= w - 1), one_v, zero_v)
                ia = jnp.clip(xa, 0, w - 1)
                ib = jnp.clip(xb, 0, w - 1)
                gav = bcast_f(1.0 - fx) * va
                gbv = bcast_f(fx) * vb
                hrows = []
                for jj in range(10):
                    l = jnp.clip(y0 + jj, 0, w - 1) - ybase
                    offv = bcast_i(dbase + l * w)
                    ra = plsc.load_gather(dref, [offv + ia])
                    rb = plsc.load_gather(dref, [offv + ib])
                    hrows.append(gav * ra + gbv * rb)
                oidx = oo + obase + iota * NT
                for k in range(NT):
                    ya = y0 + k
                    yb = ya + 1
                    wa = jnp.where((ya >= 0) & (ya <= w - 1), 1.0 - fy, 0.0)
                    wb = jnp.where((yb >= 0) & (yb <= w - 1), fy, 0.0)
                    outk = bcast_f(wa) * hrows[k] + bcast_f(wb) * hrows[k + 1]
                    plsc.store_scatter(obuf, [oidx + k], outk, mask=lane9)

            do_level(b0, o0, ts0, 64, 1.0, 0)
            do_level(b1, o1, 2 * ts1, 32, 0.5, 81)
            do_level(b23, o23, 0, 16, 0.25, 162)
            do_level(b23, o23 + 256, 0, 8, 0.125, 243)

            wait_out()
            pltpu.make_async_copy(
                obuf.at[pl.ds(oo, OUTP)],
                out_hbm.at[pl.ds((q0 + qi) * OUTP, OUTP)], osem).start()
            return carry

        lax.fori_loop(0, QPT, body, 0)
        wait_out()
        wait_in(0, sa0, sa1, sa2)

    return ker(pyr_flat, cq)


def kernel(fmap1, fmap2, coords):
    B, C, H, W = fmap1.shape
    f1t = fmap1.reshape(C, H * W).T
    f2m = fmap2.reshape(C, H * W)
    g1 = _pool_mat(64)
    g2 = _pool_mat(32)
    g3 = _pool_mat(16)
    pyr = _tc_pyramid(f1t, f2m, g1, g2, g3)
    cq = coords.reshape(2, H * W).T.reshape(-1)
    out = _sc_sample(pyr.reshape(-1), cq)
    out = out.reshape(NQ, OUTP)[:, :OUTC]
    return out.reshape(1, OUTC, H, W).astype(jnp.float32)

# --- scband reference (transcript-rebuilt; emitter-appended) ---
"""Pipeline reference for scband-corr-block-13486197309758 (READ-ONLY COPY).

The authoritative reference and input builder live on the scoring server;
editing this copy changes nothing except your own understanding.
"""

import jax, jax.numpy as jnp
import numpy as np

NUM_LEVELS = 4
RADIUS = 4
TEMPERATURE = 1.0


def _avg_pool2(x):
    M, C, H, W = x.shape
    return x.reshape(M, C, H // 2, 2, W // 2, 2).mean(axis=(3, 5))


def _bilinear_sampler(img, coords):
    # img: (Bq, C, H, W); coords: (Bq, h, w, 2) in pixel coords (x, y).
    # Mirrors F.grid_sample(..., align_corners=True, padding_mode='zeros').
    Bq, C, H, W = img.shape
    x = coords[..., 0]
    y = coords[..., 1]
    x0 = jnp.floor(x)
    y0 = jnp.floor(y)
    x1 = x0 + 1.0
    y1 = y0 + 1.0
    wa = (x1 - x) * (y1 - y)
    wb = (x1 - x) * (y - y0)
    wc = (x - x0) * (y1 - y)
    wd = (x - x0) * (y - y0)
    b = jnp.arange(Bq)[:, None, None]

    def gather(ix, iy):
        valid = (ix >= 0) & (ix <= W - 1) & (iy >= 0) & (iy <= H - 1)
        ixc = jnp.clip(ix, 0, W - 1).astype(jnp.int32)
        iyc = jnp.clip(iy, 0, H - 1).astype(jnp.int32)
        v = img[b, :, iyc, ixc]  # (Bq, h, w, C)
        return v * valid[..., None].astype(img.dtype)

    Ia = gather(x0, y0)
    Ib = gather(x0, y1)
    Ic = gather(x1, y0)
    Id = gather(x1, y1)
    out = wa[..., None] * Ia + wb[..., None] * Ib + wc[..., None] * Ic + wd[..., None] * Id
    return jnp.transpose(out, (0, 3, 1, 2))  # (Bq, C, h, w)


def _forward(fmap1, fmap2, coords):
    B, C, H, W = fmap1.shape
    # cosine-similarity (L2-normalized) all-pairs correlation
    f1 = fmap1 / (jnp.sqrt(jnp.sum(fmap1 * fmap1, axis=1, keepdims=True)) + 1e-8)
    f2 = fmap2 / (jnp.sqrt(jnp.sum(fmap2 * fmap2, axis=1, keepdims=True)) + 1e-8)
    f1 = f1.reshape(B, C, H * W)
    f2 = f2.reshape(B, C, H * W)
    corr = jnp.einsum('bci,bcj->bij', f1, f2)
    if TEMPERATURE != 1.0:
        corr = corr / TEMPERATURE
    corr = corr.reshape(B * H * W, 1, H, W)
    pyramid = [corr]
    for _ in range(NUM_LEVELS - 1):
        corr = _avg_pool2(corr)
        pyramid.append(corr)

    r = RADIUS
    Bc, N, _, Hc, Wc = coords.shape
    H_feat, W_feat = H, W
    coords_flat = jnp.transpose(coords, (0, 1, 3, 4, 2)).reshape(Bc * N, Hc, Wc, 2)
    dx = jnp.linspace(-r, r, 2 * r + 1, dtype=jnp.float32)
    dy = jnp.linspace(-r, r, 2 * r + 1, dtype=jnp.float32)
    dyy, dxx = jnp.meshgrid(dy, dx, indexing='ij')
    delta = jnp.stack([dyy, dxx], axis=-1)  # (2r+1, 2r+1, 2)
    h_idx = jnp.clip(jnp.arange(Hc), 0, H_feat - 1)
    w_idx = jnp.clip(jnp.arange(Wc), 0, W_feat - 1)
    hw = h_idx[:, None] * W_feat + w_idx[None, :]
    corr_idx = jnp.broadcast_to(hw[None], (Bc * N, Hc, Wc)).reshape(-1)
    b_idx = jnp.broadcast_to(jnp.arange(Bc)[:, None], (Bc, N * Hc * Wc)).reshape(-1)

    out_pyramid = []
    for i in range(NUM_LEVELS):
        corr_i = pyramid[i]
        h2, w2 = corr_i.shape[-2], corr_i.shape[-1]
        scale = 2 ** i
        centroid = coords_flat / scale
        sampling = centroid[:, :, :, None, None, :] + delta[None, None, None]
        sampling = sampling.reshape(Bc * N * Hc * Wc, 2 * r + 1, 2 * r + 1, 2)
        corr_5d = corr_i.reshape(Bc, H_feat * W_feat, 1, h2, w2)
        corr_sampled = corr_5d[b_idx, corr_idx]  # (Bc*N*Hc*Wc, 1, h2, w2)
        sampled = _bilinear_sampler(corr_sampled, sampling)
        sampled = sampled.reshape(Bc * N, Hc, Wc, -1)
        out_pyramid.append(sampled)

    out = jnp.concatenate(out_pyramid, axis=-1)  # (Bc*N, Hc, Wc, L*(2r+1)^2)
    out = jnp.transpose(out, (0, 3, 1, 2))
    out5 = out.reshape(Bc, N, -1, Hc, Wc)
    Cc = out5.shape[2]
    out = jnp.transpose(out5, (0, 1, 3, 4, 2)).reshape(Bc, N * Cc, Hc, Wc)
    return out.astype(jnp.float32)


def setup_inputs(seed: int = 0):
    key = jax.random.key(seed)
    k1, k2, k3 = jax.random.split(key, 3)
    B, C, H, W = 1, 256, 64, 64
    N = 1
    fmap1 = jax.random.normal(k1, (B, C, H, W), dtype=jnp.float32)
    fmap2 = jax.random.normal(k2, (B, C, H, W), dtype=jnp.float32)
    coords = jax.random.uniform(k3, (B, N, 2, H, W), dtype=jnp.float32) * (W - 1)
    return {"fmap1": fmap1, "fmap2": fmap2, "coords": coords}


def reference(fmap1, fmap2, coords):
    return _forward(fmap1, fmap2, coords)

if __name__ == "__main__":
    import jax
    _d = setup_inputs()
    print(jax.jit(kernel)(*tuple(_d.values())))

</pallas_src>

<mosaic_0001>
#map = affine_map<(d0, d1) -> (0)>
module attributes {stable_mosaic.version = 14 : i64} {
  func.func @ker(%arg0: i32, %arg1: i32, %arg2: memref<25165824xf32, #tpu.memory_space<hbm>>, %arg3: memref<8192xf32, #tpu.memory_space<hbm>>, %arg4: memref<1376256xf32, #tpu.memory_space<hbm>>, %arg5: memref<272xf32, #tpu.memory_space<vmem>>, %arg6: memref<1280xf32, #tpu.memory_space<vmem>>, %arg7: memref<768xf32, #tpu.memory_space<vmem>>, %arg8: memref<640xf32, #tpu.memory_space<vmem>>, %arg9: memref<672xf32, #tpu.memory_space<vmem>>, %arg10: memref<!tpu.dma_semaphore, #tpu.memory_space<semaphore_mem>>, %arg11: memref<!tpu.dma_semaphore, #tpu.memory_space<semaphore_mem>>, %arg12: memref<!tpu.dma_semaphore, #tpu.memory_space<semaphore_mem>>, %arg13: memref<!tpu.dma_semaphore, #tpu.memory_space<semaphore_mem>>, %arg14: memref<!tpu.dma_semaphore, #tpu.memory_space<semaphore_mem>>, %arg15: memref<!tpu.dma_semaphore, #tpu.memory_space<semaphore_mem>>, %arg16: memref<!tpu.dma_semaphore, #tpu.memory_space<semaphore_mem>>) attributes {dimension_semantics = [#tpu.dimension_semantics<core_parallel>, #tpu.dimension_semantics<subcore_parallel>], iteration_bounds = array<i64: 2, 16>, scalar_prefetch = 0 : i64, scratch_operands = 12 : i64, tpu.core_type = #tpu.core_type<sc_vector_subcore>, window_params = [{transform_indices = #map}, {transform_indices = #map}, {transform_indices = #map}]} {
    %mul3A = arith.constant 2 : i32
    %mul3A_0 = arith.muli %arg1, %mul3A : i32
    %add3A = arith.addi %mul3A_0, %arg0 : i32
    %mul3A_1 = arith.constant 128 : i32
    %mul3A_2 = arith.muli %add3A, %mul3A_1 : i32
    %mul3A_3 = arith.constant 2 : i32
    %mul3A_4 = arith.muli %mul3A_2, %mul3A_3 : i32
    "tpu.region"() ({
      %run_scoped3A = tpu.sem_alloc : memref<!tpu.dma_semaphore, #tpu.memory_space<semaphore_mem>>
      %dma_start3A_123 = arith.constant 0 : i32
      %dma_start3A_124 = tpu.memref_slice %arg5[%dma_start3A_123] : memref<272xf32, #tpu.memory_space<vmem>> -> memref<256xf32, #tpu.memory_space<vmem>>
      %dma_start3A_125 = tpu.memref_slice %arg3[%mul3A_4] : memref<8192xf32, #tpu.memory_space<hbm>> -> memref<256xf32, #tpu.memory_space<hbm>>
      %dma_start3A_126 = arith.constant 0 : i32
      %dma_start3A_127 = tpu.memref_slice %arg5[%dma_start3A_126] : memref<272xf32, #tpu.memory_space<vmem>> -> memref<256xf32, #tpu.memory_space<vmem>>
      %dma_start3A_128 = tpu.memref_slice %arg3[%mul3A_4] : memref<8192xf32, #tpu.memory_space<hbm>> -> memref<256xf32, #tpu.memory_space<hbm>>
      tpu.enqueue_dma source(%dma_start3A_128 : memref<256xf32, #tpu.memory_space<hbm>>) target(%dma_start3A_127 : memref<256xf32, #tpu.memory_space<vmem>>) target_semaphore(%run_scoped3A : memref<!tpu.dma_semaphore, #tpu.memory_space<semaphore_mem>>)
      %dma_wait3A_129 = arith.constant 0 : i32
      %dma_wait3A_130 = tpu.memref_slice %arg5[%dma_wait3A_129] : memref<272xf32, #tpu.memory_space<vmem>> -> memref<256xf32, #tpu.memory_space<vmem>>
      %dma_wait3A_131 = tpu.memref_slice %arg3[%mul3A_4] : memref<8192xf32, #tpu.memory_space<hbm>> -> memref<256xf32, #tpu.memory_space<hbm>>
      %dma_wait3A_132 = arith.constant 0 : i32
      %dma_wait3A_133 = tpu.memref_slice %arg5[%dma_wait3A_132] : memref<272xf32, #tpu.memory_space<vmem>> -> memref<256xf32, #tpu.memory_space<vmem>>
      %dma_wait3A_134 = tpu.memref_slice %arg3[%mul3A_4] : memref<8192xf32, #tpu.memory_space<hbm>> -> memref<256xf32, #tpu.memory_space<hbm>>
      tpu.wait_dma2 semaphore(%run_scoped3A : memref<!tpu.dma_semaphore, #tpu.memory_space<semaphore_mem>>) src(%dma_wait3A_134 : memref<256xf32, #tpu.memory_space<hbm>>) dst(%dma_wait3A_133 : memref<256xf32, #tpu.memory_space<vmem>>)
      tpu.yield
    }) : () -> ()
    %get3A = arith.constant 0 : index
    %get3A_5 = tpu.vector_load %arg5[%get3A] {strides = array<i32>} : memref<272xf32, #tpu.memory_space<vmem>>, vector<16xf32>,
    %slice3A = vector.extract_strided_slice %get3A_5 {offsets = [0], sizes = [1], strides = [1]} : vector<16xf32> to vector<1xf32>
    %squeeze3A = vector.extract %slice3A[0] : f32 from vector<1xf32>
    %slice3A_6 = vector.extract_strided_slice %get3A_5 {offsets = [1], sizes = [1], strides = [1]} : vector<16xf32> to vector<1xf32>
    %squeeze3A_7 = vector.extract %slice3A_6[0] : f32 from vector<1xf32>
    %convert_element_type3A = arith.fptosi %squeeze3A_7 : f32 to i32
    %convert_element_type3A_8 = arith.sitofp %convert_element_type3A : i32 to f32
    %gt3A = arith.cmpf ogt, %convert_element_type3A_8, %squeeze3A_7 : f32
    %sub3A = arith.constant 1 : i32
    %sub3A_9 = arith.subi %convert_element_type3A, %sub3A : i32
    %select_n3A = arith.select %gt3A, %sub3A_9, %convert_element_type3A : i32
    %sub3A_10 = arith.constant 4 : i32
    %sub3A_11 = arith.subi %select_n3A, %sub3A_10 : i32
    %jit3A = arith.constant 0 : i32
    %jit3A_12 = arith.constant 54 : i32
    %max3A = arith.maxsi %jit3A, %sub3A_11 : i32
    %min3A = arith.minsi %jit3A_12, %max3A : i32
    %mul3A_13 = arith.constant 5.000000e-01 : f32
    %mul3A_14 = arith.mulf %squeeze3A_7, %mul3A_13 : f32
    %convert_element_type3A_15 = arith.fptosi %mul3A_14 : f32 to i32
    %convert_element_type3A_16 = arith.sitofp %convert_element_type3A_15 : i32 to f32
    %gt3A_17 = arith.cmpf ogt, %convert_element_type3A_16, %mul3A_14 : f32
    %sub3A_18 = arith.constant 1 : i32
    %sub3A_19 = arith.subi %convert_element_type3A_15, %sub3A_18 : i32
    %select_n3A_20 = arith.select %gt3A_17, %sub3A_19, %convert_element_type3A_15 : i32
    %sub3A_21 = arith.constant 4 : i32
    %sub3A_22 = arith.subi %select_n3A_20, %sub3A_21 : i32
    %jit3A_23 = arith.constant 2 : i32
    %div3A = arith.divsi %sub3A_22, %jit3A_23 : i32
    %sign3A = arith.constant 0 : i32
    %sign3A_24 = arith.cmpi sgt, %sub3A_22, %sign3A : i32
    %sign3A_25 = arith.extui %sign3A_24 : i1 to i32
    %sign3A_26 = arith.constant 0 : i32
    %sign3A_27 = arith.cmpi slt, %sub3A_22, %sign3A_26 : i32
    %sign3A_28 = arith.extui %sign3A_27 : i1 to i32
    %sign3A_29 = arith.subi %sign3A_25, %sign3A_28 : i32
    %sign3A_30 = arith.constant 0 : i32
    %sign3A_31 = arith.cmpi sgt, %jit3A_23, %sign3A_30 : i32
    %sign3A_32 = arith.extui %sign3A_31 : i1 to i32
    %sign3A_33 = arith.constant 0 : i32
    %sign3A_34 = arith.cmpi slt, %jit3A_23, %sign3A_33 : i32
    %sign3A_35 = arith.extui %sign3A_34 : i1 to i32
    %sign3A_36 = arith.subi %sign3A_32, %sign3A_35 : i32
    %ne3A = arith.cmpi ne, %sign3A_29, %sign3A_36 : i32
    %rem3A = arith.remsi %sub3A_22, %jit3A_23 : i32
    %ne3A_37 = arith.constant 0 : i32
    %ne3A_38 = arith.cmpi ne, %rem3A, %ne3A_37 : i32
    %and3A = arith.andi %ne3A, %ne3A_38 : i1
    %sub3A_39 = arith.constant 1 : i32
    %sub3A_40 = arith.subi %div3A, %sub3A_39 : i32
    %select_n3A_41 = arith.select %and3A, %sub3A_40, %div3A : i32
    %jit3A_42 = arith.constant 0 : i32
    %jit3A_43 = arith.constant 10 : i32
    %max3A_44 = arith.maxsi %jit3A_42, %select_n3A_41 : i32
    %min3A_45 = arith.minsi %jit3A_43, %max3A_44 : i32
    %add3A_46 = arith.constant 0 : i32
    %add3A_47 = arith.addi %mul3A_2, %add3A_46 : i32
    %mul3A_48 = arith.constant 96 : i32
    %mul3A_49 = arith.muli %add3A_47, %mul3A_48 : i32
    %add3A_50 = arith.addi %mul3A_49, %min3A : i32
    %mul3A_51 = arith.constant 64 : i32
    %mul3A_52 = arith.muli %add3A_50, %mul3A_51 : i32
    %dma_start3A = arith.constant 0 : i32
    %dma_start3A_53 = tpu.memref_slice %arg6[%dma_start3A] : memref<1280xf32, #tpu.memory_space<vmem>> -> memref<640xf32, #tpu.memory_space<vmem>>
    %dma_start3A_54 = tpu.memref_slice %arg2[%mul3A_52] : memref<25165824xf32, #tpu.memory_space<hbm>> -> memref<640xf32, #tpu.memory_space<hbm>>
    %dma_start3A_55 = arith.constant 0 : i32
    %dma_start3A_56 = tpu.memref_slice %arg6[%dma_start3A_55] : memref<1280xf32, #tpu.memory_space<vmem>> -> memref<640xf32, #tpu.memory_space<vmem>>
    %dma_start3A_57 = tpu.memref_slice %arg2[%mul3A_52] : memref<25165824xf32, #tpu.memory_space<hbm>> -> memref<640xf32, #tpu.memory_space<hbm>>
    tpu.enqueue_dma source(%dma_start3A_57 : memref<640xf32, #tpu.memory_space<hbm>>) target(%dma_start3A_56 : memref<640xf32, #tpu.memory_space<vmem>>) target_semaphore(%arg10 : memref<!tpu.dma_semaphore, #tpu.memory_space<semaphore_mem>>)
    %add3A_58 = arith.constant 64 : i32
    %add3A_59 = arith.addi %mul3A_49, %add3A_58 : i32
    %add3A_60 = arith.addi %add3A_59, %min3A_45 : i32
    %mul3A_61 = arith.constant 64 : i32
    %mul3A_62 = arith.muli %add3A_60, %mul3A_61 : i32
    %dma_start3A_63 = arith.constant 0 : i32
    %dma_start3A_64 = tpu.memref_slice %arg7[%dma_start3A_63] : memref<768xf32, #tpu.memory_space<vmem>> -> memref<384xf32, #tpu.memory_space<vmem>>
    %dma_start3A_65 = tpu.memref_slice %arg2[%mul3A_62] : memref<25165824xf32, #tpu.memory_space<hbm>> -> memref<384xf32, #tpu.memory_space<hbm>>
    %dma_start3A_66 = arith.constant 0 : i32
    %dma_start3A_67 = tpu.memref_slice %arg7[%dma_start3A_66] : memref<768xf32, #tpu.memory_space<vmem>> -> memref<384xf32, #tpu.memory_space<vmem>>
    %dma_start3A_68 = tpu.memref_slice %arg2[%mul3A_62] : memref<25165824xf32, #tpu.memory_space<hbm>> -> memref<384xf32, #tpu.memory_space<hbm>>
    tpu.enqueue_dma source(%dma_start3A_68 : memref<384xf32, #tpu.memory_space<hbm>>) target(%dma_start3A_67 : memref<384xf32, #tpu.memory_space<vmem>>) target_semaphore(%arg11 : memref<!tpu.dma_semaphore, #tpu.memory_space<semaphore_mem>>)
    %add3A_69 = arith.constant 80 : i32
    %add3A_70 = arith.addi %mul3A_49, %add3A_69 : i32
    %mul3A_71 = arith.constant 64 : i32
    %mul3A_72 = arith.muli %add3A_70, %mul3A_71 : i32
    %dma_start3A_73 = arith.constant 0 : i32
    %dma_start3A_74 = tpu.memref_slice %arg8[%dma_start3A_73] : memref<640xf32, #tpu.memory_space<vmem>> -> memref<320xf32, #tpu.memory_space<vmem>>
    %dma_start3A_75 = tpu.memref_slice %arg2[%mul3A_72] : memref<25165824xf32, #tpu.memory_space<hbm>> -> memref<320xf32, #tpu.memory_space<hbm>>
    %dma_start3A_76 = arith.constant 0 : i32
    %dma_start3A_77 = tpu.memref_slice %arg8[%dma_start3A_76] : memref<640xf32, #tpu.memory_space<vmem>> -> memref<320xf32, #tpu.memory_space<vmem>>
    %dma_start3A_78 = tpu.memref_slice %arg2[%mul3A_72] : memref<25165824xf32, #tpu.memory_space<hbm>> -> memref<320xf32, #tpu.memory_space<hbm>>
    tpu.enqueue_dma source(%dma_start3A_78 : memref<320xf32, #tpu.memory_space<hbm>>) target(%dma_start3A_77 : memref<320xf32, #tpu.memory_space<vmem>>) target_semaphore(%arg12 : memref<!tpu.dma_semaphore, #tpu.memory_space<semaphore_mem>>)
    %mul3A_79 = arith.constant 336 : i32
    %mul3A_80 = arith.muli %mul3A_2, %mul3A_79 : i32
    %dma_start3A_81 = arith.constant 0 : i32
    %dma_start3A_82 = tpu.memref_slice %arg9[%dma_start3A_81] : memref<672xf32, #tpu.memory_space<vmem>> -> memref<336xf32, #tpu.memory_space<vmem>>
    %dma_start3A_83 = tpu.memref_slice %arg4[%mul3A_80] : memref<1376256xf32, #tpu.memory_space<hbm>> -> memref<336xf32, #tpu.memory_space<hbm>>
    %dma_start3A_84 = tpu.memref_slice %arg4[%mul3A_80] : memref<1376256xf32, #tpu.memory_space<hbm>> -> memref<336xf32, #tpu.memory_space<hbm>>
    %dma_start3A_85 = arith.constant 0 : i32
    %dma_start3A_86 = tpu.memref_slice %arg9[%dma_start3A_85] : memref<672xf32, #tpu.memory_space<vmem>> -> memref<336xf32, #tpu.memory_space<vmem>>
    tpu.enqueue_dma source(%dma_start3A_86 : memref<336xf32, #tpu.memory_space<vmem>>) target(%dma_start3A_84 : memref<336xf32, #tpu.memory_space<hbm>>) target_semaphore(%arg16 : memref<!tpu.dma_semaphore, #tpu.memory_space<semaphore_mem>>)
    %scan3A = arith.constant 0 : i32
    %scan3A_87 = arith.constant 0 : i32
    %scan3A_88 = arith.constant 128 : i32
    %scan3A_89 = arith.addi %scan3A_87, %scan3A_88 : i32
    %scan3A_90 = arith.constant 1 : i32
    scf.for %scan3A_123 = %scan3A_87 to %scan3A_89 step %scan3A_90  : i32 {
      %iota3A = tpu.iota {dimensions = array<i32: 0>} : vector<16xi32>
      %lt3A = arith.constant 9 : i32
      %lt3A_124 = vector.broadcast %lt3A : i32 to vector<16xi32>
      %lt3A_125 = arith.cmpi slt, %iota3A, %lt3A_124 : vector<16xi32>
      %and3A_126 = arith.constant 1 : i32
      %and3A_127 = arith.andi %scan3A_123, %and3A_126 : i32
      %add3A_128 = arith.constant 1 : i32
      %add3A_129 = arith.addi %scan3A_123, %add3A_128 : i32
      %lt3A_130 = arith.constant 128 : i32
      %lt3A_131 = arith.cmpi slt, %add3A_129, %lt3A_130 : i32
      %add3A_132 = arith.constant 1 : i32
      %add3A_133 = arith.addi %scan3A_123, %add3A_132 : i32
      %jit3A_134 = arith.constant 0 : i32
      %select_n3A_135 = arith.select %lt3A_131, %add3A_133, %jit3A_134 : i32
      %eq3A = arith.constant 0 : i32
      %eq3A_136 = arith.cmpi eq, %and3A_127, %eq3A : i32
      %convert_element_type3A_137 = arith.extui %eq3A_136 : i1 to i32
      %cond3A = arith.constant 0 : i32
      %cond3A_138 = arith.cmpi ne, %convert_element_type3A_137, %cond3A : i32
      scf.if %cond3A_138 {
        %mul3A_2269 = arith.constant 2 : i32
        %mul3A_2270 = arith.muli %mul3A_2269, %select_n3A_135 : i32
        %get3A_2271 = arith.index_cast %mul3A_2270 : i32 to index
        %get3A_2272 = tpu.vector_load %arg5[%get3A_2271] {strides = array<i32>} : memref<272xf32, #tpu.memory_space<vmem>>, vector<16xf32>,
        %slice3A_2273 = vector.extract_strided_slice %get3A_2272 {offsets = [0], sizes = [1], strides = [1]} : vector<16xf32> to vector<1xf32>
        %squeeze3A_2274 = vector.extract %slice3A_2273[0] : f32 from vector<1xf32>
        %slice3A_2275 = vector.extract_strided_slice %get3A_2272 {offsets = [1], sizes = [1], strides = [1]} : vector<16xf32> to vector<1xf32>
        %squeeze3A_2276 = vector.extract %slice3A_2275[0] : f32 from vector<1xf32>
        %convert_element_type3A_2277 = arith.fptosi %squeeze3A_2276 : f32 to i32
        %convert_element_type3A_2278 = arith.sitofp %convert_element_type3A_2277 : i32 to f32
        %gt3A_2279 = arith.cmpf ogt, %convert_element_type3A_2278, %squeeze3A_2276 : f32
        %sub3A_2280 = arith.constant 1 : i32
        %sub3A_2281 = arith.subi %convert_element_type3A_2277, %sub3A_2280 : i32
        %select_n3A_2282 = arith.select %gt3A_2279, %sub3A_2281, %convert_element_type3A_2277 : i32
        %sub3A_2283 = arith.constant 4 : i32
        %sub3A_2284 = arith.subi %select_n3A_2282, %sub3A_2283 : i32
        %jit3A_2285 = arith.constant 0 : i32
        %jit3A_2286 = arith.constant 54 : i32
        %max3A_2287 = arith.maxsi %jit3A_2285, %sub3A_2284 : i32
        %min3A_2288 = arith.minsi %jit3A_2286, %max3A_2287 : i32
        %mul3A_2289 = arith.constant 5.000000e-01 : f32
        %mul3A_2290 = arith.mulf %squeeze3A_2276, %mul3A_2289 : f32
        %convert_element_type3A_2291 = arith.fptosi %mul3A_2290 : f32 to i32
        %convert_element_type3A_2292 = arith.sitofp %convert_element_type3A_2291 : i32 to f32
        %gt3A_2293 = arith.cmpf ogt, %convert_element_type3A_2292, %mul3A_2290 : f32
        %sub3A_2294 = arith.constant 1 : i32
        %sub3A_2295 = arith.subi %convert_element_type3A_2291, %sub3A_2294 : i32
        %select_n3A_2296 = arith.select %gt3A_2293, %sub3A_2295, %convert_element_type3A_2291 : i32
        %sub3A_2297 = arith.constant 4 : i32
        %sub3A_2298 = arith.subi %select_n3A_2296, %sub3A_2297 : i32
        %jit3A_2299 = arith.constant 2 : i32
        %div3A_2300 = arith.divsi %sub3A_2298, %jit3A_2299 : i32
        %sign3A_2301 = arith.constant 0 : i32
        %sign3A_2302 = arith.cmpi sgt, %sub3A_2298, %sign3A_2301 : i32
        %sign3A_2303 = arith.extui %sign3A_2302 : i1 to i32
        %sign3A_2304 = arith.constant 0 : i32
        %sign3A_2305 = arith.cmpi slt, %sub3A_2298, %sign3A_2304 : i32
        %sign3A_2306 = arith.extui %sign3A_2305 : i1 to i32
        %sign3A_2307 = arith.subi %sign3A_2303, %sign3A_2306 : i32
        %sign3A_2308 = arith.constant 0 : i32
        %sign3A_2309 = arith.cmpi sgt, %jit3A_2299, %sign3A_2308 : i32
        %sign3A_2310 = arith.extui %sign3A_2309 : i1 to i32
        %sign3A_2311 = arith.constant 0 : i32
        %sign3A_2312 = arith.cmpi slt, %jit3A_2299, %sign3A_2311 : i32
        %sign3A_2313 = arith.extui %sign3A_2312 : i1 to i32
        %sign3A_2314 = arith.subi %sign3A_2310, %sign3A_2313 : i32
        %ne3A_2315 = arith.cmpi ne, %sign3A_2307, %sign3A_2314 : i32
        %rem3A_2316 = arith.remsi %sub3A_2298, %jit3A_2299 : i32
        %ne3A_2317 = arith.constant 0 : i32
        %ne3A_2318 = arith.cmpi ne, %rem3A_2316, %ne3A_2317 : i32
        %and3A_2319 = arith.andi %ne3A_2315, %ne3A_2318 : i1
        %sub3A_2320 = arith.constant 1 : i32
        %sub3A_2321 = arith.subi %div3A_2300, %sub3A_2320 : i32
        %select_n3A_2322 = arith.select %and3A_2319, %sub3A_2321, %div3A_2300 : i32
        %jit3A_2323 = arith.constant 0 : i32
        %jit3A_2324 = arith.constant 10 : i32
        %max3A_2325 = arith.maxsi %jit3A_2323, %select_n3A_2322 : i32
        %min3A_2326 = arith.minsi %jit3A_2324, %max3A_2325 : i32
        %add3A_2327 = arith.addi %mul3A_2, %select_n3A_135 : i32
        %mul3A_2328 = arith.constant 96 : i32
        %mul3A_2329 = arith.muli %add3A_2327, %mul3A_2328 : i32
        %add3A_2330 = arith.addi %mul3A_2329, %min3A_2288 : i32
        %mul3A_2331 = arith.constant 64 : i32
        %mul3A_2332 = arith.muli %add3A_2330, %mul3A_2331 : i32
        %dma_start3A_2333 = arith.constant 640 : i32
        %dma_start3A_2334 = tpu.memref_slice %arg6[%dma_start3A_2333] : memref<1280xf32, #tpu.memory_space<vmem>> -> memref<640xf32, #tpu.memory_space<vmem>>
        %dma_start3A_2335 = tpu.memref_slice %arg2[%mul3A_2332] : memref<25165824xf32, #tpu.memory_space<hbm>> -> memref<640xf32, #tpu.memory_space<hbm>>
        %dma_start3A_2336 = arith.constant 640 : i32
        %dma_start3A_2337 = tpu.memref_slice %arg6[%dma_start3A_2336] : memref<1280xf32, #tpu.memory_space<vmem>> -> memref<640xf32, #tpu.memory_space<vmem>>
        %dma_start3A_2338 = tpu.memref_slice %arg2[%mul3A_2332] : memref<25165824xf32, #tpu.memory_space<hbm>> -> memref<640xf32, #tpu.memory_space<hbm>>
        tpu.enqueue_dma source(%dma_start3A_2338 : memref<640xf32, #tpu.memory_space<hbm>>) target(%dma_start3A_2337 : memref<640xf32, #tpu.memory_space<vmem>>) target_semaphore(%arg13 : memref<!tpu.dma_semaphore, #tpu.memory_space<semaphore_mem>>)
        %add3A_2339 = arith.constant 64 : i32
        %add3A_2340 = arith.addi %mul3A_2329, %add3A_2339 : i32
        %add3A_2341 = arith.addi %add3A_2340, %min3A_2326 : i32
        %mul3A_2342 = arith.constant 64 : i32
        %mul3A_2343 = arith.muli %add3A_2341, %mul3A_2342 : i32
        %dma_start3A_2344 = arith.constant 384 : i32
        %dma_start3A_2345 = tpu.memref_slice %arg7[%dma_start3A_2344] : memref<768xf32, #tpu.memory_space<vmem>> -> memref<384xf32, #tpu.memory_space<vmem>>
        %dma_start3A_2346 = tpu.memref_slice %arg2[%mul3A_2343] : memref<25165824xf32, #tpu.memory_space<hbm>> -> memref<384xf32, #tpu.memory_space<hbm>>
        %dma_start3A_2347 = arith.constant 384 : i32
        %dma_start3A_2348 = tpu.memref_slice %arg7[%dma_start3A_2347] : memref<768xf32, #tpu.memory_space<vmem>> -> memref<384xf32, #tpu.memory_space<vmem>>
        %dma_start3A_2349 = tpu.memref_slice %arg2[%mul3A_2343] : memref<25165824xf32, #tpu.memory_space<hbm>> -> memref<384xf32, #tpu.memory_space<hbm>>
        tpu.enqueue_dma source(%dma_start3A_2349 : memref<384xf32, #tpu.memory_space<hbm>>) target(%dma_start3A_2348 : memref<384xf32, #tpu.memory_space<vmem>>) target_semaphore(%arg14 : memref<!tpu.dma_semaphore, #tpu.memory_space<semaphore_mem>>)
        %add3A_2350 = arith.constant 80 : i32
        %add3A_2351 = arith.addi %mul3A_2329, %add3A_2350 : i32
        %mul3A_2352 = arith.constant 64 : i32
        %mul3A_2353 = arith.muli %add3A_2351, %mul3A_2352 : i32
        %dma_start3A_2354 = arith.constant 320 : i32
        %dma_start3A_2355 = tpu.memref_slice %arg8[%dma_start3A_2354] : memref<640xf32, #tpu.memory_space<vmem>> -> memref<320xf32, #tpu.memory_space<vmem>>
        %dma_start3A_2356 = tpu.memref_slice %arg2[%mul3A_2353] : memref<25165824xf32, #tpu.memory_space<hbm>> -> memref<320xf32, #tpu.memory_space<hbm>>
        %dma_start3A_2357 = arith.constant 320 : i32
        %dma_start3A_2358 = tpu.memref_slice %arg8[%dma_start3A_2357] : memref<640xf32, #tpu.memory_space<vmem>> -> memref<320xf32, #tpu.memory_space<vmem>>
        %dma_start3A_2359 = tpu.memref_slice %arg2[%mul3A_2353] : memref<25165824xf32, #tpu.memory_space<hbm>> -> memref<320xf32, #tpu.memory_space<hbm>>
        tpu.enqueue_dma source(%dma_start3A_2359 : memref<320xf32, #tpu.memory_space<hbm>>) target(%dma_start3A_2358 : memref<320xf32, #tpu.memory_space<vmem>>) target_semaphore(%arg15 : memref<!tpu.dma_semaphore, #tpu.memory_space<semaphore_mem>>)
        %dma_wait3A_2360 = arith.constant 0 : i32
        %dma_wait3A_2361 = tpu.memref_slice %arg6[%dma_wait3A_2360] : memref<1280xf32, #tpu.memory_space<vmem>> -> memref<640xf32, #tpu.memory_space<vmem>>
        %dma_wait3A_2362 = arith.constant 0 : i32
        %dma_wait3A_2363 = tpu.memref_slice %arg2[%dma_wait3A_2362] : memref<25165824xf32, #tpu.memory_space<hbm>> -> memref<640xf32, #tpu.memory_space<hbm>>
        %dma_wait3A_2364 = arith.constant 0 : i32
        %dma_wait3A_2365 = tpu.memref_slice %arg6[%dma_wait3A_2364] : memref<1280xf32, #tpu.memory_space<vmem>> -> memref<640xf32, #tpu.memory_space<vmem>>
        %dma_wait3A_2366 = arith.constant 0 : i32
        %dma_wait3A_2367 = tpu.memref_slice %arg2[%dma_wait3A_2366] : memref<25165824xf32, #tpu.memory_space<hbm>> -> memref<640xf32, #tpu.memory_space<hbm>>
        tpu.wait_dma2 semaphore(%arg10 : memref<!tpu.dma_semaphore, #tpu.memory_space<semaphore_mem>>) src(%dma_wait3A_2367 : memref<640xf32, #tpu.memory_space<hbm>>) dst(%dma_wait3A_2365 : memref<640xf32, #tpu.memory_space<vmem>>)
        %dma_wait3A_2368 = arith.constant 0 : i32
        %dma_wait3A_2369 = tpu.memref_slice %arg7[%dma_wait3A_2368] : memref<768xf32, #tpu.memory_space<vmem>> -> memref<384xf32, #tpu.memory_space<vmem>>
        %dma_wait3A_2370 = arith.constant 0 : i32
        %dma_wait3A_2371 = tpu.memref_slice %arg2[%dma_wait3A_2370] : memref<25165824xf32, #tpu.memory_space<hbm>> -> memref<384xf32, #tpu.memory_space<hbm>>
        %dma_wait3A_2372 = arith.constant 0 : i32
        %dma_wait3A_2373 = tpu.memref_slice %arg7[%dma_wait3A_2372] : memref<768xf32, #tpu.memory_space<vmem>> -> memref<384xf32, #tpu.memory_space<vmem>>
        %dma_wait3A_2374 = arith.constant 0 : i32
        %dma_wait3A_2375 = tpu.memref_slice %arg2[%dma_wait3A_2374] : memref<25165824xf32, #tpu.memory_space<hbm>> -> memref<384xf32, #tpu.memory_space<hbm>>
        tpu.wait_dma2 semaphore(%arg11 : memref<!tpu.dma_semaphore, #tpu.memory_space<semaphore_mem>>) src(%dma_wait3A_2375 : memref<384xf32, #tpu.memory_space<hbm>>) dst(%dma_wait3A_2373 : memref<384xf32, #tpu.memory_space<vmem>>)
        %dma_wait3A_2376 = arith.constant 0 : i32
        %dma_wait3A_2377 = tpu.memref_slice %arg8[%dma_wait3A_2376] : memref<640xf32, #tpu.memory_space<vmem>> -> memref<320xf32, #tpu.memory_space<vmem>>
        %dma_wait3A_2378 = arith.constant 0 : i32
        %dma_wait3A_2379 = tpu.memref_slice %arg2[%dma_wait3A_2378] : memref<25165824xf32, #tpu.memory_space<hbm>> -> memref<320xf32, #tpu.memory_space<hbm>>
        %dma_wait3A_2380 = arith.constant 0 : i32
        %dma_wait3A_2381 = tpu.memref_slice %arg8[%dma_wait3A_2380] : memref<640xf32, #tpu.memory_space<vmem>> -> memref<320xf32, #tpu.memory_space<vmem>>
        %dma_wait3A_2382 = arith.constant 0 : i32
        %dma_wait3A_2383 = tpu.memref_slice %arg2[%dma_wait3A_2382] : memref<25165824xf32, #tpu.memory_space<hbm>> -> memref<320xf32, #tpu.memory_space<hbm>>
        tpu.wait_dma2 semaphore(%arg12 : memref<!tpu.dma_semaphore, #tpu.memory_space<semaphore_mem>>) src(%dma_wait3A_2383 : memref<320xf32, #tpu.memory_space<hbm>>) dst(%dma_wait3A_2381 : memref<320xf32, #tpu.memory_space<vmem>>)
      } else {
      }
      %eq3A_139 = arith.constant 1 : i32
      %eq3A_140 = arith.cmpi eq, %and3A_127, %eq3A_139 : i32
      %convert_element_type3A_141 = arith.extui %eq3A_140 : i1 to i32
      %cond3A_142 = arith.constant 0 : i32
      %cond3A_143 = arith.cmpi ne, %convert_element_type3A_141, %cond3A_142 : i32
      scf.if %cond3A_143 {
        %mul3A_2269 = arith.constant 2 : i32
        %mul3A_2270 = arith.muli %mul3A_2269, %select_n3A_135 : i32
        %get3A_2271 = arith.index_cast %mul3A_2270 : i32 to index
        %get3A_2272 = tpu.vector_load %arg5[%get3A_2271] {strides = array<i32>} : memref<272xf32, #tpu.memory_space<vmem>>, vector<16xf32>,
        %slice3A_2273 = vector.extract_strided_slice %get3A_2272 {offsets = [0], sizes = [1], strides = [1]} : vector<16xf32> to vector<1xf32>
        %squeeze3A_2274 = vector.extract %slice3A_2273[0] : f32 from vector<1xf32>
        %slice3A_2275 = vector.extract_strided_slice %get3A_2272 {offsets = [1], sizes = [1], strides = [1]} : vector<16xf32> to vector<1xf32>
        %squeeze3A_2276 = vector.extract %slice3A_2275[0] : f32 from vector<1xf32>
        %convert_element_type3A_2277 = arith.fptosi %squeeze3A_2276 : f32 to i32
        %convert_element_type3A_2278 = arith.sitofp %convert_element_type3A_2277 : i32 to f32
        %gt3A_2279 = arith.cmpf ogt, %convert_element_type3A_2278, %squeeze3A_2276 : f32
        %sub3A_2280 = arith.constant 1 : i32
        %sub3A_2281 = arith.subi %convert_element_type3A_2277, %sub3A_2280 : i32
        %select_n3A_2282 = arith.select %gt3A_2279, %sub3A_2281, %convert_element_type3A_2277 : i32
        %sub3A_2283 = arith.constant 4 : i32
        %sub3A_2284 = arith.subi %select_n3A_2282, %sub3A_2283 : i32
        %jit3A_2285 = arith.constant 0 : i32
        %jit3A_2286 = arith.constant 54 : i32
        %max3A_2287 = arith.maxsi %jit3A_2285, %sub3A_2284 : i32
        %min3A_2288 = arith.minsi %jit3A_2286, %max3A_2287 : i32
        %mul3A_2289 = arith.constant 5.000000e-01 : f32
        %mul3A_2290 = arith.mulf %squeeze3A_2276, %mul3A_2289 : f32
        %convert_element_type3A_2291 = arith.fptosi %mul3A_2290 : f32 to i32
        %convert_element_type3A_2292 = arith.sitofp %convert_element_type3A_2291 : i32 to f32
        %gt3A_2293 = arith.cmpf ogt, %convert_element_type3A_2292, %mul3A_2290 : f32
        %sub3A_2294 = arith.constant 1 : i32
        %sub3A_2295 = arith.subi %convert_element_type3A_2291, %sub3A_2294 : i32
        %select_n3A_2296 = arith.select %gt3A_2293, %sub3A_2295, %convert_element_type3A_2291 : i32
        %sub3A_2297 = arith.constant 4 : i32
        %sub3A_2298 = arith.subi %select_n3A_2296, %sub3A_2297 : i32
        %jit3A_2299 = arith.constant 2 : i32
        %div3A_2300 = arith.divsi %sub3A_2298, %jit3A_2299 : i32
        %sign3A_2301 = arith.constant 0 : i32
        %sign3A_2302 = arith.cmpi sgt, %sub3A_2298, %sign3A_2301 : i32
        %sign3A_2303 = arith.extui %sign3A_2302 : i1 to i32
        %sign3A_2304 = arith.constant 0 : i32
        %sign3A_2305 = arith.cmpi slt, %sub3A_2298, %sign3A_2304 : i32
        %sign3A_2306 = arith.extui %sign3A_2305 : i1 to i32
        %sign3A_2307 = arith.subi %sign3A_2303, %sign3A_2306 : i32
        %sign3A_2308 = arith.constant 0 : i32
        %sign3A_2309 = arith.cmpi sgt, %jit3A_2299, %sign3A_2308 : i32
        %sign3A_2310 = arith.extui %sign3A_2309 : i1 to i32
        %sign3A_2311 = arith.constant 0 : i32
        %sign3A_2312 = arith.cmpi slt, %jit3A_2299, %sign3A_2311 : i32
        %sign3A_2313 = arith.extui %sign3A_2312 : i1 to i32
        %sign3A_2314 = arith.subi %sign3A_2310, %sign3A_2313 : i32
        %ne3A_2315 = arith.cmpi ne, %sign3A_2307, %sign3A_2314 : i32
        %rem3A_2316 = arith.remsi %sub3A_2298, %jit3A_2299 : i32
        %ne3A_2317 = arith.constant 0 : i32
        %ne3A_2318 = arith.cmpi ne, %rem3A_2316, %ne3A_2317 : i32
        %and3A_2319 = arith.andi %ne3A_2315, %ne3A_2318 : i1
        %sub3A_2320 = arith.constant 1 : i32
        %sub3A_2321 = arith.subi %div3A_2300, %sub3A_2320 : i32
        %select_n3A_2322 = arith.select %and3A_2319, %sub3A_2321, %div3A_2300 : i32
        %jit3A_2323 = arith.constant 0 : i32
        %jit3A_2324 = arith.constant 10 : i32
        %max3A_2325 = arith.maxsi %jit3A_2323, %select_n3A_2322 : i32
        %min3A_2326 = arith.minsi %jit3A_2324, %max3A_2325 : i32
        %add3A_2327 = arith.addi %mul3A_2, %select_n3A_135 : i32
        %mul3A_2328 = arith.constant 96 : i32
        %mul3A_2329 = arith.muli %add3A_2327, %mul3A_2328 : i32
        %add3A_2330 = arith.addi %mul3A_2329, %min3A_2288 : i32
        %mul3A_2331 = arith.constant 64 : i32
        %mul3A_2332 = arith.muli %add3A_2330, %mul3A_2331 : i32
        %dma_start3A_2333 = arith.constant 0 : i32
        %dma_start3A_2334 = tpu.memref_slice %arg6[%dma_start3A_2333] : memref<1280xf32, #tpu.memory_space<vmem>> -> memref<640xf32, #tpu.memory_space<vmem>>
        %dma_start3A_2335 = tpu.memref_slice %arg2[%mul3A_2332] : memref<25165824xf32, #tpu.memory_space<hbm>> -> memref<640xf32, #tpu.memory_space<hbm>>
        %dma_start3A_2336 = arith.constant 0 : i32
        %dma_start3A_2337 = tpu.memref_slice %arg6[%dma_start3A_2336] : memref<1280xf32, #tpu.memory_space<vmem>> -> memref<640xf32, #tpu.memory_space<vmem>>
        %dma_start3A_2338 = tpu.memref_slice %arg2[%mul3A_2332] : memref<25165824xf32, #tpu.memory_space<hbm>> -> memref<640xf32, #tpu.memory_space<hbm>>
        tpu.enqueue_dma source(%dma_start3A_2338 : memref<640xf32, #tpu.memory_space<hbm>>) target(%dma_start3A_2337 : memref<640xf32, #tpu.memory_space<vmem>>) target_semaphore(%arg10 : memref<!tpu.dma_semaphore, #tpu.memory_space<semaphore_mem>>)
        %add3A_2339 = arith.constant 64 : i32
        %add3A_2340 = arith.addi %mul3A_2329, %add3A_2339 : i32
        %add3A_2341 = arith.addi %add3A_2340, %min3A_2326 : i32
        %mul3A_2342 = arith.constant 64 : i32
        %mul3A_2343 = arith.muli %add3A_2341, %mul3A_2342 : i32
        %dma_start3A_2344 = arith.constant 0 : i32
        %dma_start3A_2345 = tpu.memref_slice %arg7[%dma_start3A_2344] : memref<768xf32, #tpu.memory_space<vmem>> -> memref<384xf32, #tpu.memory_space<vmem>>
        %dma_start3A_2346 = tpu.memref_slice %arg2[%mul3A_2343] : memref<25165824xf32, #tpu.memory_space<hbm>> -> memref<384xf32, #tpu.memory_space<hbm>>
        %dma_start3A_2347 = arith.constant 0 : i32
        %dma_start3A_2348 = tpu.memref_slice %arg7[%dma_start3A_2347] : memref<768xf32, #tpu.memory_space<vmem>> -> memref<384xf32, #tpu.memory_space<vmem>>
        %dma_start3A_2349 = tpu.memref_slice %arg2[%mul3A_2343] : memref<25165824xf32, #tpu.memory_space<hbm>> -> memref<384xf32, #tpu.memory_space<hbm>>
        tpu.enqueue_dma source(%dma_start3A_2349 : memref<384xf32, #tpu.memory_space<hbm>>) target(%dma_start3A_2348 : memref<384xf32, #tpu.memory_space<vmem>>) target_semaphore(%arg11 : memref<!tpu.dma_semaphore, #tpu.memory_space<semaphore_mem>>)
        %add3A_2350 = arith.constant 80 : i32
        %add3A_2351 = arith.addi %mul3A_2329, %add3A_2350 : i32
        %mul3A_2352 = arith.constant 64 : i32
        %mul3A_2353 = arith.muli %add3A_2351, %mul3A_2352 : i32
        %dma_start3A_2354 = arith.constant 0 : i32
        %dma_start3A_2355 = tpu.memref_slice %arg8[%dma_start3A_2354] : memref<640xf32, #tpu.memory_space<vmem>> -> memref<320xf32, #tpu.memory_space<vmem>>
        %dma_start3A_2356 = tpu.memref_slice %arg2[%mul3A_2353] : memref<25165824xf32, #tpu.memory_space<hbm>> -> memref<320xf32, #tpu.memory_space<hbm>>
        %dma_start3A_2357 = arith.constant 0 : i32
        %dma_start3A_2358 = tpu.memref_slice %arg8[%dma_start3A_2357] : memref<640xf32, #tpu.memory_space<vmem>> -> memref<320xf32, #tpu.memory_space<vmem>>
        %dma_start3A_2359 = tpu.memref_slice %arg2[%mul3A_2353] : memref<25165824xf32, #tpu.memory_space<hbm>> -> memref<320xf32, #tpu.memory_space<hbm>>
        tpu.enqueue_dma source(%dma_start3A_2359 : memref<320xf32, #tpu.memory_space<hbm>>) target(%dma_start3A_2358 : memref<320xf32, #tpu.memory_space<vmem>>) target_semaphore(%arg12 : memref<!tpu.dma_semaphore, #tpu.memory_space<semaphore_mem>>)
        %dma_wait3A_2360 = arith.constant 640 : i32
        %dma_wait3A_2361 = tpu.memref_slice %arg6[%dma_wait3A_2360] : memref<1280xf32, #tpu.memory_space<vmem>> -> memref<640xf32, #tpu.memory_space<vmem>>
        %dma_wait3A_2362 = arith.constant 0 : i32
        %dma_wait3A_2363 = tpu.memref_slice %arg2[%dma_wait3A_2362] : memref<25165824xf32, #tpu.memory_space<hbm>> -> memref<640xf32, #tpu.memory_space<hbm>>
        %dma_wait3A_2364 = arith.constant 640 : i32
        %dma_wait3A_2365 = tpu.memref_slice %arg6[%dma_wait3A_2364] : memref<1280xf32, #tpu.memory_space<vmem>> -> memref<640xf32, #tpu.memory_space<vmem>>
        %dma_wait3A_2366 = arith.constant 0 : i32
        %dma_wait3A_2367 = tpu.memref_slice %arg2[%dma_wait3A_2366] : memref<25165824xf32, #tpu.memory_space<hbm>> -> memref<640xf32, #tpu.memory_space<hbm>>
        tpu.wait_dma2 semaphore(%arg13 : memref<!tpu.dma_semaphore, #tpu.memory_space<semaphore_mem>>) src(%dma_wait3A_2367 : memref<640xf32, #tpu.memory_space<hbm>>) dst(%dma_wait3A_2365 : memref<640xf32, #tpu.memory_space<vmem>>)
        %dma_wait3A_2368 = arith.constant 384 : i32
        %dma_wait3A_2369 = tpu.memref_slice %arg7[%dma_wait3A_2368] : memref<768xf32, #tpu.memory_space<vmem>> -> memref<384xf32, #tpu.memory_space<vmem>>
        %dma_wait3A_2370 = arith.constant 0 : i32
        %dma_wait3A_2371 = tpu.memref_slice %arg2[%dma_wait3A_2370] : memref<25165824xf32, #tpu.memory_space<hbm>> -> memref<384xf32, #tpu.memory_space<hbm>>
        %dma_wait3A_2372 = arith.constant 384 : i32
        %dma_wait3A_2373 = tpu.memref_slice %arg7[%dma_wait3A_2372] : memref<768xf32, #tpu.memory_space<vmem>> -> memref<384xf32, #tpu.memory_space<vmem>>
        %dma_wait3A_2374 = arith.constant 0 : i32
        %dma_wait3A_2375 = tpu.memref_slice %arg2[%dma_wait3A_2374] : memref<25165824xf32, #tpu.memory_space<hbm>> -> memref<384xf32, #tpu.memory_space<hbm>>
        tpu.wait_dma2 semaphore(%arg14 : memref<!tpu.dma_semaphore, #tpu.memory_space<semaphore_mem>>) src(%dma_wait3A_2375 : memref<384xf32, #tpu.memory_space<hbm>>) dst(%dma_wait3A_2373 : memref<384xf32, #tpu.memory_space<vmem>>)
        %dma_wait3A_2376 = arith.constant 320 : i32
        %dma_wait3A_2377 = tpu.memref_slice %arg8[%dma_wait3A_2376] : memref<640xf32, #tpu.memory_space<vmem>> -> memref<320xf32, #tpu.memory_space<vmem>>
        %dma_wait3A_2378 = arith.constant 0 : i32
        %dma_wait3A_2379 = tpu.memref_slice %arg2[%dma_wait3A_2378] : memref<25165824xf32, #tpu.memory_space<hbm>> -> memref<320xf32, #tpu.memory_space<hbm>>
        %dma_wait3A_2380 = arith.constant 320 : i32
        %dma_wait3A_2381 = tpu.memref_slice %arg8[%dma_wait3A_2380] : memref<640xf32, #tpu.memory_space<vmem>> -> memref<320xf32, #tpu.memory_space<vmem>>
        %dma_wait3A_2382 = arith.constant 0 : i32
        %dma_wait3A_2383 = tpu.memref_slice %arg2[%dma_wait3A_2382] : memref<25165824xf32, #tpu.memory_space<hbm>> -> memref<320xf32, #tpu.memory_space<hbm>>
        tpu.wait_dma2 semaphore(%arg15 : memref<!tpu.dma_semaphore, #tpu.memory_space<semaphore_mem>>) src(%dma_wait3A_2383 : memref<320xf32, #tpu.memory_space<hbm>>) dst(%dma_wait3A_2381 : memref<320xf32, #tpu.memory_space<vmem>>)
      } else {
      }
      %mul3A_144 = arith.constant 2 : i32
      %mul3A_145 = arith.muli %mul3A_144, %scan3A_123 : i32
      %get3A_146 = arith.index_cast %mul3A_145 : i32 to index
      %get3A_147 = tpu.vector_load %arg5[%get3A_146] {strides = array<i32>} : memref<272xf32, #tpu.memory_space<vmem>>, vector<16xf32>,
      %slice3A_148 = vector.extract_strided_slice %get3A_147 {offsets = [0], sizes = [1], strides = [1]} : vector<16xf32> to vector<1xf32>
      %squeeze3A_149 = vector.extract %slice3A_148[0] : f32 from vector<1xf32>
      %slice3A_150 = vector.extract_strided_slice %get3A_147 {offsets = [1], sizes = [1], strides = [1]} : vector<16xf32> to vector<1xf32>
      %squeeze3A_151 = vector.extract %slice3A_150[0] : f32 from vector<1xf32>
      %convert_element_type3A_152 = arith.fptosi %squeeze3A_151 : f32 to i32
      %convert_element_type3A_153 = arith.sitofp %convert_element_type3A_152 : i32 to f32
      %gt3A_154 = arith.cmpf ogt, %convert_element_type3A_153, %squeeze3A_151 : f32
      %sub3A_155 = arith.constant 1 : i32
      %sub3A_156 = arith.subi %convert_element_type3A_152, %sub3A_155 : i32
      %select_n3A_157 = arith.select %gt3A_154, %sub3A_156, %convert_element_type3A_152 : i32
      %sub3A_158 = arith.constant 4 : i32
      %sub3A_159 = arith.subi %select_n3A_157, %sub3A_158 : i32
      %jit3A_160 = arith.constant 0 : i32
      %jit3A_161 = arith.constant 54 : i32
      %max3A_162 = arith.maxsi %jit3A_160, %sub3A_159 : i32
      %min3A_163 = arith.minsi %jit3A_161, %max3A_162 : i32
      %mul3A_164 = arith.constant 5.000000e-01 : f32
      %mul3A_165 = arith.mulf %squeeze3A_151, %mul3A_164 : f32
      %convert_element_type3A_166 = arith.fptosi %mul3A_165 : f32 to i32
      %convert_element_type3A_167 = arith.sitofp %convert_element_type3A_166 : i32 to f32
      %gt3A_168 = arith.cmpf ogt, %convert_element_type3A_167, %mul3A_165 : f32
      %sub3A_169 = arith.constant 1 : i32
      %sub3A_170 = arith.subi %convert_element_type3A_166, %sub3A_169 : i32
      %select_n3A_171 = arith.select %gt3A_168, %sub3A_170, %convert_element_type3A_166 : i32
      %sub3A_172 = arith.constant 4 : i32
      %sub3A_173 = arith.subi %select_n3A_171, %sub3A_172 : i32
      %jit3A_174 = arith.constant 2 : i32
      %div3A_175 = arith.divsi %sub3A_173, %jit3A_174 : i32
      %sign3A_176 = arith.constant 0 : i32
      %sign3A_177 = arith.cmpi sgt, %sub3A_173, %sign3A_176 : i32
      %sign3A_178 = arith.extui %sign3A_177 : i1 to i32
      %sign3A_179 = arith.constant 0 : i32
      %sign3A_180 = arith.cmpi slt, %sub3A_173, %sign3A_179 : i32
      %sign3A_181 = arith.extui %sign3A_180 : i1 to i32
      %sign3A_182 = arith.subi %sign3A_178, %sign3A_181 : i32
      %sign3A_183 = arith.constant 0 : i32
      %sign3A_184 = arith.cmpi sgt, %jit3A_174, %sign3A_183 : i32
      %sign3A_185 = arith.extui %sign3A_184 : i1 to i32
      %sign3A_186 = arith.constant 0 : i32
      %sign3A_187 = arith.cmpi slt, %jit3A_174, %sign3A_186 : i32
      %sign3A_188 = arith.extui %sign3A_187 : i1 to i32
      %sign3A_189 = arith.subi %sign3A_185, %sign3A_188 : i32
      %ne3A_190 = arith.cmpi ne, %sign3A_182, %sign3A_189 : i32
      %rem3A_191 = arith.remsi %sub3A_173, %jit3A_174 : i32
      %ne3A_192 = arith.constant 0 : i32
      %ne3A_193 = arith.cmpi ne, %rem3A_191, %ne3A_192 : i32
      %and3A_194 = arith.andi %ne3A_190, %ne3A_193 : i1
      %sub3A_195 = arith.constant 1 : i32
      %sub3A_196 = arith.subi %div3A_175, %sub3A_195 : i32
      %select_n3A_197 = arith.select %and3A_194, %sub3A_196, %div3A_175 : i32
      %jit3A_198 = arith.constant 0 : i32
      %jit3A_199 = arith.constant 10 : i32
      %max3A_200 = arith.maxsi %jit3A_198, %select_n3A_197 : i32
      %min3A_201 = arith.minsi %jit3A_199, %max3A_200 : i32
      %mul3A_202 = arith.constant 640 : i32
      %mul3A_203 = arith.muli %and3A_127, %mul3A_202 : i32
      %mul3A_204 = arith.constant 384 : i32
      %mul3A_205 = arith.muli %and3A_127, %mul3A_204 : i32
      %mul3A_206 = arith.constant 320 : i32
      %mul3A_207 = arith.muli %and3A_127, %mul3A_206 : i32
      %mul3A_208 = arith.constant 336 : i32
      %mul3A_209 = arith.muli %and3A_127, %mul3A_208 : i32
      %mul3A_210 = arith.constant 1.000000e+00 : f32
      %mul3A_211 = arith.mulf %squeeze3A_149, %mul3A_210 : f32
      %mul3A_212 = arith.constant 1.000000e+00 : f32
      %mul3A_213 = arith.mulf %squeeze3A_151, %mul3A_212 : f32
      %convert_element_type3A_214 = arith.fptosi %mul3A_211 : f32 to i32
      %convert_element_type3A_215 = arith.sitofp %convert_element_type3A_214 : i32 to f32
      %gt3A_216 = arith.cmpf ogt, %convert_element_type3A_215, %mul3A_211 : f32
      %sub3A_217 = arith.constant 1 : i32
      %sub3A_218 = arith.subi %convert_element_type3A_214, %sub3A_217 : i32
      %select_n3A_219 = arith.select %gt3A_216, %sub3A_218, %convert_element_type3A_214 : i32
      %convert_element_type3A_220 = arith.sitofp %select_n3A_219 : i32 to f32
      %sub3A_221 = arith.subf %mul3A_211, %convert_element_type3A_220 : f32
      %convert_element_type3A_222 = arith.fptosi %mul3A_213 : f32 to i32
      %convert_element_type3A_223 = arith.sitofp %convert_element_type3A_222 : i32 to f32
      %gt3A_224 = arith.cmpf ogt, %convert_element_type3A_223, %mul3A_213 : f32
      %sub3A_225 = arith.constant 1 : i32
      %sub3A_226 = arith.subi %convert_element_type3A_222, %sub3A_225 : i32
      %select_n3A_227 = arith.select %gt3A_224, %sub3A_226, %convert_element_type3A_222 : i32
      %convert_element_type3A_228 = arith.sitofp %select_n3A_227 : i32 to f32
      %sub3A_229 = arith.subf %mul3A_213, %convert_element_type3A_228 : f32
      %sub3A_230 = arith.constant 4 : i32
      %sub3A_231 = arith.subi %select_n3A_219, %sub3A_230 : i32
      %sub3A_232 = arith.constant 4 : i32
      %sub3A_233 = arith.subi %select_n3A_227, %sub3A_232 : i32
      %broadcast_in_dim3A = arith.constant 1.000000e+00 : f32
      %broadcast_in_dim3A_234 = vector.broadcast %broadcast_in_dim3A : f32 to vector<16xf32>
      %broadcast_in_dim3A_235 = arith.constant 0.000000e+00 : f32
      %broadcast_in_dim3A_236 = vector.broadcast %broadcast_in_dim3A_235 : f32 to vector<16xf32>
      %broadcast_in_dim3A_237 = vector.broadcast %sub3A_231 : i32 to vector<16xi32>
      %add3A_238 = arith.addi %broadcast_in_dim3A_237, %iota3A : vector<16xi32>
      %add3A_239 = arith.constant 1 : i32
      %add3A_240 = vector.broadcast %add3A_239 : i32 to vector<16xi32>
      %add3A_241 = arith.addi %add3A_238, %add3A_240 : vector<16xi32>
      %ge3A = arith.constant 0 : i32
      %ge3A_242 = vector.broadcast %ge3A : i32 to vector<16xi32>
      %ge3A_243 = arith.cmpi sge, %add3A_238, %ge3A_242 : vector<16xi32>
      %le3A = arith.constant 63 : i32
      %le3A_244 = vector.broadcast %le3A : i32 to vector<16xi32>
      %le3A_245 = arith.cmpi sle, %add3A_238, %le3A_244 : vector<16xi32>
      %and3A_246 = arith.andi %ge3A_243, %le3A_245 : vector<16xi1>
      %select_n3A_247 = arith.select %and3A_246, %broadcast_in_dim3A_234, %broadcast_in_dim3A_236 : vector<16xi1>, vector<16xf32>
      %ge3A_248 = arith.constant 0 : i32
      %ge3A_249 = vector.broadcast %ge3A_248 : i32 to vector<16xi32>
      %ge3A_250 = arith.cmpi sge, %add3A_241, %ge3A_249 : vector<16xi32>
      %le3A_251 = arith.constant 63 : i32
      %le3A_252 = vector.broadcast %le3A_251 : i32 to vector<16xi32>
      %le3A_253 = arith.cmpi sle, %add3A_241, %le3A_252 : vector<16xi32>
      %and3A_254 = arith.andi %ge3A_250, %le3A_253 : vector<16xi1>
      %select_n3A_255 = arith.select %and3A_254, %broadcast_in_dim3A_234, %broadcast_in_dim3A_236 : vector<16xi1>, vector<16xf32>
      %jit3A_256 = arith.constant 0 : i32
      %jit3A_257 = arith.constant 63 : i32
      %max3A_258 = vector.broadcast %jit3A_256 : i32 to vector<16xi32>
      %max3A_259 = arith.maxsi %max3A_258, %add3A_238 : vector<16xi32>
      %min3A_260 = vector.broadcast %jit3A_257 : i32 to vector<16xi32>
      %min3A_261 = arith.minsi %min3A_260, %max3A_259 : vector<16xi32>
      %jit3A_262 = arith.constant 0 : i32
      %jit3A_263 = arith.constant 63 : i32
      %max3A_264 = vector.broadcast %jit3A_262 : i32 to vector<16xi32>
      %max3A_265 = arith.maxsi %max3A_264, %add3A_241 : vector<16xi32>
      %min3A_266 = vector.broadcast %jit3A_263 : i32 to vector<16xi32>
      %min3A_267 = arith.minsi %min3A_266, %max3A_265 : vector<16xi32>
      %sub3A_268 = arith.constant 1.000000e+00 : f32
      %sub3A_269 = arith.subf %sub3A_268, %sub3A_221 : f32
      %broadcast_in_dim3A_270 = vector.broadcast %sub3A_269 : f32 to vector<16xf32>
      %mul3A_271 = arith.mulf %broadcast_in_dim3A_270, %select_n3A_247 : vector<16xf32>
      %broadcast_in_dim3A_272 = vector.broadcast %sub3A_221 : f32 to vector<16xf32>
      %mul3A_273 = arith.mulf %broadcast_in_dim3A_272, %select_n3A_255 : vector<16xf32>
      %add3A_274 = arith.constant 0 : i32
      %add3A_275 = arith.addi %sub3A_233, %add3A_274 : i32
      %jit3A_276 = arith.constant 0 : i32
      %jit3A_277 = arith.constant 63 : i32
      %max3A_278 = arith.maxsi %jit3A_276, %add3A_275 : i32
      %min3A_279 = arith.minsi %jit3A_277, %max3A_278 : i32
      %sub3A_280 = arith.subi %min3A_279, %min3A_163 : i32
      %mul3A_281 = arith.constant 64 : i32
      %mul3A_282 = arith.muli %sub3A_280, %mul3A_281 : i32
      %add3A_283 = arith.addi %mul3A_203, %mul3A_282 : i32
      %broadcast_in_dim3A_284 = vector.broadcast %add3A_283 : i32 to vector<16xi32>
      %add3A_285 = arith.addi %broadcast_in_dim3A_284, %min3A_261 : vector<16xi32>
      %gather3A = tpu.vector_load_idx %arg6[%add3A_285] : memref<1280xf32, #tpu.memory_space<vmem>>[vector<16xi32>], vector<16xf32>,
      %add3A_286 = arith.addi %broadcast_in_dim3A_284, %min3A_267 : vector<16xi32>
      %gather3A_287 = tpu.vector_load_idx %arg6[%add3A_286] : memref<1280xf32, #tpu.memory_space<vmem>>[vector<16xi32>], vector<16xf32>,
      %mul3A_288 = arith.mulf %mul3A_271, %gather3A : vector<16xf32>
      %mul3A_289 = arith.mulf %mul3A_273, %gather3A_287 : vector<16xf32>
      %add3A_290 = arith.addf %mul3A_288, %mul3A_289 : vector<16xf32>
      %add3A_291 = arith.constant 1 : i32
      %add3A_292 = arith.addi %sub3A_233, %add3A_291 : i32
      %jit3A_293 = arith.constant 0 : i32
      %jit3A_294 = arith.constant 63 : i32
      %max3A_295 = arith.maxsi %jit3A_293, %add3A_292 : i32
      %min3A_296 = arith.minsi %jit3A_294, %max3A_295 : i32
      %sub3A_297 = arith.subi %min3A_296, %min3A_163 : i32
      %mul3A_298 = arith.constant 64 : i32
      %mul3A_299 = arith.muli %sub3A_297, %mul3A_298 : i32
      %add3A_300 = arith.addi %mul3A_203, %mul3A_299 : i32
      %broadcast_in_dim3A_301 = vector.broadcast %add3A_300 : i32 to vector<16xi32>
      %add3A_302 = arith.addi %broadcast_in_dim3A_301, %min3A_261 : vector<16xi32>
      %gather3A_303 = tpu.vector_load_idx %arg6[%add3A_302] : memref<1280xf32, #tpu.memory_space<vmem>>[vector<16xi32>], vector<16xf32>,
      %add3A_304 = arith.addi %broadcast_in_dim3A_301, %min3A_267 : vector<16xi32>
      %gather3A_305 = tpu.vector_load_idx %arg6[%add3A_304] : memref<1280xf32, #tpu.memory_space<vmem>>[vector<16xi32>], vector<16xf32>,
      %mul3A_306 = arith.mulf %mul3A_271, %gather3A_303 : vector<16xf32>
      %mul3A_307 = arith.mulf %mul3A_273, %gather3A_305 : vector<16xf32>
      %add3A_308 = arith.addf %mul3A_306, %mul3A_307 : vector<16xf32>
      %add3A_309 = arith.constant 2 : i32
      %add3A_310 = arith.addi %sub3A_233, %add3A_309 : i32
      %jit3A_311 = arith.constant 0 : i32
      %jit3A_312 = arith.constant 63 : i32
      %max3A_313 = arith.maxsi %jit3A_311, %add3A_310 : i32
      %min3A_314 = arith.minsi %jit3A_312, %max3A_313 : i32
      %sub3A_315 = arith.subi %min3A_314, %min3A_163 : i32
      %mul3A_316 = arith.constant 64 : i32
      %mul3A_317 = arith.muli %sub3A_315, %mul3A_316 : i32
      %add3A_318 = arith.addi %mul3A_203, %mul3A_317 : i32
      %broadcast_in_dim3A_319 = vector.broadcast %add3A_318 : i32 to vector<16xi32>
      %add3A_320 = arith.addi %broadcast_in_dim3A_319, %min3A_261 : vector<16xi32>
      %gather3A_321 = tpu.vector_load_idx %arg6[%add3A_320] : memref<1280xf32, #tpu.memory_space<vmem>>[vector<16xi32>], vector<16xf32>,
      %add3A_322 = arith.addi %broadcast_in_dim3A_319, %min3A_267 : vector<16xi32>
      %gather3A_323 = tpu.vector_load_idx %arg6[%add3A_322] : memref<1280xf32, #tpu.memory_space<vmem>>[vector<16xi32>], vector<16xf32>,
      %mul3A_324 = arith.mulf %mul3A_271, %gather3A_321 : vector<16xf32>
      %mul3A_325 = arith.mulf %mul3A_273, %gather3A_323 : vector<16xf32>
      %add3A_326 = arith.addf %mul3A_324, %mul3A_325 : vector<16xf32>
      %add3A_327 = arith.constant 3 : i32
      %add3A_328 = arith.addi %sub3A_233, %add3A_327 : i32
      %jit3A_329 = arith.constant 0 : i32
      %jit3A_330 = arith.constant 63 : i32
      %max3A_331 = arith.maxsi %jit3A_329, %add3A_328 : i32
      %min3A_332 = arith.minsi %jit3A_330, %max3A_331 : i32
      %sub3A_333 = arith.subi %min3A_332, %min3A_163 : i32
      %mul3A_334 = arith.constant 64 : i32
      %mul3A_335 = arith.muli %sub3A_333, %mul3A_334 : i32
      %add3A_336 = arith.addi %mul3A_203, %mul3A_335 : i32
      %broadcast_in_dim3A_337 = vector.broadcast %add3A_336 : i32 to vector<16xi32>
      %add3A_338 = arith.addi %broadcast_in_dim3A_337, %min3A_261 : vector<16xi32>
      %gather3A_339 = tpu.vector_load_idx %arg6[%add3A_338] : memref<1280xf32, #tpu.memory_space<vmem>>[vector<16xi32>], vector<16xf32>,
      %add3A_340 = arith.addi %broadcast_in_dim3A_337, %min3A_267 : vector<16xi32>
      %gather3A_341 = tpu.vector_load_idx %arg6[%add3A_340] : memref<1280xf32, #tpu.memory_space<vmem>>[vector<16xi32>], vector<16xf32>,
      %mul3A_342 = arith.mulf %mul3A_271, %gather3A_339 : vector<16xf32>
      %mul3A_343 = arith.mulf %mul3A_273, %gather3A_341 : vector<16xf32>
      %add3A_344 = arith.addf %mul3A_342, %mul3A_343 : vector<16xf32>
      %add3A_345 = arith.constant 4 : i32
      %add3A_346 = arith.addi %sub3A_233, %add3A_345 : i32
      %jit3A_347 = arith.constant 0 : i32
      %jit3A_348 = arith.constant 63 : i32
      %max3A_349 = arith.maxsi %jit3A_347, %add3A_346 : i32
      %min3A_350 = arith.minsi %jit3A_348, %max3A_349 : i32
      %sub3A_351 = arith.subi %min3A_350, %min3A_163 : i32
      %mul3A_352 = arith.constant 64 : i32
      %mul3A_353 = arith.muli %sub3A_351, %mul3A_352 : i32
      %add3A_354 = arith.addi %mul3A_203, %mul3A_353 : i32
      %broadcast_in_dim3A_355 = vector.broadcast %add3A_354 : i32 to vector<16xi32>
      %add3A_356 = arith.addi %broadcast_in_dim3A_355, %min3A_261 : vector<16xi32>
      %gather3A_357 = tpu.vector_load_idx %arg6[%add3A_356] : memref<1280xf32, #tpu.memory_space<vmem>>[vector<16xi32>], vector<16xf32>,
      %add3A_358 = arith.addi %broadcast_in_dim3A_355, %min3A_267 : vector<16xi32>
      %gather3A_359 = tpu.vector_load_idx %arg6[%add3A_358] : memref<1280xf32, #tpu.memory_space<vmem>>[vector<16xi32>], vector<16xf32>,
      %mul3A_360 = arith.mulf %mul3A_271, %gather3A_357 : vector<16xf32>
      %mul3A_361 = arith.mulf %mul3A_273, %gather3A_359 : vector<16xf32>
      %add3A_362 = arith.addf %mul3A_360, %mul3A_361 : vector<16xf32>
      %add3A_363 = arith.constant 5 : i32
      %add3A_364 = arith.addi %sub3A_233, %add3A_363 : i32
      %jit3A_365 = arith.constant 0 : i32
      %jit3A_366 = arith.constant 63 : i32
      %max3A_367 = arith.maxsi %jit3A_365, %add3A_364 : i32
      %min3A_368 = arith.minsi %jit3A_366, %max3A_367 : i32
      %sub3A_369 = arith.subi %min3A_368, %min3A_163 : i32
      %mul3A_370 = arith.constant 64 : i32
      %mul3A_371 = arith.muli %sub3A_369, %mul3A_370 : i32
      %add3A_372 = arith.addi %mul3A_203, %mul3A_371 : i32
      %broadcast_in_dim3A_373 = vector.broadcast %add3A_372 : i32 to vector<16xi32>
      %add3A_374 = arith.addi %broadcast_in_dim3A_373, %min3A_261 : vector<16xi32>
      %gather3A_375 = tpu.vector_load_idx %arg6[%add3A_374] : memref<1280xf32, #tpu.memory_space<vmem>>[vector<16xi32>], vector<16xf32>,
      %add3A_376 = arith.addi %broadcast_in_dim3A_373, %min3A_267 : vector<16xi32>
      %gather3A_377 = tpu.vector_load_idx %arg6[%add3A_376] : memref<1280xf32, #tpu.memory_space<vmem>>[vector<16xi32>], vector<16xf32>,
      %mul3A_378 = arith.mulf %mul3A_271, %gather3A_375 : vector<16xf32>
      %mul3A_379 = arith.mulf %mul3A_273, %gather3A_377 : vector<16xf32>
      %add3A_380 = arith.addf %mul3A_378, %mul3A_379 : vector<16xf32>
      %add3A_381 = arith.constant 6 : i32
      %add3A_382 = arith.addi %sub3A_233, %add3A_381 : i32
      %jit3A_383 = arith.constant 0 : i32
      %jit3A_384 = arith.constant 63 : i32
      %max3A_385 = arith.maxsi %jit3A_383, %add3A_382 : i32
      %min3A_386 = arith.minsi %jit3A_384, %max3A_385 : i32
      %sub3A_387 = arith.subi %min3A_386, %min3A_163 : i32
      %mul3A_388 = arith.constant 64 : i32
      %mul3A_389 = arith.muli %sub3A_387, %mul3A_388 : i32
      %add3A_390 = arith.addi %mul3A_203, %mul3A_389 : i32
      %broadcast_in_dim3A_391 = vector.broadcast %add3A_390 : i32 to vector<16xi32>
      %add3A_392 = arith.addi %broadcast_in_dim3A_391, %min3A_261 : vector<16xi32>
      %gather3A_393 = tpu.vector_load_idx %arg6[%add3A_392] : memref<1280xf32, #tpu.memory_space<vmem>>[vector<16xi32>], vector<16xf32>,
      %add3A_394 = arith.addi %broadcast_in_dim3A_391, %min3A_267 : vector<16xi32>
      %gather3A_395 = tpu.vector_load_idx %arg6[%add3A_394] : memref<1280xf32, #tpu.memory_space<vmem>>[vector<16xi32>], vector<16xf32>,
      %mul3A_396 = arith.mulf %mul3A_271, %gather3A_393 : vector<16xf32>
      %mul3A_397 = arith.mulf %mul3A_273, %gather3A_395 : vector<16xf32>
      %add3A_398 = arith.addf %mul3A_396, %mul3A_397 : vector<16xf32>
      %add3A_399 = arith.constant 7 : i32
      %add3A_400 = arith.addi %sub3A_233, %add3A_399 : i32
      %jit3A_401 = arith.constant 0 : i32
      %jit3A_402 = arith.constant 63 : i32
      %max3A_403 = arith.maxsi %jit3A_401, %add3A_400 : i32
      %min3A_404 = arith.minsi %jit3A_402, %max3A_403 : i32
      %sub3A_405 = arith.subi %min3A_404, %min3A_163 : i32
      %mul3A_406 = arith.constant 64 : i32
      %mul3A_407 = arith.muli %sub3A_405, %mul3A_406 : i32
      %add3A_408 = arith.addi %mul3A_203, %mul3A_407 : i32
      %broadcast_in_dim3A_409 = vector.broadcast %add3A_408 : i32 to vector<16xi32>
      %add3A_410 = arith.addi %broadcast_in_dim3A_409, %min3A_261 : vector<16xi32>
      %gather3A_411 = tpu.vector_load_idx %arg6[%add3A_410] : memref<1280xf32, #tpu.memory_space<vmem>>[vector<16xi32>], vector<16xf32>,
      %add3A_412 = arith.addi %broadcast_in_dim3A_409, %min3A_267 : vector<16xi32>
      %gather3A_413 = tpu.vector_load_idx %arg6[%add3A_412] : memref<1280xf32, #tpu.memory_space<vmem>>[vector<16xi32>], vector<16xf32>,
      %mul3A_414 = arith.mulf %mul3A_271, %gather3A_411 : vector<16xf32>
      %mul3A_415 = arith.mulf %mul3A_273, %gather3A_413 : vector<16xf32>
      %add3A_416 = arith.addf %mul3A_414, %mul3A_415 : vector<16xf32>
      %add3A_417 = arith.constant 8 : i32
      %add3A_418 = arith.addi %sub3A_233, %add3A_417 : i32
      %jit3A_419 = arith.constant 0 : i32
      %jit3A_420 = arith.constant 63 : i32
      %max3A_421 = arith.maxsi %jit3A_419, %add3A_418 : i32
      %min3A_422 = arith.minsi %jit3A_420, %max3A_421 : i32
      %sub3A_423 = arith.subi %min3A_422, %min3A_163 : i32
      %mul3A_424 = arith.constant 64 : i32
      %mul3A_425 = arith.muli %sub3A_423, %mul3A_424 : i32
      %add3A_426 = arith.addi %mul3A_203, %mul3A_425 : i32
      %broadcast_in_dim3A_427 = vector.broadcast %add3A_426 : i32 to vector<16xi32>
      %add3A_428 = arith.addi %broadcast_in_dim3A_427, %min3A_261 : vector<16xi32>
      %gather3A_429 = tpu.vector_load_idx %arg6[%add3A_428] : memref<1280xf32, #tpu.memory_space<vmem>>[vector<16xi32>], vector<16xf32>,
      %add3A_430 = arith.addi %broadcast_in_dim3A_427, %min3A_267 : vector<16xi32>
      %gather3A_431 = tpu.vector_load_idx %arg6[%add3A_430] : memref<1280xf32, #tpu.memory_space<vmem>>[vector<16xi32>], vector<16xf32>,
      %mul3A_432 = arith.mulf %mul3A_271, %gather3A_429 : vector<16xf32>
      %mul3A_433 = arith.mulf %mul3A_273, %gather3A_431 : vector<16xf32>
      %add3A_434 = arith.addf %mul3A_432, %mul3A_433 : vector<16xf32>
      %add3A_435 = arith.constant 9 : i32
      %add3A_436 = arith.addi %sub3A_233, %add3A_435 : i32
      %jit3A_437 = arith.constant 0 : i32
      %jit3A_438 = arith.constant 63 : i32
      %max3A_439 = arith.maxsi %jit3A_437, %add3A_436 : i32
      %min3A_440 = arith.minsi %jit3A_438, %max3A_439 : i32
      %sub3A_441 = arith.subi %min3A_440, %min3A_163 : i32
      %mul3A_442 = arith.constant 64 : i32
      %mul3A_443 = arith.muli %sub3A_441, %mul3A_442 : i32
      %add3A_444 = arith.addi %mul3A_203, %mul3A_443 : i32
      %broadcast_in_dim3A_445 = vector.broadcast %add3A_444 : i32 to vector<16xi32>
      %add3A_446 = arith.addi %broadcast_in_dim3A_445, %min3A_261 : vector<16xi32>
      %gather3A_447 = tpu.vector_load_idx %arg6[%add3A_446] : memref<1280xf32, #tpu.memory_space<vmem>>[vector<16xi32>], vector<16xf32>,
      %add3A_448 = arith.addi %broadcast_in_dim3A_445, %min3A_267 : vector<16xi32>
      %gather3A_449 = tpu.vector_load_idx %arg6[%add3A_448] : memref<1280xf32, #tpu.memory_space<vmem>>[vector<16xi32>], vector<16xf32>,
      %mul3A_450 = arith.mulf %mul3A_271, %gather3A_447 : vector<16xf32>
      %mul3A_451 = arith.mulf %mul3A_273, %gather3A_449 : vector<16xf32>
      %add3A_452 = arith.addf %mul3A_450, %mul3A_451 : vector<16xf32>
      %add3A_453 = arith.constant 0 : i32
      %add3A_454 = arith.addi %mul3A_209, %add3A_453 : i32
      %mul3A_455 = arith.constant 9 : i32
      %mul3A_456 = vector.broadcast %mul3A_455 : i32 to vector<16xi32>
      %mul3A_457 = arith.muli %iota3A, %mul3A_456 : vector<16xi32>
      %add3A_458 = vector.broadcast %add3A_454 : i32 to vector<16xi32>
      %add3A_459 = arith.addi %add3A_458, %mul3A_457 : vector<16xi32>
      %add3A_460 = arith.constant 0 : i32
      %add3A_461 = arith.addi %sub3A_233, %add3A_460 : i32
      %add3A_462 = arith.constant 1 : i32
      %add3A_463 = arith.addi %add3A_461, %add3A_462 : i32
      %ge3A_464 = arith.constant 0 : i32
      %ge3A_465 = arith.cmpi sge, %add3A_461, %ge3A_464 : i32
      %le3A_466 = arith.constant 63 : i32
      %le3A_467 = arith.cmpi sle, %add3A_461, %le3A_466 : i32
      %and3A_468 = arith.andi %ge3A_465, %le3A_467 : i1
      %sub3A_469 = arith.constant 1.000000e+00 : f32
      %sub3A_470 = arith.subf %sub3A_469, %sub3A_229 : f32
      %jit3A_471 = arith.constant 0.000000e+00 : f32
      %select_n3A_472 = arith.select %and3A_468, %sub3A_470, %jit3A_471 : f32
      %ge3A_473 = arith.constant 0 : i32
      %ge3A_474 = arith.cmpi sge, %add3A_463, %ge3A_473 : i32
      %le3A_475 = arith.constant 63 : i32
      %le3A_476 = arith.cmpi sle, %add3A_463, %le3A_475 : i32
      %and3A_477 = arith.andi %ge3A_474, %le3A_476 : i1
      %jit3A_478 = arith.constant 0.000000e+00 : f32
      %select_n3A_479 = arith.select %and3A_477, %sub3A_229, %jit3A_478 : f32
      %broadcast_in_dim3A_480 = vector.broadcast %select_n3A_472 : f32 to vector<16xf32>
      %mul3A_481 = arith.mulf %broadcast_in_dim3A_480, %add3A_290 : vector<16xf32>
      %broadcast_in_dim3A_482 = vector.broadcast %select_n3A_479 : f32 to vector<16xf32>
      %mul3A_483 = arith.mulf %broadcast_in_dim3A_482, %add3A_308 : vector<16xf32>
      %add3A_484 = arith.addf %mul3A_481, %mul3A_483 : vector<16xf32>
      %add3A_485 = arith.constant 0 : i32
      %add3A_486 = vector.broadcast %add3A_485 : i32 to vector<16xi32>
      %add3A_487 = arith.addi %add3A_459, %add3A_486 : vector<16xi32>
      tpu.vector_store_idx %arg9[%add3A_487], %add3A_484 masked %lt3A_125 : memref<672xf32, #tpu.memory_space<vmem>>[vector<16xi32>], vector<16xf32>, vector<16xi1>
      %add3A_488 = arith.constant 1 : i32
      %add3A_489 = arith.addi %sub3A_233, %add3A_488 : i32
      %add3A_490 = arith.constant 1 : i32
      %add3A_491 = arith.addi %add3A_489, %add3A_490 : i32
      %ge3A_492 = arith.constant 0 : i32
      %ge3A_493 = arith.cmpi sge, %add3A_489, %ge3A_492 : i32
      %le3A_494 = arith.constant 63 : i32
      %le3A_495 = arith.cmpi sle, %add3A_489, %le3A_494 : i32
      %and3A_496 = arith.andi %ge3A_493, %le3A_495 : i1
      %sub3A_497 = arith.constant 1.000000e+00 : f32
      %sub3A_498 = arith.subf %sub3A_497, %sub3A_229 : f32
      %jit3A_499 = arith.constant 0.000000e+00 : f32
      %select_n3A_500 = arith.select %and3A_496, %sub3A_498, %jit3A_499 : f32
      %ge3A_501 = arith.constant 0 : i32
      %ge3A_502 = arith.cmpi sge, %add3A_491, %ge3A_501 : i32
      %le3A_503 = arith.constant 63 : i32
      %le3A_504 = arith.cmpi sle, %add3A_491, %le3A_503 : i32
      %and3A_505 = arith.andi %ge3A_502, %le3A_504 : i1
      %jit3A_506 = arith.constant 0.000000e+00 : f32
      %select_n3A_507 = arith.select %and3A_505, %sub3A_229, %jit3A_506 : f32
      %broadcast_in_dim3A_508 = vector.broadcast %select_n3A_500 : f32 to vector<16xf32>
      %mul3A_509 = arith.mulf %broadcast_in_dim3A_508, %add3A_308 : vector<16xf32>
      %broadcast_in_dim3A_510 = vector.broadcast %select_n3A_507 : f32 to vector<16xf32>
      %mul3A_511 = arith.mulf %broadcast_in_dim3A_510, %add3A_326 : vector<16xf32>
      %add3A_512 = arith.addf %mul3A_509, %mul3A_511 : vector<16xf32>
      %add3A_513 = arith.constant 1 : i32
      %add3A_514 = vector.broadcast %add3A_513 : i32 to vector<16xi32>
      %add3A_515 = arith.addi %add3A_459, %add3A_514 : vector<16xi32>
      tpu.vector_store_idx %arg9[%add3A_515], %add3A_512 masked %lt3A_125 : memref<672xf32, #tpu.memory_space<vmem>>[vector<16xi32>], vector<16xf32>, vector<16xi1>
      %add3A_516 = arith.constant 2 : i32
      %add3A_517 = arith.addi %sub3A_233, %add3A_516 : i32
      %add3A_518 = arith.constant 1 : i32
      %add3A_519 = arith.addi %add3A_517, %add3A_518 : i32
      %ge3A_520 = arith.constant 0 : i32
      %ge3A_521 = arith.cmpi sge, %add3A_517, %ge3A_520 : i32
      %le3A_522 = arith.constant 63 : i32
      %le3A_523 = arith.cmpi sle, %add3A_517, %le3A_522 : i32
      %and3A_524 = arith.andi %ge3A_521, %le3A_523 : i1
      %sub3A_525 = arith.constant 1.000000e+00 : f32
      %sub3A_526 = arith.subf %sub3A_525, %sub3A_229 : f32
      %jit3A_527 = arith.constant 0.000000e+00 : f32
      %select_n3A_528 = arith.select %and3A_524, %sub3A_526, %jit3A_527 : f32
      %ge3A_529 = arith.constant 0 : i32
      %ge3A_530 = arith.cmpi sge, %add3A_519, %ge3A_529 : i32
      %le3A_531 = arith.constant 63 : i32
      %le3A_532 = arith.cmpi sle, %add3A_519, %le3A_531 : i32
      %and3A_533 = arith.andi %ge3A_530, %le3A_532 : i1
      %jit3A_534 = arith.constant 0.000000e+00 : f32
      %select_n3A_535 = arith.select %and3A_533, %sub3A_229, %jit3A_534 : f32
      %broadcast_in_dim3A_536 = vector.broadcast %select_n3A_528 : f32 to vector<16xf32>
      %mul3A_537 = arith.mulf %broadcast_in_dim3A_536, %add3A_326 : vector<16xf32>
      %broadcast_in_dim3A_538 = vector.broadcast %select_n3A_535 : f32 to vector<16xf32>
      %mul3A_539 = arith.mulf %broadcast_in_dim3A_538, %add3A_344 : vector<16xf32>
      %add3A_540 = arith.addf %mul3A_537, %mul3A_539 : vector<16xf32>
      %add3A_541 = arith.constant 2 : i32
      %add3A_542 = vector.broadcast %add3A_541 : i32 to vector<16xi32>
      %add3A_543 = arith.addi %add3A_459, %add3A_542 : vector<16xi32>
      tpu.vector_store_idx %arg9[%add3A_543], %add3A_540 masked %lt3A_125 : memref<672xf32, #tpu.memory_space<vmem>>[vector<16xi32>], vector<16xf32>, vector<16xi1>
      %add3A_544 = arith.constant 3 : i32
      %add3A_545 = arith.addi %sub3A_233, %add3A_544 : i32
      %add3A_546 = arith.constant 1 : i32
      %add3A_547 = arith.addi %add3A_545, %add3A_546 : i32
      %ge3A_548 = arith.constant 0 : i32
      %ge3A_549 = arith.cmpi sge, %add3A_545, %ge3A_548 : i32
      %le3A_550 = arith.constant 63 : i32
      %le3A_551 = arith.cmpi sle, %add3A_545, %le3A_550 : i32
      %and3A_552 = arith.andi %ge3A_549, %le3A_551 : i1
      %sub3A_553 = arith.constant 1.000000e+00 : f32
      %sub3A_554 = arith.subf %sub3A_553, %sub3A_229 : f32
      %jit3A_555 = arith.constant 0.000000e+00 : f32
      %select_n3A_556 = arith.select %and3A_552, %sub3A_554, %jit3A_555 : f32
      %ge3A_557 = arith.constant 0 : i32
      %ge3A_558 = arith.cmpi sge, %add3A_547, %ge3A_557 : i32
      %le3A_559 = arith.constant 63 : i32
      %le3A_560 = arith.cmpi sle, %add3A_547, %le3A_559 : i32
      %and3A_561 = arith.andi %ge3A_558, %le3A_560 : i1
      %jit3A_562 = arith.constant 0.000000e+00 : f32
      %select_n3A_563 = arith.select %and3A_561, %sub3A_229, %jit3A_562 : f32
      %broadcast_in_dim3A_564 = vector.broadcast %select_n3A_556 : f32 to vector<16xf32>
      %mul3A_565 = arith.mulf %broadcast_in_dim3A_564, %add3A_344 : vector<16xf32>
      %broadcast_in_dim3A_566 = vector.broadcast %select_n3A_563 : f32 to vector<16xf32>
      %mul3A_567 = arith.mulf %broadcast_in_dim3A_566, %add3A_362 : vector<16xf32>
      %add3A_568 = arith.addf %mul3A_565, %mul3A_567 : vector<16xf32>
      %add3A_569 = arith.constant 3 : i32
      %add3A_570 = vector.broadcast %add3A_569 : i32 to vector<16xi32>
      %add3A_571 = arith.addi %add3A_459, %add3A_570 : vector<16xi32>
      tpu.vector_store_idx %arg9[%add3A_571], %add3A_568 masked %lt3A_125 : memref<672xf32, #tpu.memory_space<vmem>>[vector<16xi32>], vector<16xf32>, vector<16xi1>
      %add3A_572 = arith.constant 4 : i32
      %add3A_573 = arith.addi %sub3A_233, %add3A_572 : i32
      %add3A_574 = arith.constant 1 : i32
      %add3A_575 = arith.addi %add3A_573, %add3A_574 : i32
      %ge3A_576 = arith.constant 0 : i32
      %ge3A_577 = arith.cmpi sge, %add3A_573, %ge3A_576 : i32
      %le3A_578 = arith.constant 63 : i32
      %le3A_579 = arith.cmpi sle, %add3A_573, %le3A_578 : i32
      %and3A_580 = arith.andi %ge3A_577, %le3A_579 : i1
      %sub3A_581 = arith.constant 1.000000e+00 : f32
      %sub3A_582 = arith.subf %sub3A_581, %sub3A_229 : f32
      %jit3A_583 = arith.constant 0.000000e+00 : f32
      %select_n3A_584 = arith.select %and3A_580, %sub3A_582, %jit3A_583 : f32
      %ge3A_585 = arith.constant 0 : i32
      %ge3A_586 = arith.cmpi sge, %add3A_575, %ge3A_585 : i32
      %le3A_587 = arith.constant 63 : i32
      %le3A_588 = arith.cmpi sle, %add3A_575, %le3A_587 : i32
      %and3A_589 = arith.andi %ge3A_586, %le3A_588 : i1
      %jit3A_590 = arith.constant 0.000000e+00 : f32
      %select_n3A_591 = arith.select %and3A_589, %sub3A_229, %jit3A_590 : f32
      %broadcast_in_dim3A_592 = vector.broadcast %select_n3A_584 : f32 to vector<16xf32>
      %mul3A_593 = arith.mulf %broadcast_in_dim3A_592, %add3A_362 : vector<16xf32>
      %broadcast_in_dim3A_594 = vector.broadcast %select_n3A_591 : f32 to vector<16xf32>
      %mul3A_595 = arith.mulf %broadcast_in_dim3A_594, %add3A_380 : vector<16xf32>
      %add3A_596 = arith.addf %mul3A_593, %mul3A_595 : vector<16xf32>
      %add3A_597 = arith.constant 4 : i32
      %add3A_598 = vector.broadcast %add3A_597 : i32 to vector<16xi32>
      %add3A_599 = arith.addi %add3A_459, %add3A_598 : vector<16xi32>
      tpu.vector_store_idx %arg9[%add3A_599], %add3A_596 masked %lt3A_125 : memref<672xf32, #tpu.memory_space<vmem>>[vector<16xi32>], vector<16xf32>, vector<16xi1>
      %add3A_600 = arith.constant 5 : i32
      %add3A_601 = arith.addi %sub3A_233, %add3A_600 : i32
      %add3A_602 = arith.constant 1 : i32
      %add3A_603 = arith.addi %add3A_601, %add3A_602 : i32
      %ge3A_604 = arith.constant 0 : i32
      %ge3A_605 = arith.cmpi sge, %add3A_601, %ge3A_604 : i32
      %le3A_606 = arith.constant 63 : i32
      %le3A_607 = arith.cmpi sle, %add3A_601, %le3A_606 : i32
      %and3A_608 = arith.andi %ge3A_605, %le3A_607 : i1
      %sub3A_609 = arith.constant 1.000000e+00 : f32
      %sub3A_610 = arith.subf %sub3A_609, %sub3A_229 : f32
      %jit3A_611 = arith.constant 0.000000e+00 : f32
      %select_n3A_612 = arith.select %and3A_608, %sub3A_610, %jit3A_611 : f32
      %ge3A_613 = arith.constant 0 : i32
      %ge3A_614 = arith.cmpi sge, %add3A_603, %ge3A_613 : i32
      %le3A_615 = arith.constant 63 : i32
      %le3A_616 = arith.cmpi sle, %add3A_603, %le3A_615 : i32
      %and3A_617 = arith.andi %ge3A_614, %le3A_616 : i1
      %jit3A_618 = arith.constant 0.000000e+00 : f32
      %select_n3A_619 = arith.select %and3A_617, %sub3A_229, %jit3A_618 : f32
      %broadcast_in_dim3A_620 = vector.broadcast %select_n3A_612 : f32 to vector<16xf32>
      %mul3A_621 = arith.mulf %broadcast_in_dim3A_620, %add3A_380 : vector<16xf32>
      %broadcast_in_dim3A_622 = vector.broadcast %select_n3A_619 : f32 to vector<16xf32>
      %mul3A_623 = arith.mulf %broadcast_in_dim3A_622, %add3A_398 : vector<16xf32>
      %add3A_624 = arith.addf %mul3A_621, %mul3A_623 : vector<16xf32>
      %add3A_625 = arith.constant 5 : i32
      %add3A_626 = vector.broadcast %add3A_625 : i32 to vector<16xi32>
      %add3A_627 = arith.addi %add3A_459, %add3A_626 : vector<16xi32>
      tpu.vector_store_idx %arg9[%add3A_627], %add3A_624 masked %lt3A_125 : memref<672xf32, #tpu.memory_space<vmem>>[vector<16xi32>], vector<16xf32>, vector<16xi1>
      %add3A_628 = arith.constant 6 : i32
      %add3A_629 = arith.addi %sub3A_233, %add3A_628 : i32
      %add3A_630 = arith.constant 1 : i32
      %add3A_631 = arith.addi %add3A_629, %add3A_630 : i32
      %ge3A_632 = arith.constant 0 : i32
      %ge3A_633 = arith.cmpi sge, %add3A_629, %ge3A_632 : i32
      %le3A_634 = arith.constant 63 : i32
      %le3A_635 = arith.cmpi sle, %add3A_629, %le3A_634 : i32
      %and3A_636 = arith.andi %ge3A_633, %le3A_635 : i1
      %sub3A_637 = arith.constant 1.000000e+00 : f32
      %sub3A_638 = arith.subf %sub3A_637, %sub3A_229 : f32
      %jit3A_639 = arith.constant 0.000000e+00 : f32
      %select_n3A_640 = arith.select %and3A_636, %sub3A_638, %jit3A_639 : f32
      %ge3A_641 = arith.constant 0 : i32
      %ge3A_642 = arith.cmpi sge, %add3A_631, %ge3A_641 : i32
      %le3A_643 = arith.constant 63 : i32
      %le3A_644 = arith.cmpi sle, %add3A_631, %le3A_643 : i32
      %and3A_645 = arith.andi %ge3A_642, %le3A_644 : i1
      %jit3A_646 = arith.constant 0.000000e+00 : f32
      %select_n3A_647 = arith.select %and3A_645, %sub3A_229, %jit3A_646 : f32
      %broadcast_in_dim3A_648 = vector.broadcast %select_n3A_640 : f32 to vector<16xf32>
      %mul3A_649 = arith.mulf %broadcast_in_dim3A_648, %add3A_398 : vector<16xf32>
      %broadcast_in_dim3A_650 = vector.broadcast %select_n3A_647 : f32 to vector<16xf32>
      %mul3A_651 = arith.mulf %broadcast_in_dim3A_650, %add3A_416 : vector<16xf32>
      %add3A_652 = arith.addf %mul3A_649, %mul3A_651 : vector<16xf32>
      %add3A_653 = arith.constant 6 : i32
      %add3A_654 = vector.broadcast %add3A_653 : i32 to vector<16xi32>
      %add3A_655 = arith.addi %add3A_459, %add3A_654 : vector<16xi32>
      tpu.vector_store_idx %arg9[%add3A_655], %add3A_652 masked %lt3A_125 : memref<672xf32, #tpu.memory_space<vmem>>[vector<16xi32>], vector<16xf32>, vector<16xi1>
      %add3A_656 = arith.constant 7 : i32
      %add3A_657 = arith.addi %sub3A_233, %add3A_656 : i32
      %add3A_658 = arith.constant 1 : i32
      %add3A_659 = arith.addi %add3A_657, %add3A_658 : i32
      %ge3A_660 = arith.constant 0 : i32
      %ge3A_661 = arith.cmpi sge, %add3A_657, %ge3A_660 : i32
      %le3A_662 = arith.constant 63 : i32
      %le3A_663 = arith.cmpi sle, %add3A_657, %le3A_662 : i32
      %and3A_664 = arith.andi %ge3A_661, %le3A_663 : i1
      %sub3A_665 = arith.constant 1.000000e+00 : f32
      %sub3A_666 = arith.subf %sub3A_665, %sub3A_229 : f32
      %jit3A_667 = arith.constant 0.000000e+00 : f32
      %select_n3A_668 = arith.select %and3A_664, %sub3A_666, %jit3A_667 : f32
      %ge3A_669 = arith.constant 0 : i32
      %ge3A_670 = arith.cmpi sge, %add3A_659, %ge3A_669 : i32
      %le3A_671 = arith.constant 63 : i32
      %le3A_672 = arith.cmpi sle, %add3A_659, %le3A_671 : i32
      %and3A_673 = arith.andi %ge3A_670, %le3A_672 : i1
      %jit3A_674 = arith.constant 0.000000e+00 : f32
      %select_n3A_675 = arith.select %and3A_673, %sub3A_229, %jit3A_674 : f32
      %broadcast_in_dim3A_676 = vector.broadcast %select_n3A_668 : f32 to vector<16xf32>
      %mul3A_677 = arith.mulf %broadcast_in_dim3A_676, %add3A_416 : vector<16xf32>
      %broadcast_in_dim3A_678 = vector.broadcast %select_n3A_675 : f32 to vector<16xf32>
      %mul3A_679 = arith.mulf %broadcast_in_dim3A_678, %add3A_434 : vector<16xf32>
      %add3A_680 = arith.addf %mul3A_677, %mul3A_679 : vector<16xf32>
      %add3A_681 = arith.constant 7 : i32
      %add3A_682 = vector.broadcast %add3A_681 : i32 to vector<16xi32>
      %add3A_683 = arith.addi %add3A_459, %add3A_682 : vector<16xi32>
      tpu.vector_store_idx %arg9[%add3A_683], %add3A_680 masked %lt3A_125 : memref<672xf32, #tpu.memory_space<vmem>>[vector<16xi32>], vector<16xf32>, vector<16xi1>
      %add3A_684 = arith.constant 8 : i32
      %add3A_685 = arith.addi %sub3A_233, %add3A_684 : i32
      %add3A_686 = arith.constant 1 : i32
      %add3A_687 = arith.addi %add3A_685, %add3A_686 : i32
      %ge3A_688 = arith.constant 0 : i32
      %ge3A_689 = arith.cmpi sge, %add3A_685, %ge3A_688 : i32
      %le3A_690 = arith.constant 63 : i32
      %le3A_691 = arith.cmpi sle, %add3A_685, %le3A_690 : i32
      %and3A_692 = arith.andi %ge3A_689, %le3A_691 : i1
      %sub3A_693 = arith.constant 1.000000e+00 : f32
      %sub3A_694 = arith.subf %sub3A_693, %sub3A_229 : f32
      %jit3A_695 = arith.constant 0.000000e+00 : f32
      %select_n3A_696 = arith.select %and3A_692, %sub3A_694, %jit3A_695 : f32
      %ge3A_697 = arith.constant 0 : i32
      %ge3A_698 = arith.cmpi sge, %add3A_687, %ge3A_697 : i32
      %le3A_699 = arith.constant 63 : i32
      %le3A_700 = arith.cmpi sle, %add3A_687, %le3A_699 : i32
      %and3A_701 = arith.andi %ge3A_698, %le3A_700 : i1
      %jit3A_702 = arith.constant 0.000000e+00 : f32
      %select_n3A_703 = arith.select %and3A_701, %sub3A_229, %jit3A_702 : f32
      %broadcast_in_dim3A_704 = vector.broadcast %select_n3A_696 : f32 to vector<16xf32>
      %mul3A_705 = arith.mulf %broadcast_in_dim3A_704, %add3A_434 : vector<16xf32>
      %broadcast_in_dim3A_706 = vector.broadcast %select_n3A_703 : f32 to vector<16xf32>
      %mul3A_707 = arith.mulf %broadcast_in_dim3A_706, %add3A_452 : vector<16xf32>
      %add3A_708 = arith.addf %mul3A_705, %mul3A_707 : vector<16xf32>
      %add3A_709 = arith.constant 8 : i32
      %add3A_710 = vector.broadcast %add3A_709 : i32 to vector<16xi32>
      %add3A_711 = arith.addi %add3A_459, %add3A_710 : vector<16xi32>
      tpu.vector_store_idx %arg9[%add3A_711], %add3A_708 masked %lt3A_125 : memref<672xf32, #tpu.memory_space<vmem>>[vector<16xi32>], vector<16xf32>, vector<16xi1>
      %mul3A_712 = arith.constant 2 : i32
      %mul3A_713 = arith.muli %mul3A_712, %min3A_201 : i32
      %mul3A_714 = arith.constant 5.000000e-01 : f32
      %mul3A_715 = arith.mulf %squeeze3A_149, %mul3A_714 : f32
      %mul3A_716 = arith.constant 5.000000e-01 : f32
      %mul3A_717 = arith.mulf %squeeze3A_151, %mul3A_716 : f32
      %convert_element_type3A_718 = arith.fptosi %mul3A_715 : f32 to i32
      %convert_element_type3A_719 = arith.sitofp %convert_element_type3A_718 : i32 to f32
      %gt3A_720 = arith.cmpf ogt, %convert_element_type3A_719, %mul3A_715 : f32
      %sub3A_721 = arith.constant 1 : i32
      %sub3A_722 = arith.subi %convert_element_type3A_718, %sub3A_721 : i32
      %select_n3A_723 = arith.select %gt3A_720, %sub3A_722, %convert_element_type3A_718 : i32
      %convert_element_type3A_724 = arith.sitofp %select_n3A_723 : i32 to f32
      %sub3A_725 = arith.subf %mul3A_715, %convert_element_type3A_724 : f32
      %convert_element_type3A_726 = arith.fptosi %mul3A_717 : f32 to i32
      %convert_element_type3A_727 = arith.sitofp %convert_element_type3A_726 : i32 to f32
      %gt3A_728 = arith.cmpf ogt, %convert_element_type3A_727, %mul3A_717 : f32
      %sub3A_729 = arith.constant 1 : i32
      %sub3A_730 = arith.subi %convert_element_type3A_726, %sub3A_729 : i32
      %select_n3A_731 = arith.select %gt3A_728, %sub3A_730, %convert_element_type3A_726 : i32
      %convert_element_type3A_732 = arith.sitofp %select_n3A_731 : i32 to f32
      %sub3A_733 = arith.subf %mul3A_717, %convert_element_type3A_732 : f32
      %sub3A_734 = arith.constant 4 : i32
      %sub3A_735 = arith.subi %select_n3A_723, %sub3A_734 : i32
      %sub3A_736 = arith.constant 4 : i32
      %sub3A_737 = arith.subi %select_n3A_731, %sub3A_736 : i32
      %broadcast_in_dim3A_738 = arith.constant 1.000000e+00 : f32
      %broadcast_in_dim3A_739 = vector.broadcast %broadcast_in_dim3A_738 : f32 to vector<16xf32>
      %broadcast_in_dim3A_740 = arith.constant 0.000000e+00 : f32
      %broadcast_in_dim3A_741 = vector.broadcast %broadcast_in_dim3A_740 : f32 to vector<16xf32>
      %broadcast_in_dim3A_742 = vector.broadcast %sub3A_735 : i32 to vector<16xi32>
      %add3A_743 = arith.addi %broadcast_in_dim3A_742, %iota3A : vector<16xi32>
      %add3A_744 = arith.constant 1 : i32
      %add3A_745 = vector.broadcast %add3A_744 : i32 to vector<16xi32>
      %add3A_746 = arith.addi %add3A_743, %add3A_745 : vector<16xi32>
      %ge3A_747 = arith.constant 0 : i32
      %ge3A_748 = vector.broadcast %ge3A_747 : i32 to vector<16xi32>
      %ge3A_749 = arith.cmpi sge, %add3A_743, %ge3A_748 : vector<16xi32>
      %le3A_750 = arith.constant 31 : i32
      %le3A_751 = vector.broadcast %le3A_750 : i32 to vector<16xi32>
      %le3A_752 = arith.cmpi sle, %add3A_743, %le3A_751 : vector<16xi32>
      %and3A_753 = arith.andi %ge3A_749, %le3A_752 : vector<16xi1>
      %select_n3A_754 = arith.select %and3A_753, %broadcast_in_dim3A_739, %broadcast_in_dim3A_741 : vector<16xi1>, vector<16xf32>
      %ge3A_755 = arith.constant 0 : i32
      %ge3A_756 = vector.broadcast %ge3A_755 : i32 to vector<16xi32>
      %ge3A_757 = arith.cmpi sge, %add3A_746, %ge3A_756 : vector<16xi32>
      %le3A_758 = arith.constant 31 : i32
      %le3A_759 = vector.broadcast %le3A_758 : i32 to vector<16xi32>
      %le3A_760 = arith.cmpi sle, %add3A_746, %le3A_759 : vector<16xi32>
      %and3A_761 = arith.andi %ge3A_757, %le3A_760 : vector<16xi1>
      %select_n3A_762 = arith.select %and3A_761, %broadcast_in_dim3A_739, %broadcast_in_dim3A_741 : vector<16xi1>, vector<16xf32>
      %jit3A_763 = arith.constant 0 : i32
      %jit3A_764 = arith.constant 31 : i32
      %max3A_765 = vector.broadcast %jit3A_763 : i32 to vector<16xi32>
      %max3A_766 = arith.maxsi %max3A_765, %add3A_743 : vector<16xi32>
      %min3A_767 = vector.broadcast %jit3A_764 : i32 to vector<16xi32>
      %min3A_768 = arith.minsi %min3A_767, %max3A_766 : vector<16xi32>
      %jit3A_769 = arith.constant 0 : i32
      %jit3A_770 = arith.constant 31 : i32
      %max3A_771 = vector.broadcast %jit3A_769 : i32 to vector<16xi32>
      %max3A_772 = arith.maxsi %max3A_771, %add3A_746 : vector<16xi32>
      %min3A_773 = vector.broadcast %jit3A_770 : i32 to vector<16xi32>
      %min3A_774 = arith.minsi %min3A_773, %max3A_772 : vector<16xi32>
      %sub3A_775 = arith.constant 1.000000e+00 : f32
      %sub3A_776 = arith.subf %sub3A_775, %sub3A_725 : f32
      %broadcast_in_dim3A_777 = vector.broadcast %sub3A_776 : f32 to vector<16xf32>
      %mul3A_778 = arith.mulf %broadcast_in_dim3A_777, %select_n3A_754 : vector<16xf32>
      %broadcast_in_dim3A_779 = vector.broadcast %sub3A_725 : f32 to vector<16xf32>
      %mul3A_780 = arith.mulf %broadcast_in_dim3A_779, %select_n3A_762 : vector<16xf32>
      %add3A_781 = arith.constant 0 : i32
      %add3A_782 = arith.addi %sub3A_737, %add3A_781 : i32
      %jit3A_783 = arith.constant 0 : i32
      %jit3A_784 = arith.constant 31 : i32
      %max3A_785 = arith.maxsi %jit3A_783, %add3A_782 : i32
      %min3A_786 = arith.minsi %jit3A_784, %max3A_785 : i32
      %sub3A_787 = arith.subi %min3A_786, %mul3A_713 : i32
      %mul3A_788 = arith.constant 32 : i32
      %mul3A_789 = arith.muli %sub3A_787, %mul3A_788 : i32
      %add3A_790 = arith.addi %mul3A_205, %mul3A_789 : i32
      %broadcast_in_dim3A_791 = vector.broadcast %add3A_790 : i32 to vector<16xi32>
      %add3A_792 = arith.addi %broadcast_in_dim3A_791, %min3A_768 : vector<16xi32>
      %gather3A_793 = tpu.vector_load_idx %arg7[%add3A_792] : memref<768xf32, #tpu.memory_space<vmem>>[vector<16xi32>], vector<16xf32>,
      %add3A_794 = arith.addi %broadcast_in_dim3A_791, %min3A_774 : vector<16xi32>
      %gather3A_795 = tpu.vector_load_idx %arg7[%add3A_794] : memref<768xf32, #tpu.memory_space<vmem>>[vector<16xi32>], vector<16xf32>,
      %mul3A_796 = arith.mulf %mul3A_778, %gather3A_793 : vector<16xf32>
      %mul3A_797 = arith.mulf %mul3A_780, %gather3A_795 : vector<16xf32>
      %add3A_798 = arith.addf %mul3A_796, %mul3A_797 : vector<16xf32>
      %add3A_799 = arith.constant 1 : i32
      %add3A_800 = arith.addi %sub3A_737, %add3A_799 : i32
      %jit3A_801 = arith.constant 0 : i32
      %jit3A_802 = arith.constant 31 : i32
      %max3A_803 = arith.maxsi %jit3A_801, %add3A_800 : i32
      %min3A_804 = arith.minsi %jit3A_802, %max3A_803 : i32
      %sub3A_805 = arith.subi %min3A_804, %mul3A_713 : i32
      %mul3A_806 = arith.constant 32 : i32
      %mul3A_807 = arith.muli %sub3A_805, %mul3A_806 : i32
      %add3A_808 = arith.addi %mul3A_205, %mul3A_807 : i32
      %broadcast_in_dim3A_809 = vector.broadcast %add3A_808 : i32 to vector<16xi32>
      %add3A_810 = arith.addi %broadcast_in_dim3A_809, %min3A_768 : vector<16xi32>
      %gather3A_811 = tpu.vector_load_idx %arg7[%add3A_810] : memref<768xf32, #tpu.memory_space<vmem>>[vector<16xi32>], vector<16xf32>,
      %add3A_812 = arith.addi %broadcast_in_dim3A_809, %min3A_774 : vector<16xi32>
      %gather3A_813 = tpu.vector_load_idx %arg7[%add3A_812] : memref<768xf32, #tpu.memory_space<vmem>>[vector<16xi32>], vector<16xf32>,
      %mul3A_814 = arith.mulf %mul3A_778, %gather3A_811 : vector<16xf32>
      %mul3A_815 = arith.mulf %mul3A_780, %gather3A_813 : vector<16xf32>
      %add3A_816 = arith.addf %mul3A_814, %mul3A_815 : vector<16xf32>
      %add3A_817 = arith.constant 2 : i32
      %add3A_818 = arith.addi %sub3A_737, %add3A_817 : i32
      %jit3A_819 = arith.constant 0 : i32
      %jit3A_820 = arith.constant 31 : i32
      %max3A_821 = arith.maxsi %jit3A_819, %add3A_818 : i32
      %min3A_822 = arith.minsi %jit3A_820, %max3A_821 : i32
      %sub3A_823 = arith.subi %min3A_822, %mul3A_713 : i32
      %mul3A_824 = arith.constant 32 : i32
      %mul3A_825 = arith.muli %sub3A_823, %mul3A_824 : i32
      %add3A_826 = arith.addi %mul3A_205, %mul3A_825 : i32
      %broadcast_in_dim3A_827 = vector.broadcast %add3A_826 : i32 to vector<16xi32>
      %add3A_828 = arith.addi %broadcast_in_dim3A_827, %min3A_768 : vector<16xi32>
      %gather3A_829 = tpu.vector_load_idx %arg7[%add3A_828] : memref<768xf32, #tpu.memory_space<vmem>>[vector<16xi32>], vector<16xf32>,
      %add3A_830 = arith.addi %broadcast_in_dim3A_827, %min3A_774 : vector<16xi32>
      %gather3A_831 = tpu.vector_load_idx %arg7[%add3A_830] : memref<768xf32, #tpu.memory_space<vmem>>[vector<16xi32>], vector<16xf32>,
      %mul3A_832 = arith.mulf %mul3A_778, %gather3A_829 : vector<16xf32>
      %mul3A_833 = arith.mulf %mul3A_780, %gather3A_831 : vector<16xf32>
      %add3A_834 = arith.addf %mul3A_832, %mul3A_833 : vector<16xf32>
      %add3A_835 = arith.constant 3 : i32
      %add3A_836 = arith.addi %sub3A_737, %add3A_835 : i32
      %jit3A_837 = arith.constant 0 : i32
      %jit3A_838 = arith.constant 31 : i32
      %max3A_839 = arith.maxsi %jit3A_837, %add3A_836 : i32
      %min3A_840 = arith.minsi %jit3A_838, %max3A_839 : i32
      %sub3A_841 = arith.subi %min3A_840, %mul3A_713 : i32
      %mul3A_842 = arith.constant 32 : i32
      %mul3A_843 = arith.muli %sub3A_841, %mul3A_842 : i32
      %add3A_844 = arith.addi %mul3A_205, %mul3A_843 : i32
      %broadcast_in_dim3A_845 = vector.broadcast %add3A_844 : i32 to vector<16xi32>
      %add3A_846 = arith.addi %broadcast_in_dim3A_845, %min3A_768 : vector<16xi32>
      %gather3A_847 = tpu.vector_load_idx %arg7[%add3A_846] : memref<768xf32, #tpu.memory_space<vmem>>[vector<16xi32>], vector<16xf32>,
      %add3A_848 = arith.addi %broadcast_in_dim3A_845, %min3A_774 : vector<16xi32>
      %gather3A_849 = tpu.vector_load_idx %arg7[%add3A_848] : memref<768xf32, #tpu.memory_space<vmem>>[vector<16xi32>], vector<16xf32>,
      %mul3A_850 = arith.mulf %mul3A_778, %gather3A_847 : vector<16xf32>
      %mul3A_851 = arith.mulf %mul3A_780, %gather3A_849 : vector<16xf32>
      %add3A_852 = arith.addf %mul3A_850, %mul3A_851 : vector<16xf32>
      %add3A_853 = arith.constant 4 : i32
      %add3A_854 = arith.addi %sub3A_737, %add3A_853 : i32
      %jit3A_855 = arith.constant 0 : i32
      %jit3A_856 = arith.constant 31 : i32
      %max3A_857 = arith.maxsi %jit3A_855, %add3A_854 : i32
      %min3A_858 = arith.minsi %jit3A_856, %max3A_857 : i32
      %sub3A_859 = arith.subi %min3A_858, %mul3A_713 : i32
      %mul3A_860 = arith.constant 32 : i32
      %mul3A_861 = arith.muli %sub3A_859, %mul3A_860 : i32
      %add3A_862 = arith.addi %mul3A_205, %mul3A_861 : i32
      %broadcast_in_dim3A_863 = vector.broadcast %add3A_862 : i32 to vector<16xi32>
      %add3A_864 = arith.addi %broadcast_in_dim3A_863, %min3A_768 : vector<16xi32>
      %gather3A_865 = tpu.vector_load_idx %arg7[%add3A_864] : memref<768xf32, #tpu.memory_space<vmem>>[vector<16xi32>], vector<16xf32>,
      %add3A_866 = arith.addi %broadcast_in_dim3A_863, %min3A_774 : vector<16xi32>
      %gather3A_867 = tpu.vector_load_idx %arg7[%add3A_866] : memref<768xf32, #tpu.memory_space<vmem>>[vector<16xi32>], vector<16xf32>,
      %mul3A_868 = arith.mulf %mul3A_778, %gather3A_865 : vector<16xf32>
      %mul3A_869 = arith.mulf %mul3A_780, %gather3A_867 : vector<16xf32>
      %add3A_870 = arith.addf %mul3A_868, %mul3A_869 : vector<16xf32>
      %add3A_871 = arith.constant 5 : i32
      %add3A_872 = arith.addi %sub3A_737, %add3A_871 : i32
      %jit3A_873 = arith.constant 0 : i32
      %jit3A_874 = arith.constant 31 : i32
      %max3A_875 = arith.maxsi %jit3A_873, %add3A_872 : i32
      %min3A_876 = arith.minsi %jit3A_874, %max3A_875 : i32
      %sub3A_877 = arith.subi %min3A_876, %mul3A_713 : i32
      %mul3A_878 = arith.constant 32 : i32
      %mul3A_879 = arith.muli %sub3A_877, %mul3A_878 : i32
      %add3A_880 = arith.addi %mul3A_205, %mul3A_879 : i32
      %broadcast_in_dim3A_881 = vector.broadcast %add3A_880 : i32 to vector<16xi32>
      %add3A_882 = arith.addi %broadcast_in_dim3A_881, %min3A_768 : vector<16xi32>
      %gather3A_883 = tpu.vector_load_idx %arg7[%add3A_882] : memref<768xf32, #tpu.memory_space<vmem>>[vector<16xi32>], vector<16xf32>,
      %add3A_884 = arith.addi %broadcast_in_dim3A_881, %min3A_774 : vector<16xi32>
      %gather3A_885 = tpu.vector_load_idx %arg7[%add3A_884] : memref<768xf32, #tpu.memory_space<vmem>>[vector<16xi32>], vector<16xf32>,
      %mul3A_886 = arith.mulf %mul3A_778, %gather3A_883 : vector<16xf32>
      %mul3A_887 = arith.mulf %mul3A_780, %gather3A_885 : vector<16xf32>
      %add3A_888 = arith.addf %mul3A_886, %mul3A_887 : vector<16xf32>
      %add3A_889 = arith.constant 6 : i32
      %add3A_890 = arith.addi %sub3A_737, %add3A_889 : i32
      %jit3A_891 = arith.constant 0 : i32
      %jit3A_892 = arith.constant 31 : i32
      %max3A_893 = arith.maxsi %jit3A_891, %add3A_890 : i32
      %min3A_894 = arith.minsi %jit3A_892, %max3A_893 : i32
      %sub3A_895 = arith.subi %min3A_894, %mul3A_713 : i32
      %mul3A_896 = arith.constant 32 : i32
      %mul3A_897 = arith.muli %sub3A_895, %mul3A_896 : i32
      %add3A_898 = arith.addi %mul3A_205, %mul3A_897 : i32
      %broadcast_in_dim3A_899 = vector.broadcast %add3A_898 : i32 to vector<16xi32>
      %add3A_900 = arith.addi %broadcast_in_dim3A_899, %min3A_768 : vector<16xi32>
      %gather3A_901 = tpu.vector_load_idx %arg7[%add3A_900] : memref<768xf32, #tpu.memory_space<vmem>>[vector<16xi32>], vector<16xf32>,
      %add3A_902 = arith.addi %broadcast_in_dim3A_899, %min3A_774 : vector<16xi32>
      %gather3A_903 = tpu.vector_load_idx %arg7[%add3A_902] : memref<768xf32, #tpu.memory_space<vmem>>[vector<16xi32>], vector<16xf32>,
      %mul3A_904 = arith.mulf %mul3A_778, %gather3A_901 : vector<16xf32>
      %mul3A_905 = arith.mulf %mul3A_780, %gather3A_903 : vector<16xf32>
      %add3A_906 = arith.addf %mul3A_904, %mul3A_905 : vector<16xf32>
      %add3A_907 = arith.constant 7 : i32
      %add3A_908 = arith.addi %sub3A_737, %add3A_907 : i32
      %jit3A_909 = arith.constant 0 : i32
      %jit3A_910 = arith.constant 31 : i32
      %max3A_911 = arith.maxsi %jit3A_909, %add3A_908 : i32
      %min3A_912 = arith.minsi %jit3A_910, %max3A_911 : i32
      %sub3A_913 = arith.subi %min3A_912, %mul3A_713 : i32
      %mul3A_914 = arith.constant 32 : i32
      %mul3A_915 = arith.muli %sub3A_913, %mul3A_914 : i32
      %add3A_916 = arith.addi %mul3A_205, %mul3A_915 : i32
      %broadcast_in_dim3A_917 = vector.broadcast %add3A_916 : i32 to vector<16xi32>
      %add3A_918 = arith.addi %broadcast_in_dim3A_917, %min3A_768 : vector<16xi32>
      %gather3A_919 = tpu.vector_load_idx %arg7[%add3A_918] : memref<768xf32, #tpu.memory_space<vmem>>[vector<16xi32>], vector<16xf32>,
      %add3A_920 = arith.addi %broadcast_in_dim3A_917, %min3A_774 : vector<16xi32>
      %gather3A_921 = tpu.vector_load_idx %arg7[%add3A_920] : memref<768xf32, #tpu.memory_space<vmem>>[vector<16xi32>], vector<16xf32>,
      %mul3A_922 = arith.mulf %mul3A_778, %gather3A_919 : vector<16xf32>
      %mul3A_923 = arith.mulf %mul3A_780, %gather3A_921 : vector<16xf32>
      %add3A_924 = arith.addf %mul3A_922, %mul3A_923 : vector<16xf32>
      %add3A_925 = arith.constant 8 : i32
      %add3A_926 = arith.addi %sub3A_737, %add3A_925 : i32
      %jit3A_927 = arith.constant 0 : i32
      %jit3A_928 = arith.constant 31 : i32
      %max3A_929 = arith.maxsi %jit3A_927, %add3A_926 : i32
      %min3A_930 = arith.minsi %jit3A_928, %max3A_929 : i32
      %sub3A_931 = arith.subi %min3A_930, %mul3A_713 : i32
      %mul3A_932 = arith.constant 32 : i32
      %mul3A_933 = arith.muli %sub3A_931, %mul3A_932 : i32
      %add3A_934 = arith.addi %mul3A_205, %mul3A_933 : i32
      %broadcast_in_dim3A_935 = vector.broadcast %add3A_934 : i32 to vector<16xi32>
      %add3A_936 = arith.addi %broadcast_in_dim3A_935, %min3A_768 : vector<16xi32>
      %gather3A_937 = tpu.vector_load_idx %arg7[%add3A_936] : memref<768xf32, #tpu.memory_space<vmem>>[vector<16xi32>], vector<16xf32>,
      %add3A_938 = arith.addi %broadcast_in_dim3A_935, %min3A_774 : vector<16xi32>
      %gather3A_939 = tpu.vector_load_idx %arg7[%add3A_938] : memref<768xf32, #tpu.memory_space<vmem>>[vector<16xi32>], vector<16xf32>,
      %mul3A_940 = arith.mulf %mul3A_778, %gather3A_937 : vector<16xf32>
      %mul3A_941 = arith.mulf %mul3A_780, %gather3A_939 : vector<16xf32>
      %add3A_942 = arith.addf %mul3A_940, %mul3A_941 : vector<16xf32>
      %add3A_943 = arith.constant 9 : i32
      %add3A_944 = arith.addi %sub3A_737, %add3A_943 : i32
      %jit3A_945 = arith.constant 0 : i32
      %jit3A_946 = arith.constant 31 : i32
      %max3A_947 = arith.maxsi %jit3A_945, %add3A_944 : i32
      %min3A_948 = arith.minsi %jit3A_946, %max3A_947 : i32
      %sub3A_949 = arith.subi %min3A_948, %mul3A_713 : i32
      %mul3A_950 = arith.constant 32 : i32
      %mul3A_951 = arith.muli %sub3A_949, %mul3A_950 : i32
      %add3A_952 = arith.addi %mul3A_205, %mul3A_951 : i32
      %broadcast_in_dim3A_953 = vector.broadcast %add3A_952 : i32 to vector<16xi32>
      %add3A_954 = arith.addi %broadcast_in_dim3A_953, %min3A_768 : vector<16xi32>
      %gather3A_955 = tpu.vector_load_idx %arg7[%add3A_954] : memref<768xf32, #tpu.memory_space<vmem>>[vector<16xi32>], vector<16xf32>,
      %add3A_956 = arith.addi %broadcast_in_dim3A_953, %min3A_774 : vector<16xi32>
      %gather3A_957 = tpu.vector_load_idx %arg7[%add3A_956] : memref<768xf32, #tpu.memory_space<vmem>>[vector<16xi32>], vector<16xf32>,
      %mul3A_958 = arith.mulf %mul3A_778, %gather3A_955 : vector<16xf32>
      %mul3A_959 = arith.mulf %mul3A_780, %gather3A_957 : vector<16xf32>
      %add3A_960 = arith.addf %mul3A_958, %mul3A_959 : vector<16xf32>
      %add3A_961 = arith.constant 81 : i32
      %add3A_962 = arith.addi %mul3A_209, %add3A_961 : i32
      %mul3A_963 = arith.constant 9 : i32
      %mul3A_964 = vector.broadcast %mul3A_963 : i32 to vector<16xi32>
      %mul3A_965 = arith.muli %iota3A, %mul3A_964 : vector<16xi32>
      %add3A_966 = vector.broadcast %add3A_962 : i32 to vector<16xi32>
      %add3A_967 = arith.addi %add3A_966, %mul3A_965 : vector<16xi32>
      %add3A_968 = arith.constant 0 : i32
      %add3A_969 = arith.addi %sub3A_737, %add3A_968 : i32
      %add3A_970 = arith.constant 1 : i32
      %add3A_971 = arith.addi %add3A_969, %add3A_970 : i32
      %ge3A_972 = arith.constant 0 : i32
      %ge3A_973 = arith.cmpi sge, %add3A_969, %ge3A_972 : i32
      %le3A_974 = arith.constant 31 : i32
      %le3A_975 = arith.cmpi sle, %add3A_969, %le3A_974 : i32
      %and3A_976 = arith.andi %ge3A_973, %le3A_975 : i1
      %sub3A_977 = arith.constant 1.000000e+00 : f32
      %sub3A_978 = arith.subf %sub3A_977, %sub3A_733 : f32
      %jit3A_979 = arith.constant 0.000000e+00 : f32
      %select_n3A_980 = arith.select %and3A_976, %sub3A_978, %jit3A_979 : f32
      %ge3A_981 = arith.constant 0 : i32
      %ge3A_982 = arith.cmpi sge, %add3A_971, %ge3A_981 : i32
      %le3A_983 = arith.constant 31 : i32
      %le3A_984 = arith.cmpi sle, %add3A_971, %le3A_983 : i32
      %and3A_985 = arith.andi %ge3A_982, %le3A_984 : i1
      %jit3A_986 = arith.constant 0.000000e+00 : f32
      %select_n3A_987 = arith.select %and3A_985, %sub3A_733, %jit3A_986 : f32
      %broadcast_in_dim3A_988 = vector.broadcast %select_n3A_980 : f32 to vector<16xf32>
      %mul3A_989 = arith.mulf %broadcast_in_dim3A_988, %add3A_798 : vector<16xf32>
      %broadcast_in_dim3A_990 = vector.broadcast %select_n3A_987 : f32 to vector<16xf32>
      %mul3A_991 = arith.mulf %broadcast_in_dim3A_990, %add3A_816 : vector<16xf32>
      %add3A_992 = arith.addf %mul3A_989, %mul3A_991 : vector<16xf32>
      %add3A_993 = arith.constant 0 : i32
      %add3A_994 = vector.broadcast %add3A_993 : i32 to vector<16xi32>
      %add3A_995 = arith.addi %add3A_967, %add3A_994 : vector<16xi32>
      tpu.vector_store_idx %arg9[%add3A_995], %add3A_992 masked %lt3A_125 : memref<672xf32, #tpu.memory_space<vmem>>[vector<16xi32>], vector<16xf32>, vector<16xi1>
      %add3A_996 = arith.constant 1 : i32
      %add3A_997 = arith.addi %sub3A_737, %add3A_996 : i32
      %add3A_998 = arith.constant 1 : i32
      %add3A_999 = arith.addi %add3A_997, %add3A_998 : i32
      %ge3A_1000 = arith.constant 0 : i32
      %ge3A_1001 = arith.cmpi sge, %add3A_997, %ge3A_1000 : i32
      %le3A_1002 = arith.constant 31 : i32
      %le3A_1003 = arith.cmpi sle, %add3A_997, %le3A_1002 : i32
      %and3A_1004 = arith.andi %ge3A_1001, %le3A_1003 : i1
      %sub3A_1005 = arith.constant 1.000000e+00 : f32
      %sub3A_1006 = arith.subf %sub3A_1005, %sub3A_733 : f32
      %jit3A_1007 = arith.constant 0.000000e+00 : f32
      %select_n3A_1008 = arith.select %and3A_1004, %sub3A_1006, %jit3A_1007 : f32
      %ge3A_1009 = arith.constant 0 : i32
      %ge3A_1010 = arith.cmpi sge, %add3A_999, %ge3A_1009 : i32
      %le3A_1011 = arith.constant 31 : i32
      %le3A_1012 = arith.cmpi sle, %add3A_999, %le3A_1011 : i32
      %and3A_1013 = arith.andi %ge3A_1010, %le3A_1012 : i1
      %jit3A_1014 = arith.constant 0.000000e+00 : f32
      %select_n3A_1015 = arith.select %and3A_1013, %sub3A_733, %jit3A_1014 : f32
      %broadcast_in_dim3A_1016 = vector.broadcast %select_n3A_1008 : f32 to vector<16xf32>
      %mul3A_1017 = arith.mulf %broadcast_in_dim3A_1016, %add3A_816 : vector<16xf32>
      %broadcast_in_dim3A_1018 = vector.broadcast %select_n3A_1015 : f32 to vector<16xf32>
      %mul3A_1019 = arith.mulf %broadcast_in_dim3A_1018, %add3A_834 : vector<16xf32>
      %add3A_1020 = arith.addf %mul3A_1017, %mul3A_1019 : vector<16xf32>
      %add3A_1021 = arith.constant 1 : i32
      %add3A_1022 = vector.broadcast %add3A_1021 : i32 to vector<16xi32>
      %add3A_1023 = arith.addi %add3A_967, %add3A_1022 : vector<16xi32>
      tpu.vector_store_idx %arg9[%add3A_1023], %add3A_1020 masked %lt3A_125 : memref<672xf32, #tpu.memory_space<vmem>>[vector<16xi32>], vector<16xf32>, vector<16xi1>
      %add3A_1024 = arith.constant 2 : i32
      %add3A_1025 = arith.addi %sub3A_737, %add3A_1024 : i32
      %add3A_1026 = arith.constant 1 : i32
      %add3A_1027 = arith.addi %add3A_1025, %add3A_1026 : i32
      %ge3A_1028 = arith.constant 0 : i32
      %ge3A_1029 = arith.cmpi sge, %add3A_1025, %ge3A_1028 : i32
      %le3A_1030 = arith.constant 31 : i32
      %le3A_1031 = arith.cmpi sle, %add3A_1025, %le3A_1030 : i32
      %and3A_1032 = arith.andi %ge3A_1029, %le3A_1031 : i1
      %sub3A_1033 = arith.constant 1.000000e+00 : f32
      %sub3A_1034 = arith.subf %sub3A_1033, %sub3A_733 : f32
      %jit3A_1035 = arith.constant 0.000000e+00 : f32
      %select_n3A_1036 = arith.select %and3A_1032, %sub3A_1034, %jit3A_1035 : f32
      %ge3A_1037 = arith.constant 0 : i32
      %ge3A_1038 = arith.cmpi sge, %add3A_1027, %ge3A_1037 : i32
      %le3A_1039 = arith.constant 31 : i32
      %le3A_1040 = arith.cmpi sle, %add3A_1027, %le3A_1039 : i32
      %and3A_1041 = arith.andi %ge3A_1038, %le3A_1040 : i1
      %jit3A_1042 = arith.constant 0.000000e+00 : f32
      %select_n3A_1043 = arith.select %and3A_1041, %sub3A_733, %jit3A_1042 : f32
      %broadcast_in_dim3A_1044 = vector.broadcast %select_n3A_1036 : f32 to vector<16xf32>
      %mul3A_1045 = arith.mulf %broadcast_in_dim3A_1044, %add3A_834 : vector<16xf32>
      %broadcast_in_dim3A_1046 = vector.broadcast %select_n3A_1043 : f32 to vector<16xf32>
      %mul3A_1047 = arith.mulf %broadcast_in_dim3A_1046, %add3A_852 : vector<16xf32>
      %add3A_1048 = arith.addf %mul3A_1045, %mul3A_1047 : vector<16xf32>
      %add3A_1049 = arith.constant 2 : i32
      %add3A_1050 = vector.broadcast %add3A_1049 : i32 to vector<16xi32>
      %add3A_1051 = arith.addi %add3A_967, %add3A_1050 : vector<16xi32>
      tpu.vector_store_idx %arg9[%add3A_1051], %add3A_1048 masked %lt3A_125 : memref<672xf32, #tpu.memory_space<vmem>>[vector<16xi32>], vector<16xf32>, vector<16xi1>
      %add3A_1052 = arith.constant 3 : i32
      %add3A_1053 = arith.addi %sub3A_737, %add3A_1052 : i32
      %add3A_1054 = arith.constant 1 : i32
      %add3A_1055 = arith.addi %add3A_1053, %add3A_1054 : i32
      %ge3A_1056 = arith.constant 0 : i32
      %ge3A_1057 = arith.cmpi sge, %add3A_1053, %ge3A_1056 : i32
      %le3A_1058 = arith.constant 31 : i32
      %le3A_1059 = arith.cmpi sle, %add3A_1053, %le3A_1058 : i32
      %and3A_1060 = arith.andi %ge3A_1057, %le3A_1059 : i1
      %sub3A_1061 = arith.constant 1.000000e+00 : f32
      %sub3A_1062 = arith.subf %sub3A_1061, %sub3A_733 : f32
      %jit3A_1063 = arith.constant 0.000000e+00 : f32
      %select_n3A_1064 = arith.select %and3A_1060, %sub3A_1062, %jit3A_1063 : f32
      %ge3A_1065 = arith.constant 0 : i32
      %ge3A_1066 = arith.cmpi sge, %add3A_1055, %ge3A_1065 : i32
      %le3A_1067 = arith.constant 31 : i32
      %le3A_1068 = arith.cmpi sle, %add3A_1055, %le3A_1067 : i32
      %and3A_1069 = arith.andi %ge3A_1066, %le3A_1068 : i1
      %jit3A_1070 = arith.constant 0.000000e+00 : f32
      %select_n3A_1071 = arith.select %and3A_1069, %sub3A_733, %jit3A_1070 : f32
      %broadcast_in_dim3A_1072 = vector.broadcast %select_n3A_1064 : f32 to vector<16xf32>
      %mul3A_1073 = arith.mulf %broadcast_in_dim3A_1072, %add3A_852 : vector<16xf32>
      %broadcast_in_dim3A_1074 = vector.broadcast %select_n3A_1071 : f32 to vector<16xf32>
      %mul3A_1075 = arith.mulf %broadcast_in_dim3A_1074, %add3A_870 : vector<16xf32>
      %add3A_1076 = arith.addf %mul3A_1073, %mul3A_1075 : vector<16xf32>
      %add3A_1077 = arith.constant 3 : i32
      %add3A_1078 = vector.broadcast %add3A_1077 : i32 to vector<16xi32>
      %add3A_1079 = arith.addi %add3A_967, %add3A_1078 : vector<16xi32>
      tpu.vector_store_idx %arg9[%add3A_1079], %add3A_1076 masked %lt3A_125 : memref<672xf32, #tpu.memory_space<vmem>>[vector<16xi32>], vector<16xf32>, vector<16xi1>
      %add3A_1080 = arith.constant 4 : i32
      %add3A_1081 = arith.addi %sub3A_737, %add3A_1080 : i32
      %add3A_1082 = arith.constant 1 : i32
      %add3A_1083 = arith.addi %add3A_1081, %add3A_1082 : i32
      %ge3A_1084 = arith.constant 0 : i32
      %ge3A_1085 = arith.cmpi sge, %add3A_1081, %ge3A_1084 : i32
      %le3A_1086 = arith.constant 31 : i32
      %le3A_1087 = arith.cmpi sle, %add3A_1081, %le3A_1086 : i32
      %and3A_1088 = arith.andi %ge3A_1085, %le3A_1087 : i1
      %sub3A_1089 = arith.constant 1.000000e+00 : f32
      %sub3A_1090 = arith.subf %sub3A_1089, %sub3A_733 : f32
      %jit3A_1091 = arith.constant 0.000000e+00 : f32
      %select_n3A_1092 = arith.select %and3A_1088, %sub3A_1090, %jit3A_1091 : f32
      %ge3A_1093 = arith.constant 0 : i32
      %ge3A_1094 = arith.cmpi sge, %add3A_1083, %ge3A_1093 : i32
      %le3A_1095 = arith.constant 31 : i32
      %le3A_1096 = arith.cmpi sle, %add3A_1083, %le3A_1095 : i32
      %and3A_1097 = arith.andi %ge3A_1094, %le3A_1096 : i1
      %jit3A_1098 = arith.constant 0.000000e+00 : f32
      %select_n3A_1099 = arith.select %and3A_1097, %sub3A_733, %jit3A_1098 : f32
      %broadcast_in_dim3A_1100 = vector.broadcast %select_n3A_1092 : f32 to vector<16xf32>
      %mul3A_1101 = arith.mulf %broadcast_in_dim3A_1100, %add3A_870 : vector<16xf32>
      %broadcast_in_dim3A_1102 = vector.broadcast %select_n3A_1099 : f32 to vector<16xf32>
      %mul3A_1103 = arith.mulf %broadcast_in_dim3A_1102, %add3A_888 : vector<16xf32>
      %add3A_1104 = arith.addf %mul3A_1101, %mul3A_1103 : vector<16xf32>
      %add3A_1105 = arith.constant 4 : i32
      %add3A_1106 = vector.broadcast %add3A_1105 : i32 to vector<16xi32>
      %add3A_1107 = arith.addi %add3A_967, %add3A_1106 : vector<16xi32>
      tpu.vector_store_idx %arg9[%add3A_1107], %add3A_1104 masked %lt3A_125 : memref<672xf32, #tpu.memory_space<vmem>>[vector<16xi32>], vector<16xf32>, vector<16xi1>
      %add3A_1108 = arith.constant 5 : i32
      %add3A_1109 = arith.addi %sub3A_737, %add3A_1108 : i32
      %add3A_1110 = arith.constant 1 : i32
      %add3A_1111 = arith.addi %add3A_1109, %add3A_1110 : i32
      %ge3A_1112 = arith.constant 0 : i32
      %ge3A_1113 = arith.cmpi sge, %add3A_1109, %ge3A_1112 : i32
      %le3A_1114 = arith.constant 31 : i32
      %le3A_1115 = arith.cmpi sle, %add3A_1109, %le3A_1114 : i32
      %and3A_1116 = arith.andi %ge3A_1113, %le3A_1115 : i1
      %sub3A_1117 = arith.constant 1.000000e+00 : f32
      %sub3A_1118 = arith.subf %sub3A_1117, %sub3A_733 : f32
      %jit3A_1119 = arith.constant 0.000000e+00 : f32
      %select_n3A_1120 = arith.select %and3A_1116, %sub3A_1118, %jit3A_1119 : f32
      %ge3A_1121 = arith.constant 0 : i32
      %ge3A_1122 = arith.cmpi sge, %add3A_1111, %ge3A_1121 : i32
      %le3A_1123 = arith.constant 31 : i32
      %le3A_1124 = arith.cmpi sle, %add3A_1111, %le3A_1123 : i32
      %and3A_1125 = arith.andi %ge3A_1122, %le3A_1124 : i1
      %jit3A_1126 = arith.constant 0.000000e+00 : f32
      %select_n3A_1127 = arith.select %and3A_1125, %sub3A_733, %jit3A_1126 : f32
      %broadcast_in_dim3A_1128 = vector.broadcast %select_n3A_1120 : f32 to vector<16xf32>
      %mul3A_1129 = arith.mulf %broadcast_in_dim3A_1128, %add3A_888 : vector<16xf32>
      %broadcast_in_dim3A_1130 = vector.broadcast %select_n3A_1127 : f32 to vector<16xf32>
      %mul3A_1131 = arith.mulf %broadcast_in_dim3A_1130, %add3A_906 : vector<16xf32>
      %add3A_1132 = arith.addf %mul3A_1129, %mul3A_1131 : vector<16xf32>
      %add3A_1133 = arith.constant 5 : i32
      %add3A_1134 = vector.broadcast %add3A_1133 : i32 to vector<16xi32>
      %add3A_1135 = arith.addi %add3A_967, %add3A_1134 : vector<16xi32>
      tpu.vector_store_idx %arg9[%add3A_1135], %add3A_1132 masked %lt3A_125 : memref<672xf32, #tpu.memory_space<vmem>>[vector<16xi32>], vector<16xf32>, vector<16xi1>
      %add3A_1136 = arith.constant 6 : i32
      %add3A_1137 = arith.addi %sub3A_737, %add3A_1136 : i32
      %add3A_1138 = arith.constant 1 : i32
      %add3A_1139 = arith.addi %add3A_1137, %add3A_1138 : i32
      %ge3A_1140 = arith.constant 0 : i32
      %ge3A_1141 = arith.cmpi sge, %add3A_1137, %ge3A_1140 : i32
      %le3A_1142 = arith.constant 31 : i32
      %le3A_1143 = arith.cmpi sle, %add3A_1137, %le3A_1142 : i32
      %and3A_1144 = arith.andi %ge3A_1141, %le3A_1143 : i1
      %sub3A_1145 = arith.constant 1.000000e+00 : f32
      %sub3A_1146 = arith.subf %sub3A_1145, %sub3A_733 : f32
      %jit3A_1147 = arith.constant 0.000000e+00 : f32
      %select_n3A_1148 = arith.select %and3A_1144, %sub3A_1146, %jit3A_1147 : f32
      %ge3A_1149 = arith.constant 0 : i32
      %ge3A_1150 = arith.cmpi sge, %add3A_1139, %ge3A_1149 : i32
      %le3A_1151 = arith.constant 31 : i32
      %le3A_1152 = arith.cmpi sle, %add3A_1139, %le3A_1151 : i32
      %and3A_1153 = arith.andi %ge3A_1150, %le3A_1152 : i1
      %jit3A_1154 = arith.constant 0.000000e+00 : f32
      %select_n3A_1155 = arith.select %and3A_1153, %sub3A_733, %jit3A_1154 : f32
      %broadcast_in_dim3A_1156 = vector.broadcast %select_n3A_1148 : f32 to vector<16xf32>
      %mul3A_1157 = arith.mulf %broadcast_in_dim3A_1156, %add3A_906 : vector<16xf32>
      %broadcast_in_dim3A_1158 = vector.broadcast %select_n3A_1155 : f32 to vector<16xf32>
      %mul3A_1159 = arith.mulf %broadcast_in_dim3A_1158, %add3A_924 : vector<16xf32>
      %add3A_1160 = arith.addf %mul3A_1157, %mul3A_1159 : vector<16xf32>
      %add3A_1161 = arith.constant 6 : i32
      %add3A_1162 = vector.broadcast %add3A_1161 : i32 to vector<16xi32>
      %add3A_1163 = arith.addi %add3A_967, %add3A_1162 : vector<16xi32>
      tpu.vector_store_idx %arg9[%add3A_1163], %add3A_1160 masked %lt3A_125 : memref<672xf32, #tpu.memory_space<vmem>>[vector<16xi32>], vector<16xf32>, vector<16xi1>
      %add3A_1164 = arith.constant 7 : i32
      %add3A_1165 = arith.addi %sub3A_737, %add3A_1164 : i32
      %add3A_1166 = arith.constant 1 : i32
      %add3A_1167 = arith.addi %add3A_1165, %add3A_1166 : i32
      %ge3A_1168 = arith.constant 0 : i32
      %ge3A_1169 = arith.cmpi sge, %add3A_1165, %ge3A_1168 : i32
      %le3A_1170 = arith.constant 31 : i32
      %le3A_1171 = arith.cmpi sle, %add3A_1165, %le3A_1170 : i32
      %and3A_1172 = arith.andi %ge3A_1169, %le3A_1171 : i1
      %sub3A_1173 = arith.constant 1.000000e+00 : f32
      %sub3A_1174 = arith.subf %sub3A_1173, %sub3A_733 : f32
      %jit3A_1175 = arith.constant 0.000000e+00 : f32
      %select_n3A_1176 = arith.select %and3A_1172, %sub3A_1174, %jit3A_1175 : f32
      %ge3A_1177 = arith.constant 0 : i32
      %ge3A_1178 = arith.cmpi sge, %add3A_1167, %ge3A_1177 : i32
      %le3A_1179 = arith.constant 31 : i32
      %le3A_1180 = arith.cmpi sle, %add3A_1167, %le3A_1179 : i32
      %and3A_1181 = arith.andi %ge3A_1178, %le3A_1180 : i1
      %jit3A_1182 = arith.constant 0.000000e+00 : f32
      %select_n3A_1183 = arith.select %and3A_1181, %sub3A_733, %jit3A_1182 : f32
      %broadcast_in_dim3A_1184 = vector.broadcast %select_n3A_1176 : f32 to vector<16xf32>
      %mul3A_1185 = arith.mulf %broadcast_in_dim3A_1184, %add3A_924 : vector<16xf32>
      %broadcast_in_dim3A_1186 = vector.broadcast %select_n3A_1183 : f32 to vector<16xf32>
      %mul3A_1187 = arith.mulf %broadcast_in_dim3A_1186, %add3A_942 : vector<16xf32>
      %add3A_1188 = arith.addf %mul3A_1185, %mul3A_1187 : vector<16xf32>
      %add3A_1189 = arith.constant 7 : i32
      %add3A_1190 = vector.broadcast %add3A_1189 : i32 to vector<16xi32>
      %add3A_1191 = arith.addi %add3A_967, %add3A_1190 : vector<16xi32>
      tpu.vector_store_idx %arg9[%add3A_1191], %add3A_1188 masked %lt3A_125 : memref<672xf32, #tpu.memory_space<vmem>>[vector<16xi32>], vector<16xf32>, vector<16xi1>
      %add3A_1192 = arith.constant 8 : i32
      %add3A_1193 = arith.addi %sub3A_737, %add3A_1192 : i32
      %add3A_1194 = arith.constant 1 : i32
      %add3A_1195 = arith.addi %add3A_1193, %add3A_1194 : i32
      %ge3A_1196 = arith.constant 0 : i32
      %ge3A_1197 = arith.cmpi sge, %add3A_1193, %ge3A_1196 : i32
      %le3A_1198 = arith.constant 31 : i32
      %le3A_1199 = arith.cmpi sle, %add3A_1193, %le3A_1198 : i32
      %and3A_1200 = arith.andi %ge3A_1197, %le3A_1199 : i1
      %sub3A_1201 = arith.constant 1.000000e+00 : f32
      %sub3A_1202 = arith.subf %sub3A_1201, %sub3A_733 : f32
      %jit3A_1203 = arith.constant 0.000000e+00 : f32
      %select_n3A_1204 = arith.select %and3A_1200, %sub3A_1202, %jit3A_1203 : f32
      %ge3A_1205 = arith.constant 0 : i32
      %ge3A_1206 = arith.cmpi sge, %add3A_1195, %ge3A_1205 : i32
      %le3A_1207 = arith.constant 31 : i32
      %le3A_1208 = arith.cmpi sle, %add3A_1195, %le3A_1207 : i32
      %and3A_1209 = arith.andi %ge3A_1206, %le3A_1208 : i1
      %jit3A_1210 = arith.constant 0.000000e+00 : f32
      %select_n3A_1211 = arith.select %and3A_1209, %sub3A_733, %jit3A_1210 : f32
      %broadcast_in_dim3A_1212 = vector.broadcast %select_n3A_1204 : f32 to vector<16xf32>
      %mul3A_1213 = arith.mulf %broadcast_in_dim3A_1212, %add3A_942 : vector<16xf32>
      %broadcast_in_dim3A_1214 = vector.broadcast %select_n3A_1211 : f32 to vector<16xf32>
      %mul3A_1215 = arith.mulf %broadcast_in_dim3A_1214, %add3A_960 : vector<16xf32>
      %add3A_1216 = arith.addf %mul3A_1213, %mul3A_1215 : vector<16xf32>
      %add3A_1217 = arith.constant 8 : i32
      %add3A_1218 = vector.broadcast %add3A_1217 : i32 to vector<16xi32>
      %add3A_1219 = arith.addi %add3A_967, %add3A_1218 : vector<16xi32>
      tpu.vector_store_idx %arg9[%add3A_1219], %add3A_1216 masked %lt3A_125 : memref<672xf32, #tpu.memory_space<vmem>>[vector<16xi32>], vector<16xf32>, vector<16xi1>
      %mul3A_1220 = arith.constant 2.500000e-01 : f32
      %mul3A_1221 = arith.mulf %squeeze3A_149, %mul3A_1220 : f32
      %mul3A_1222 = arith.constant 2.500000e-01 : f32
      %mul3A_1223 = arith.mulf %squeeze3A_151, %mul3A_1222 : f32
      %convert_element_type3A_1224 = arith.fptosi %mul3A_1221 : f32 to i32
      %convert_element_type3A_1225 = arith.sitofp %convert_element_type3A_1224 : i32 to f32
      %gt3A_1226 = arith.cmpf ogt, %convert_element_type3A_1225, %mul3A_1221 : f32
      %sub3A_1227 = arith.constant 1 : i32
      %sub3A_1228 = arith.subi %convert_element_type3A_1224, %sub3A_1227 : i32
      %select_n3A_1229 = arith.select %gt3A_1226, %sub3A_1228, %convert_element_type3A_1224 : i32
      %convert_element_type3A_1230 = arith.sitofp %select_n3A_1229 : i32 to f32
      %sub3A_1231 = arith.subf %mul3A_1221, %convert_element_type3A_1230 : f32
      %convert_element_type3A_1232 = arith.fptosi %mul3A_1223 : f32 to i32
      %convert_element_type3A_1233 = arith.sitofp %convert_element_type3A_1232 : i32 to f32
      %gt3A_1234 = arith.cmpf ogt, %convert_element_type3A_1233, %mul3A_1223 : f32
      %sub3A_1235 = arith.constant 1 : i32
      %sub3A_1236 = arith.subi %convert_element_type3A_1232, %sub3A_1235 : i32
      %select_n3A_1237 = arith.select %gt3A_1234, %sub3A_1236, %convert_element_type3A_1232 : i32
      %convert_element_type3A_1238 = arith.sitofp %select_n3A_1237 : i32 to f32
      %sub3A_1239 = arith.subf %mul3A_1223, %convert_element_type3A_1238 : f32
      %sub3A_1240 = arith.constant 4 : i32
      %sub3A_1241 = arith.subi %select_n3A_1229, %sub3A_1240 : i32
      %sub3A_1242 = arith.constant 4 : i32
      %sub3A_1243 = arith.subi %select_n3A_1237, %sub3A_1242 : i32
      %broadcast_in_dim3A_1244 = arith.constant 1.000000e+00 : f32
      %broadcast_in_dim3A_1245 = vector.broadcast %broadcast_in_dim3A_1244 : f32 to vector<16xf32>
      %broadcast_in_dim3A_1246 = arith.constant 0.000000e+00 : f32
      %broadcast_in_dim3A_1247 = vector.broadcast %broadcast_in_dim3A_1246 : f32 to vector<16xf32>
      %broadcast_in_dim3A_1248 = vector.broadcast %sub3A_1241 : i32 to vector<16xi32>
      %add3A_1249 = arith.addi %broadcast_in_dim3A_1248, %iota3A : vector<16xi32>
      %add3A_1250 = arith.constant 1 : i32
      %add3A_1251 = vector.broadcast %add3A_1250 : i32 to vector<16xi32>
      %add3A_1252 = arith.addi %add3A_1249, %add3A_1251 : vector<16xi32>
      %ge3A_1253 = arith.constant 0 : i32
      %ge3A_1254 = vector.broadcast %ge3A_1253 : i32 to vector<16xi32>
      %ge3A_1255 = arith.cmpi sge, %add3A_1249, %ge3A_1254 : vector<16xi32>
      %le3A_1256 = arith.constant 15 : i32
      %le3A_1257 = vector.broadcast %le3A_1256 : i32 to vector<16xi32>
      %le3A_1258 = arith.cmpi sle, %add3A_1249, %le3A_1257 : vector<16xi32>
      %and3A_1259 = arith.andi %ge3A_1255, %le3A_1258 : vector<16xi1>
      %select_n3A_1260 = arith.select %and3A_1259, %broadcast_in_dim3A_1245, %broadcast_in_dim3A_1247 : vector<16xi1>, vector<16xf32>
      %ge3A_1261 = arith.constant 0 : i32
      %ge3A_1262 = vector.broadcast %ge3A_1261 : i32 to vector<16xi32>
      %ge3A_1263 = arith.cmpi sge, %add3A_1252, %ge3A_1262 : vector<16xi32>
      %le3A_1264 = arith.constant 15 : i32
      %le3A_1265 = vector.broadcast %le3A_1264 : i32 to vector<16xi32>
      %le3A_1266 = arith.cmpi sle, %add3A_1252, %le3A_1265 : vector<16xi32>
      %and3A_1267 = arith.andi %ge3A_1263, %le3A_1266 : vector<16xi1>
      %select_n3A_1268 = arith.select %and3A_1267, %broadcast_in_dim3A_1245, %broadcast_in_dim3A_1247 : vector<16xi1>, vector<16xf32>
      %jit3A_1269 = arith.constant 0 : i32
      %jit3A_1270 = arith.constant 15 : i32
      %max3A_1271 = vector.broadcast %jit3A_1269 : i32 to vector<16xi32>
      %max3A_1272 = arith.maxsi %max3A_1271, %add3A_1249 : vector<16xi32>
      %min3A_1273 = vector.broadcast %jit3A_1270 : i32 to vector<16xi32>
      %min3A_1274 = arith.minsi %min3A_1273, %max3A_1272 : vector<16xi32>
      %jit3A_1275 = arith.constant 0 : i32
      %jit3A_1276 = arith.constant 15 : i32
      %max3A_1277 = vector.broadcast %jit3A_1275 : i32 to vector<16xi32>
      %max3A_1278 = arith.maxsi %max3A_1277, %add3A_1252 : vector<16xi32>
      %min3A_1279 = vector.broadcast %jit3A_1276 : i32 to vector<16xi32>
      %min3A_1280 = arith.minsi %min3A_1279, %max3A_1278 : vector<16xi32>
      %sub3A_1281 = arith.constant 1.000000e+00 : f32
      %sub3A_1282 = arith.subf %sub3A_1281, %sub3A_1231 : f32
      %broadcast_in_dim3A_1283 = vector.broadcast %sub3A_1282 : f32 to vector<16xf32>
      %mul3A_1284 = arith.mulf %broadcast_in_dim3A_1283, %select_n3A_1260 : vector<16xf32>
      %broadcast_in_dim3A_1285 = vector.broadcast %sub3A_1231 : f32 to vector<16xf32>
      %mul3A_1286 = arith.mulf %broadcast_in_dim3A_1285, %select_n3A_1268 : vector<16xf32>
      %add3A_1287 = arith.constant 0 : i32
      %add3A_1288 = arith.addi %sub3A_1243, %add3A_1287 : i32
      %jit3A_1289 = arith.constant 0 : i32
      %jit3A_1290 = arith.constant 15 : i32
      %max3A_1291 = arith.maxsi %jit3A_1289, %add3A_1288 : i32
      %min3A_1292 = arith.minsi %jit3A_1290, %max3A_1291 : i32
      %sub3A_1293 = arith.constant 0 : i32
      %sub3A_1294 = arith.subi %min3A_1292, %sub3A_1293 : i32
      %mul3A_1295 = arith.constant 16 : i32
      %mul3A_1296 = arith.muli %sub3A_1294, %mul3A_1295 : i32
      %add3A_1297 = arith.addi %mul3A_207, %mul3A_1296 : i32
      %broadcast_in_dim3A_1298 = vector.broadcast %add3A_1297 : i32 to vector<16xi32>
      %add3A_1299 = arith.addi %broadcast_in_dim3A_1298, %min3A_1274 : vector<16xi32>
      %gather3A_1300 = tpu.vector_load_idx %arg8[%add3A_1299] : memref<640xf32, #tpu.memory_space<vmem>>[vector<16xi32>], vector<16xf32>,
      %add3A_1301 = arith.addi %broadcast_in_dim3A_1298, %min3A_1280 : vector<16xi32>
      %gather3A_1302 = tpu.vector_load_idx %arg8[%add3A_1301] : memref<640xf32, #tpu.memory_space<vmem>>[vector<16xi32>], vector<16xf32>,
      %mul3A_1303 = arith.mulf %mul3A_1284, %gather3A_1300 : vector<16xf32>
      %mul3A_1304 = arith.mulf %mul3A_1286, %gather3A_1302 : vector<16xf32>
      %add3A_1305 = arith.addf %mul3A_1303, %mul3A_1304 : vector<16xf32>
      %add3A_1306 = arith.constant 1 : i32
      %add3A_1307 = arith.addi %sub3A_1243, %add3A_1306 : i32
      %jit3A_1308 = arith.constant 0 : i32
      %jit3A_1309 = arith.constant 15 : i32
      %max3A_1310 = arith.maxsi %jit3A_1308, %add3A_1307 : i32
      %min3A_1311 = arith.minsi %jit3A_1309, %max3A_1310 : i32
      %sub3A_1312 = arith.constant 0 : i32
      %sub3A_1313 = arith.subi %min3A_1311, %sub3A_1312 : i32
      %mul3A_1314 = arith.constant 16 : i32
      %mul3A_1315 = arith.muli %sub3A_1313, %mul3A_1314 : i32
      %add3A_1316 = arith.addi %mul3A_207, %mul3A_1315 : i32
      %broadcast_in_dim3A_1317 = vector.broadcast %add3A_1316 : i32 to vector<16xi32>
      %add3A_1318 = arith.addi %broadcast_in_dim3A_1317, %min3A_1274 : vector<16xi32>
      %gather3A_1319 = tpu.vector_load_idx %arg8[%add3A_1318] : memref<640xf32, #tpu.memory_space<vmem>>[vector<16xi32>], vector<16xf32>,
      %add3A_1320 = arith.addi %broadcast_in_dim3A_1317, %min3A_1280 : vector<16xi32>
      %gather3A_1321 = tpu.vector_load_idx %arg8[%add3A_1320] : memref<640xf32, #tpu.memory_space<vmem>>[vector<16xi32>], vector<16xf32>,
      %mul3A_1322 = arith.mulf %mul3A_1284, %gather3A_1319 : vector<16xf32>
      %mul3A_1323 = arith.mulf %mul3A_1286, %gather3A_1321 : vector<16xf32>
      %add3A_1324 = arith.addf %mul3A_1322, %mul3A_1323 : vector<16xf32>
      %add3A_1325 = arith.constant 2 : i32
      %add3A_1326 = arith.addi %sub3A_1243, %add3A_1325 : i32
      %jit3A_1327 = arith.constant 0 : i32
      %jit3A_1328 = arith.constant 15 : i32
      %max3A_1329 = arith.maxsi %jit3A_1327, %add3A_1326 : i32
      %min3A_1330 = arith.minsi %jit3A_1328, %max3A_1329 : i32
      %sub3A_1331 = arith.constant 0 : i32
      %sub3A_1332 = arith.subi %min3A_1330, %sub3A_1331 : i32
      %mul3A_1333 = arith.constant 16 : i32
      %mul3A_1334 = arith.muli %sub3A_1332, %mul3A_1333 : i32
      %add3A_1335 = arith.addi %mul3A_207, %mul3A_1334 : i32
      %broadcast_in_dim3A_1336 = vector.broadcast %add3A_1335 : i32 to vector<16xi32>
      %add3A_1337 = arith.addi %broadcast_in_dim3A_1336, %min3A_1274 : vector<16xi32>
      %gather3A_1338 = tpu.vector_load_idx %arg8[%add3A_1337] : memref<640xf32, #tpu.memory_space<vmem>>[vector<16xi32>], vector<16xf32>,
      %add3A_1339 = arith.addi %broadcast_in_dim3A_1336, %min3A_1280 : vector<16xi32>
      %gather3A_1340 = tpu.vector_load_idx %arg8[%add3A_1339] : memref<640xf32, #tpu.memory_space<vmem>>[vector<16xi32>], vector<16xf32>,
      %mul3A_1341 = arith.mulf %mul3A_1284, %gather3A_1338 : vector<16xf32>
      %mul3A_1342 = arith.mulf %mul3A_1286, %gather3A_1340 : vector<16xf32>
      %add3A_1343 = arith.addf %mul3A_1341, %mul3A_1342 : vector<16xf32>
      %add3A_1344 = arith.constant 3 : i32
      %add3A_1345 = arith.addi %sub3A_1243, %add3A_1344 : i32
      %jit3A_1346 = arith.constant 0 : i32
      %jit3A_1347 = arith.constant 15 : i32
      %max3A_1348 = arith.maxsi %jit3A_1346, %add3A_1345 : i32
      %min3A_1349 = arith.minsi %jit3A_1347, %max3A_1348 : i32
      %sub3A_1350 = arith.constant 0 : i32
      %sub3A_1351 = arith.subi %min3A_1349, %sub3A_1350 : i32
      %mul3A_1352 = arith.constant 16 : i32
      %mul3A_1353 = arith.muli %sub3A_1351, %mul3A_1352 : i32
      %add3A_1354 = arith.addi %mul3A_207, %mul3A_1353 : i32
      %broadcast_in_dim3A_1355 = vector.broadcast %add3A_1354 : i32 to vector<16xi32>
      %add3A_1356 = arith.addi %broadcast_in_dim3A_1355, %min3A_1274 : vector<16xi32>
      %gather3A_1357 = tpu.vector_load_idx %arg8[%add3A_1356] : memref<640xf32, #tpu.memory_space<vmem>>[vector<16xi32>], vector<16xf32>,
      %add3A_1358 = arith.addi %broadcast_in_dim3A_1355, %min3A_1280 : vector<16xi32>
      %gather3A_1359 = tpu.vector_load_idx %arg8[%add3A_1358] : memref<640xf32, #tpu.memory_space<vmem>>[vector<16xi32>], vector<16xf32>,
      %mul3A_1360 = arith.mulf %mul3A_1284, %gather3A_1357 : vector<16xf32>
      %mul3A_1361 = arith.mulf %mul3A_1286, %gather3A_1359 : vector<16xf32>
      %add3A_1362 = arith.addf %mul3A_1360, %mul3A_1361 : vector<16xf32>
      %add3A_1363 = arith.constant 4 : i32
      %add3A_1364 = arith.addi %sub3A_1243, %add3A_1363 : i32
      %jit3A_1365 = arith.constant 0 : i32
      %jit3A_1366 = arith.constant 15 : i32
      %max3A_1367 = arith.maxsi %jit3A_1365, %add3A_1364 : i32
      %min3A_1368 = arith.minsi %jit3A_1366, %max3A_1367 : i32
      %sub3A_1369 = arith.constant 0 : i32
      %sub3A_1370 = arith.subi %min3A_1368, %sub3A_1369 : i32
      %mul3A_1371 = arith.constant 16 : i32
      %mul3A_1372 = arith.muli %sub3A_1370, %mul3A_1371 : i32
      %add3A_1373 = arith.addi %mul3A_207, %mul3A_1372 : i32
      %broadcast_in_dim3A_1374 = vector.broadcast %add3A_1373 : i32 to vector<16xi32>
      %add3A_1375 = arith.addi %broadcast_in_dim3A_1374, %min3A_1274 : vector<16xi32>
      %gather3A_1376 = tpu.vector_load_idx %arg8[%add3A_1375] : memref<640xf32, #tpu.memory_space<vmem>>[vector<16xi32>], vector<16xf32>,
      %add3A_1377 = arith.addi %broadcast_in_dim3A_1374, %min3A_1280 : vector<16xi32>
      %gather3A_1378 = tpu.vector_load_idx %arg8[%add3A_1377] : memref<640xf32, #tpu.memory_space<vmem>>[vector<16xi32>], vector<16xf32>,
      %mul3A_1379 = arith.mulf %mul3A_1284, %gather3A_1376 : vector<16xf32>
      %mul3A_1380 = arith.mulf %mul3A_1286, %gather3A_1378 : vector<16xf32>
      %add3A_1381 = arith.addf %mul3A_1379, %mul3A_1380 : vector<16xf32>
      %add3A_1382 = arith.constant 5 : i32
      %add3A_1383 = arith.addi %sub3A_1243, %add3A_1382 : i32
      %jit3A_1384 = arith.constant 0 : i32
      %jit3A_1385 = arith.constant 15 : i32
      %max3A_1386 = arith.maxsi %jit3A_1384, %add3A_1383 : i32
      %min3A_1387 = arith.minsi %jit3A_1385, %max3A_1386 : i32
      %sub3A_1388 = arith.constant 0 : i32
      %sub3A_1389 = arith.subi %min3A_1387, %sub3A_1388 : i32
      %mul3A_1390 = arith.constant 16 : i32
      %mul3A_1391 = arith.muli %sub3A_1389, %mul3A_1390 : i32
      %add3A_1392 = arith.addi %mul3A_207, %mul3A_1391 : i32
      %broadcast_in_dim3A_1393 = vector.broadcast %add3A_1392 : i32 to vector<16xi32>
      %add3A_1394 = arith.addi %broadcast_in_dim3A_1393, %min3A_1274 : vector<16xi32>
      %gather3A_1395 = tpu.vector_load_idx %arg8[%add3A_1394] : memref<640xf32, #tpu.memory_space<vmem>>[vector<16xi32>], vector<16xf32>,
      %add3A_1396 = arith.addi %broadcast_in_dim3A_1393, %min3A_1280 : vector<16xi32>
      %gather3A_1397 = tpu.vector_load_idx %arg8[%add3A_1396] : memref<640xf32, #tpu.memory_space<vmem>>[vector<16xi32>], vector<16xf32>,
      %mul3A_1398 = arith.mulf %mul3A_1284, %gather3A_1395 : vector<16xf32>
      %mul3A_1399 = arith.mulf %mul3A_1286, %gather3A_1397 : vector<16xf32>
      %add3A_1400 = arith.addf %mul3A_1398, %mul3A_1399 : vector<16xf32>
      %add3A_1401 = arith.constant 6 : i32
      %add3A_1402 = arith.addi %sub3A_1243, %add3A_1401 : i32
      %jit3A_1403 = arith.constant 0 : i32
      %jit3A_1404 = arith.constant 15 : i32
      %max3A_1405 = arith.maxsi %jit3A_1403, %add3A_1402 : i32
      %min3A_1406 = arith.minsi %jit3A_1404, %max3A_1405 : i32
      %sub3A_1407 = arith.constant 0 : i32
      %sub3A_1408 = arith.subi %min3A_1406, %sub3A_1407 : i32
      %mul3A_1409 = arith.constant 16 : i32
      %mul3A_1410 = arith.muli %sub3A_1408, %mul3A_1409 : i32
      %add3A_1411 = arith.addi %mul3A_207, %mul3A_1410 : i32
      %broadcast_in_dim3A_1412 = vector.broadcast %add3A_1411 : i32 to vector<16xi32>
      %add3A_1413 = arith.addi %broadcast_in_dim3A_1412, %min3A_1274 : vector<16xi32>
      %gather3A_1414 = tpu.vector_load_idx %arg8[%add3A_1413] : memref<640xf32, #tpu.memory_space<vmem>>[vector<16xi32>], vector<16xf32>,
      %add3A_1415 = arith.addi %broadcast_in_dim3A_1412, %min3A_1280 : vector<16xi32>
      %gather3A_1416 = tpu.vector_load_idx %arg8[%add3A_1415] : memref<640xf32, #tpu.memory_space<vmem>>[vector<16xi32>], vector<16xf32>,
      %mul3A_1417 = arith.mulf %mul3A_1284, %gather3A_1414 : vector<16xf32>
      %mul3A_1418 = arith.mulf %mul3A_1286, %gather3A_1416 : vector<16xf32>
      %add3A_1419 = arith.addf %mul3A_1417, %mul3A_1418 : vector<16xf32>
      %add3A_1420 = arith.constant 7 : i32
      %add3A_1421 = arith.addi %sub3A_1243, %add3A_1420 : i32
      %jit3A_1422 = arith.constant 0 : i32
      %jit3A_1423 = arith.constant 15 : i32
      %max3A_1424 = arith.maxsi %jit3A_1422, %add3A_1421 : i32
      %min3A_1425 = arith.minsi %jit3A_1423, %max3A_1424 : i32
      %sub3A_1426 = arith.constant 0 : i32
      %sub3A_1427 = arith.subi %min3A_1425, %sub3A_1426 : i32
      %mul3A_1428 = arith.constant 16 : i32
      %mul3A_1429 = arith.muli %sub3A_1427, %mul3A_1428 : i32
      %add3A_1430 = arith.addi %mul3A_207, %mul3A_1429 : i32
      %broadcast_in_dim3A_1431 = vector.broadcast %add3A_1430 : i32 to vector<16xi32>
      %add3A_1432 = arith.addi %broadcast_in_dim3A_1431, %min3A_1274 : vector<16xi32>
      %gather3A_1433 = tpu.vector_load_idx %arg8[%add3A_1432] : memref<640xf32, #tpu.memory_space<vmem>>[vector<16xi32>], vector<16xf32>,
      %add3A_1434 = arith.addi %broadcast_in_dim3A_1431, %min3A_1280 : vector<16xi32>
      %gather3A_1435 = tpu.vector_load_idx %arg8[%add3A_1434] : memref<640xf32, #tpu.memory_space<vmem>>[vector<16xi32>], vector<16xf32>,
      %mul3A_1436 = arith.mulf %mul3A_1284, %gather3A_1433 : vector<16xf32>
      %mul3A_1437 = arith.mulf %mul3A_1286, %gather3A_1435 : vector<16xf32>
      %add3A_1438 = arith.addf %mul3A_1436, %mul3A_1437 : vector<16xf32>
      %add3A_1439 = arith.constant 8 : i32
      %add3A_1440 = arith.addi %sub3A_1243, %add3A_1439 : i32
      %jit3A_1441 = arith.constant 0 : i32
      %jit3A_1442 = arith.constant 15 : i32
      %max3A_1443 = arith.maxsi %jit3A_1441, %add3A_1440 : i32
      %min3A_1444 = arith.minsi %jit3A_1442, %max3A_1443 : i32
      %sub3A_1445 = arith.constant 0 : i32
      %sub3A_1446 = arith.subi %min3A_1444, %sub3A_1445 : i32
      %mul3A_1447 = arith.constant 16 : i32
      %mul3A_1448 = arith.muli %sub3A_1446, %mul3A_1447 : i32
      %add3A_1449 = arith.addi %mul3A_207, %mul3A_1448 : i32
      %broadcast_in_dim3A_1450 = vector.broadcast %add3A_1449 : i32 to vector<16xi32>
      %add3A_1451 = arith.addi %broadcast_in_dim3A_1450, %min3A_1274 : vector<16xi32>
      %gather3A_1452 = tpu.vector_load_idx %arg8[%add3A_1451] : memref<640xf32, #tpu.memory_space<vmem>>[vector<16xi32>], vector<16xf32>,
      %add3A_1453 = arith.addi %broadcast_in_dim3A_1450, %min3A_1280 : vector<16xi32>
      %gather3A_1454 = tpu.vector_load_idx %arg8[%add3A_1453] : memref<640xf32, #tpu.memory_space<vmem>>[vector<16xi32>], vector<16xf32>,
      %mul3A_1455 = arith.mulf %mul3A_1284, %gather3A_1452 : vector<16xf32>
      %mul3A_1456 = arith.mulf %mul3A_1286, %gather3A_1454 : vector<16xf32>
      %add3A_1457 = arith.addf %mul3A_1455, %mul3A_1456 : vector<16xf32>
      %add3A_1458 = arith.constant 9 : i32
      %add3A_1459 = arith.addi %sub3A_1243, %add3A_1458 : i32
      %jit3A_1460 = arith.constant 0 : i32
      %jit3A_1461 = arith.constant 15 : i32
      %max3A_1462 = arith.maxsi %jit3A_1460, %add3A_1459 : i32
      %min3A_1463 = arith.minsi %jit3A_1461, %max3A_1462 : i32
      %sub3A_1464 = arith.constant 0 : i32
      %sub3A_1465 = arith.subi %min3A_1463, %sub3A_1464 : i32
      %mul3A_1466 = arith.constant 16 : i32
      %mul3A_1467 = arith.muli %sub3A_1465, %mul3A_1466 : i32
      %add3A_1468 = arith.addi %mul3A_207, %mul3A_1467 : i32
      %broadcast_in_dim3A_1469 = vector.broadcast %add3A_1468 : i32 to vector<16xi32>
      %add3A_1470 = arith.addi %broadcast_in_dim3A_1469, %min3A_1274 : vector<16xi32>
      %gather3A_1471 = tpu.vector_load_idx %arg8[%add3A_1470] : memref<640xf32, #tpu.memory_space<vmem>>[vector<16xi32>], vector<16xf32>,
      %add3A_1472 = arith.addi %broadcast_in_dim3A_1469, %min3A_1280 : vector<16xi32>
      %gather3A_1473 = tpu.vector_load_idx %arg8[%add3A_1472] : memref<640xf32, #tpu.memory_space<vmem>>[vector<16xi32>], vector<16xf32>,
      %mul3A_1474 = arith.mulf %mul3A_1284, %gather3A_1471 : vector<16xf32>
      %mul3A_1475 = arith.mulf %mul3A_1286, %gather3A_1473 : vector<16xf32>
      %add3A_1476 = arith.addf %mul3A_1474, %mul3A_1475 : vector<16xf32>
      %add3A_1477 = arith.constant 162 : i32
      %add3A_1478 = arith.addi %mul3A_209, %add3A_1477 : i32
      %mul3A_1479 = arith.constant 9 : i32
      %mul3A_1480 = vector.broadcast %mul3A_1479 : i32 to vector<16xi32>
      %mul3A_1481 = arith.muli %iota3A, %mul3A_1480 : vector<16xi32>
      %add3A_1482 = vector.broadcast %add3A_1478 : i32 to vector<16xi32>
      %add3A_1483 = arith.addi %add3A_1482, %mul3A_1481 : vector<16xi32>
      %add3A_1484 = arith.constant 0 : i32
      %add3A_1485 = arith.addi %sub3A_1243, %add3A_1484 : i32
      %add3A_1486 = arith.constant 1 : i32
      %add3A_1487 = arith.addi %add3A_1485, %add3A_1486 : i32
      %ge3A_1488 = arith.constant 0 : i32
      %ge3A_1489 = arith.cmpi sge, %add3A_1485, %ge3A_1488 : i32
      %le3A_1490 = arith.constant 15 : i32
      %le3A_1491 = arith.cmpi sle, %add3A_1485, %le3A_1490 : i32
      %and3A_1492 = arith.andi %ge3A_1489, %le3A_1491 : i1
      %sub3A_1493 = arith.constant 1.000000e+00 : f32
      %sub3A_1494 = arith.subf %sub3A_1493, %sub3A_1239 : f32
      %jit3A_1495 = arith.constant 0.000000e+00 : f32
      %select_n3A_1496 = arith.select %and3A_1492, %sub3A_1494, %jit3A_1495 : f32
      %ge3A_1497 = arith.constant 0 : i32
      %ge3A_1498 = arith.cmpi sge, %add3A_1487, %ge3A_1497 : i32
      %le3A_1499 = arith.constant 15 : i32
      %le3A_1500 = arith.cmpi sle, %add3A_1487, %le3A_1499 : i32
      %and3A_1501 = arith.andi %ge3A_1498, %le3A_1500 : i1
      %jit3A_1502 = arith.constant 0.000000e+00 : f32
      %select_n3A_1503 = arith.select %and3A_1501, %sub3A_1239, %jit3A_1502 : f32
      %broadcast_in_dim3A_1504 = vector.broadcast %select_n3A_1496 : f32 to vector<16xf32>
      %mul3A_1505 = arith.mulf %broadcast_in_dim3A_1504, %add3A_1305 : vector<16xf32>
      %broadcast_in_dim3A_1506 = vector.broadcast %select_n3A_1503 : f32 to vector<16xf32>
      %mul3A_1507 = arith.mulf %broadcast_in_dim3A_1506, %add3A_1324 : vector<16xf32>
      %add3A_1508 = arith.addf %mul3A_1505, %mul3A_1507 : vector<16xf32>
      %add3A_1509 = arith.constant 0 : i32
      %add3A_1510 = vector.broadcast %add3A_1509 : i32 to vector<16xi32>
      %add3A_1511 = arith.addi %add3A_1483, %add3A_1510 : vector<16xi32>
      tpu.vector_store_idx %arg9[%add3A_1511], %add3A_1508 masked %lt3A_125 : memref<672xf32, #tpu.memory_space<vmem>>[vector<16xi32>], vector<16xf32>, vector<16xi1>
      %add3A_1512 = arith.constant 1 : i32
      %add3A_1513 = arith.addi %sub3A_1243, %add3A_1512 : i32
      %add3A_1514 = arith.constant 1 : i32
      %add3A_1515 = arith.addi %add3A_1513, %add3A_1514 : i32
      %ge3A_1516 = arith.constant 0 : i32
      %ge3A_1517 = arith.cmpi sge, %add3A_1513, %ge3A_1516 : i32
      %le3A_1518 = arith.constant 15 : i32
      %le3A_1519 = arith.cmpi sle, %add3A_1513, %le3A_1518 : i32
      %and3A_1520 = arith.andi %ge3A_1517, %le3A_1519 : i1
      %sub3A_1521 = arith.constant 1.000000e+00 : f32
      %sub3A_1522 = arith.subf %sub3A_1521, %sub3A_1239 : f32
      %jit3A_1523 = arith.constant 0.000000e+00 : f32
      %select_n3A_1524 = arith.select %and3A_1520, %sub3A_1522, %jit3A_1523 : f32
      %ge3A_1525 = arith.constant 0 : i32
      %ge3A_1526 = arith.cmpi sge, %add3A_1515, %ge3A_1525 : i32
      %le3A_1527 = arith.constant 15 : i32
      %le3A_1528 = arith.cmpi sle, %add3A_1515, %le3A_1527 : i32
      %and3A_1529 = arith.andi %ge3A_1526, %le3A_1528 : i1
      %jit3A_1530 = arith.constant 0.000000e+00 : f32
      %select_n3A_1531 = arith.select %and3A_1529, %sub3A_1239, %jit3A_1530 : f32
      %broadcast_in_dim3A_1532 = vector.broadcast %select_n3A_1524 : f32 to vector<16xf32>
      %mul3A_1533 = arith.mulf %broadcast_in_dim3A_1532, %add3A_1324 : vector<16xf32>
      %broadcast_in_dim3A_1534 = vector.broadcast %select_n3A_1531 : f32 to vector<16xf32>
      %mul3A_1535 = arith.mulf %broadcast_in_dim3A_1534, %add3A_1343 : vector<16xf32>
      %add3A_1536 = arith.addf %mul3A_1533, %mul3A_1535 : vector<16xf32>
      %add3A_1537 = arith.constant 1 : i32
      %add3A_1538 = vector.broadcast %add3A_1537 : i32 to vector<16xi32>
      %add3A_1539 = arith.addi %add3A_1483, %add3A_1538 : vector<16xi32>
      tpu.vector_store_idx %arg9[%add3A_1539], %add3A_1536 masked %lt3A_125 : memref<672xf32, #tpu.memory_space<vmem>>[vector<16xi32>], vector<16xf32>, vector<16xi1>
      %add3A_1540 = arith.constant 2 : i32
      %add3A_1541 = arith.addi %sub3A_1243, %add3A_1540 : i32
      %add3A_1542 = arith.constant 1 : i32
      %add3A_1543 = arith.addi %add3A_1541, %add3A_1542 : i32
      %ge3A_1544 = arith.constant 0 : i32
      %ge3A_1545 = arith.cmpi sge, %add3A_1541, %ge3A_1544 : i32
      %le3A_1546 = arith.constant 15 : i32
      %le3A_1547 = arith.cmpi sle, %add3A_1541, %le3A_1546 : i32
      %and3A_1548 = arith.andi %ge3A_1545, %le3A_1547 : i1
      %sub3A_1549 = arith.constant 1.000000e+00 : f32
      %sub3A_1550 = arith.subf %sub3A_1549, %sub3A_1239 : f32
      %jit3A_1551 = arith.constant 0.000000e+00 : f32
      %select_n3A_1552 = arith.select %and3A_1548, %sub3A_1550, %jit3A_1551 : f32
      %ge3A_1553 = arith.constant 0 : i32
      %ge3A_1554 = arith.cmpi sge, %add3A_1543, %ge3A_1553 : i32
      %le3A_1555 = arith.constant 15 : i32
      %le3A_1556 = arith.cmpi sle, %add3A_1543, %le3A_1555 : i32
      %and3A_1557 = arith.andi %ge3A_1554, %le3A_1556 : i1
      %jit3A_1558 = arith.constant 0.000000e+00 : f32
      %select_n3A_1559 = arith.select %and3A_1557, %sub3A_1239, %jit3A_1558 : f32
      %broadcast_in_dim3A_1560 = vector.broadcast %select_n3A_1552 : f32 to vector<16xf32>
      %mul3A_1561 = arith.mulf %broadcast_in_dim3A_1560, %add3A_1343 : vector<16xf32>
      %broadcast_in_dim3A_1562 = vector.broadcast %select_n3A_1559 : f32 to vector<16xf32>
      %mul3A_1563 = arith.mulf %broadcast_in_dim3A_1562, %add3A_1362 : vector<16xf32>
      %add3A_1564 = arith.addf %mul3A_1561, %mul3A_1563 : vector<16xf32>
      %add3A_1565 = arith.constant 2 : i32
      %add3A_1566 = vector.broadcast %add3A_1565 : i32 to vector<16xi32>
      %add3A_1567 = arith.addi %add3A_1483, %add3A_1566 : vector<16xi32>
      tpu.vector_store_idx %arg9[%add3A_1567], %add3A_1564 masked %lt3A_125 : memref<672xf32, #tpu.memory_space<vmem>>[vector<16xi32>], vector<16xf32>, vector<16xi1>
      %add3A_1568 = arith.constant 3 : i32
      %add3A_1569 = arith.addi %sub3A_1243, %add3A_1568 : i32
      %add3A_1570 = arith.constant 1 : i32
      %add3A_1571 = arith.addi %add3A_1569, %add3A_1570 : i32
      %ge3A_1572 = arith.constant 0 : i32
      %ge3A_1573 = arith.cmpi sge, %add3A_1569, %ge3A_1572 : i32
      %le3A_1574 = arith.constant 15 : i32
      %le3A_1575 = arith.cmpi sle, %add3A_1569, %le3A_1574 : i32
      %and3A_1576 = arith.andi %ge3A_1573, %le3A_1575 : i1
      %sub3A_1577 = arith.constant 1.000000e+00 : f32
      %sub3A_1578 = arith.subf %sub3A_1577, %sub3A_1239 : f32
      %jit3A_1579 = arith.constant 0.000000e+00 : f32
      %select_n3A_1580 = arith.select %and3A_1576, %sub3A_1578, %jit3A_1579 : f32
      %ge3A_1581 = arith.constant 0 : i32
      %ge3A_1582 = arith.cmpi sge, %add3A_1571, %ge3A_1581 : i32
      %le3A_1583 = arith.constant 15 : i32
      %le3A_1584 = arith.cmpi sle, %add3A_1571, %le3A_1583 : i32
      %and3A_1585 = arith.andi %ge3A_1582, %le3A_1584 : i1
      %jit3A_1586 = arith.constant 0.000000e+00 : f32
      %select_n3A_1587 = arith.select %and3A_1585, %sub3A_1239, %jit3A_1586 : f32
      %broadcast_in_dim3A_1588 = vector.broadcast %select_n3A_1580 : f32 to vector<16xf32>
      %mul3A_1589 = arith.mulf %broadcast_in_dim3A_1588, %add3A_1362 : vector<16xf32>
      %broadcast_in_dim3A_1590 = vector.broadcast %select_n3A_1587 : f32 to vector<16xf32>
      %mul3A_1591 = arith.mulf %broadcast_in_dim3A_1590, %add3A_1381 : vector<16xf32>
      %add3A_1592 = arith.addf %mul3A_1589, %mul3A_1591 : vector<16xf32>
      %add3A_1593 = arith.constant 3 : i32
      %add3A_1594 = vector.broadcast %add3A_1593 : i32 to vector<16xi32>
      %add3A_1595 = arith.addi %add3A_1483, %add3A_1594 : vector<16xi32>
      tpu.vector_store_idx %arg9[%add3A_1595], %add3A_1592 masked %lt3A_125 : memref<672xf32, #tpu.memory_space<vmem>>[vector<16xi32>], vector<16xf32>, vector<16xi1>
      %add3A_1596 = arith.constant 4 : i32
      %add3A_1597 = arith.addi %sub3A_1243, %add3A_1596 : i32
      %add3A_1598 = arith.constant 1 : i32
      %add3A_1599 = arith.addi %add3A_1597, %add3A_1598 : i32
      %ge3A_1600 = arith.constant 0 : i32
      %ge3A_1601 = arith.cmpi sge, %add3A_1597, %ge3A_1600 : i32
      %le3A_1602 = arith.constant 15 : i32
      %le3A_1603 = arith.cmpi sle, %add3A_1597, %le3A_1602 : i32
      %and3A_1604 = arith.andi %ge3A_1601, %le3A_1603 : i1
      %sub3A_1605 = arith.constant 1.000000e+00 : f32
      %sub3A_1606 = arith.subf %sub3A_1605, %sub3A_1239 : f32
      %jit3A_1607 = arith.constant 0.000000e+00 : f32
      %select_n3A_1608 = arith.select %and3A_1604, %sub3A_1606, %jit3A_1607 : f32
      %ge3A_1609 = arith.constant 0 : i32
      %ge3A_1610 = arith.cmpi sge, %add3A_1599, %ge3A_1609 : i32
      %le3A_1611 = arith.constant 15 : i32
      %le3A_1612 = arith.cmpi sle, %add3A_1599, %le3A_1611 : i32
      %and3A_1613 = arith.andi %ge3A_1610, %le3A_1612 : i1
      %jit3A_1614 = arith.constant 0.000000e+00 : f32
      %select_n3A_1615 = arith.select %and3A_1613, %sub3A_1239, %jit3A_1614 : f32
      %broadcast_in_dim3A_1616 = vector.broadcast %select_n3A_1608 : f32 to vector<16xf32>
      %mul3A_1617 = arith.mulf %broadcast_in_dim3A_1616, %add3A_1381 : vector<16xf32>
      %broadcast_in_dim3A_1618 = vector.broadcast %select_n3A_1615 : f32 to vector<16xf32>
      %mul3A_1619 = arith.mulf %broadcast_in_dim3A_1618, %add3A_1400 : vector<16xf32>
      %add3A_1620 = arith.addf %mul3A_1617, %mul3A_1619 : vector<16xf32>
      %add3A_1621 = arith.constant 4 : i32
      %add3A_1622 = vector.broadcast %add3A_1621 : i32 to vector<16xi32>
      %add3A_1623 = arith.addi %add3A_1483, %add3A_1622 : vector<16xi32>
      tpu.vector_store_idx %arg9[%add3A_1623], %add3A_1620 masked %lt3A_125 : memref<672xf32, #tpu.memory_space<vmem>>[vector<16xi32>], vector<16xf32>, vector<16xi1>
      %add3A_1624 = arith.constant 5 : i32
      %add3A_1625 = arith.addi %sub3A_1243, %add3A_1624 : i32
      %add3A_1626 = arith.constant 1 : i32
      %add3A_1627 = arith.addi %add3A_1625, %add3A_1626 : i32
      %ge3A_1628 = arith.constant 0 : i32
      %ge3A_1629 = arith.cmpi sge, %add3A_1625, %ge3A_1628 : i32
      %le3A_1630 = arith.constant 15 : i32
      %le3A_1631 = arith.cmpi sle, %add3A_1625, %le3A_1630 : i32
      %and3A_1632 = arith.andi %ge3A_1629, %le3A_1631 : i1
      %sub3A_1633 = arith.constant 1.000000e+00 : f32
      %sub3A_1634 = arith.subf %sub3A_1633, %sub3A_1239 : f32
      %jit3A_1635 = arith.constant 0.000000e+00 : f32
      %select_n3A_1636 = arith.select %and3A_1632, %sub3A_1634, %jit3A_1635 : f32
      %ge3A_1637 = arith.constant 0 : i32
      %ge3A_1638 = arith.cmpi sge, %add3A_1627, %ge3A_1637 : i32
      %le3A_1639 = arith.constant 15 : i32
      %le3A_1640 = arith.cmpi sle, %add3A_1627, %le3A_1639 : i32
      %and3A_1641 = arith.andi %ge3A_1638, %le3A_1640 : i1
      %jit3A_1642 = arith.constant 0.000000e+00 : f32
      %select_n3A_1643 = arith.select %and3A_1641, %sub3A_1239, %jit3A_1642 : f32
      %broadcast_in_dim3A_1644 = vector.broadcast %select_n3A_1636 : f32 to vector<16xf32>
      %mul3A_1645 = arith.mulf %broadcast_in_dim3A_1644, %add3A_1400 : vector<16xf32>
      %broadcast_in_dim3A_1646 = vector.broadcast %select_n3A_1643 : f32 to vector<16xf32>
      %mul3A_1647 = arith.mulf %broadcast_in_dim3A_1646, %add3A_1419 : vector<16xf32>
      %add3A_1648 = arith.addf %mul3A_1645, %mul3A_1647 : vector<16xf32>
      %add3A_1649 = arith.constant 5 : i32
      %add3A_1650 = vector.broadcast %add3A_1649 : i32 to vector<16xi32>
      %add3A_1651 = arith.addi %add3A_1483, %add3A_1650 : vector<16xi32>
      tpu.vector_store_idx %arg9[%add3A_1651], %add3A_1648 masked %lt3A_125 : memref<672xf32, #tpu.memory_space<vmem>>[vector<16xi32>], vector<16xf32>, vector<16xi1>
      %add3A_1652 = arith.constant 6 : i32
      %add3A_1653 = arith.addi %sub3A_1243, %add3A_1652 : i32
      %add3A_1654 = arith.constant 1 : i32
      %add3A_1655 = arith.addi %add3A_1653, %add3A_1654 : i32
      %ge3A_1656 = arith.constant 0 : i32
      %ge3A_1657 = arith.cmpi sge, %add3A_1653, %ge3A_1656 : i32
      %le3A_1658 = arith.constant 15 : i32
      %le3A_1659 = arith.cmpi sle, %add3A_1653, %le3A_1658 : i32
      %and3A_1660 = arith.andi %ge3A_1657, %le3A_1659 : i1
      %sub3A_1661 = arith.constant 1.000000e+00 : f32
      %sub3A_1662 = arith.subf %sub3A_1661, %sub3A_1239 : f32
      %jit3A_1663 = arith.constant 0.000000e+00 : f32
      %select_n3A_1664 = arith.select %and3A_1660, %sub3A_1662, %jit3A_1663 : f32
      %ge3A_1665 = arith.constant 0 : i32
      %ge3A_1666 = arith.cmpi sge, %add3A_1655, %ge3A_1665 : i32
      %le3A_1667 = arith.constant 15 : i32
      %le3A_1668 = arith.cmpi sle, %add3A_1655, %le3A_1667 : i32
      %and3A_1669 = arith.andi %ge3A_1666, %le3A_1668 : i1
      %jit3A_1670 = arith.constant 0.000000e+00 : f32
      %select_n3A_1671 = arith.select %and3A_1669, %sub3A_1239, %jit3A_1670 : f32
      %broadcast_in_dim3A_1672 = vector.broadcast %select_n3A_1664 : f32 to vector<16xf32>
      %mul3A_1673 = arith.mulf %broadcast_in_dim3A_1672, %add3A_1419 : vector<16xf32>
      %broadcast_in_dim3A_1674 = vector.broadcast %select_n3A_1671 : f32 to vector<16xf32>
      %mul3A_1675 = arith.mulf %broadcast_in_dim3A_1674, %add3A_1438 : vector<16xf32>
      %add3A_1676 = arith.addf %mul3A_1673, %mul3A_1675 : vector<16xf32>
      %add3A_1677 = arith.constant 6 : i32
      %add3A_1678 = vector.broadcast %add3A_1677 : i32 to vector<16xi32>
      %add3A_1679 = arith.addi %add3A_1483, %add3A_1678 : vector<16xi32>
      tpu.vector_store_idx %arg9[%add3A_1679], %add3A_1676 masked %lt3A_125 : memref<672xf32, #tpu.memory_space<vmem>>[vector<16xi32>], vector<16xf32>, vector<16xi1>
      %add3A_1680 = arith.constant 7 : i32
      %add3A_1681 = arith.addi %sub3A_1243, %add3A_1680 : i32
      %add3A_1682 = arith.constant 1 : i32
      %add3A_1683 = arith.addi %add3A_1681, %add3A_1682 : i32
      %ge3A_1684 = arith.constant 0 : i32
      %ge3A_1685 = arith.cmpi sge, %add3A_1681, %ge3A_1684 : i32
      %le3A_1686 = arith.constant 15 : i32
      %le3A_1687 = arith.cmpi sle, %add3A_1681, %le3A_1686 : i32
      %and3A_1688 = arith.andi %ge3A_1685, %le3A_1687 : i1
      %sub3A_1689 = arith.constant 1.000000e+00 : f32
      %sub3A_1690 = arith.subf %sub3A_1689, %sub3A_1239 : f32
      %jit3A_1691 = arith.constant 0.000000e+00 : f32
      %select_n3A_1692 = arith.select %and3A_1688, %sub3A_1690, %jit3A_1691 : f32
      %ge3A_1693 = arith.constant 0 : i32
      %ge3A_1694 = arith.cmpi sge, %add3A_1683, %ge3A_1693 : i32
      %le3A_1695 = arith.constant 15 : i32
      %le3A_1696 = arith.cmpi sle, %add3A_1683, %le3A_1695 : i32
      %and3A_1697 = arith.andi %ge3A_1694, %le3A_1696 : i1
      %jit3A_1698 = arith.constant 0.000000e+00 : f32
      %select_n3A_1699 = arith.select %and3A_1697, %sub3A_1239, %jit3A_1698 : f32
      %broadcast_in_dim3A_1700 = vector.broadcast %select_n3A_1692 : f32 to vector<16xf32>
      %mul3A_1701 = arith.mulf %broadcast_in_dim3A_1700, %add3A_1438 : vector<16xf32>
      %broadcast_in_dim3A_1702 = vector.broadcast %select_n3A_1699 : f32 to vector<16xf32>
      %mul3A_1703 = arith.mulf %broadcast_in_dim3A_1702, %add3A_1457 : vector<16xf32>
      %add3A_1704 = arith.addf %mul3A_1701, %mul3A_1703 : vector<16xf32>
      %add3A_1705 = arith.constant 7 : i32
      %add3A_1706 = vector.broadcast %add3A_1705 : i32 to vector<16xi32>
      %add3A_1707 = arith.addi %add3A_1483, %add3A_1706 : vector<16xi32>
      tpu.vector_store_idx %arg9[%add3A_1707], %add3A_1704 masked %lt3A_125 : memref<672xf32, #tpu.memory_space<vmem>>[vector<16xi32>], vector<16xf32>, vector<16xi1>
      %add3A_1708 = arith.constant 8 : i32
      %add3A_1709 = arith.addi %sub3A_1243, %add3A_1708 : i32
      %add3A_1710 = arith.constant 1 : i32
      %add3A_1711 = arith.addi %add3A_1709, %add3A_1710 : i32
      %ge3A_1712 = arith.constant 0 : i32
      %ge3A_1713 = arith.cmpi sge, %add3A_1709, %ge3A_1712 : i32
      %le3A_1714 = arith.constant 15 : i32
      %le3A_1715 = arith.cmpi sle, %add3A_1709, %le3A_1714 : i32
      %and3A_1716 = arith.andi %ge3A_1713, %le3A_1715 : i1
      %sub3A_1717 = arith.constant 1.000000e+00 : f32
      %sub3A_1718 = arith.subf %sub3A_1717, %sub3A_1239 : f32
      %jit3A_1719 = arith.constant 0.000000e+00 : f32
      %select_n3A_1720 = arith.select %and3A_1716, %sub3A_1718, %jit3A_1719 : f32
      %ge3A_1721 = arith.constant 0 : i32
      %ge3A_1722 = arith.cmpi sge, %add3A_1711, %ge3A_1721 : i32
      %le3A_1723 = arith.constant 15 : i32
      %le3A_1724 = arith.cmpi sle, %add3A_1711, %le3A_1723 : i32
      %and3A_1725 = arith.andi %ge3A_1722, %le3A_1724 : i1
      %jit3A_1726 = arith.constant 0.000000e+00 : f32
      %select_n3A_1727 = arith.select %and3A_1725, %sub3A_1239, %jit3A_1726 : f32
      %broadcast_in_dim3A_1728 = vector.broadcast %select_n3A_1720 : f32 to vector<16xf32>
      %mul3A_1729 = arith.mulf %broadcast_in_dim3A_1728, %add3A_1457 : vector<16xf32>
      %broadcast_in_dim3A_1730 = vector.broadcast %select_n3A_1727 : f32 to vector<16xf32>
      %mul3A_1731 = arith.mulf %broadcast_in_dim3A_1730, %add3A_1476 : vector<16xf32>
      %add3A_1732 = arith.addf %mul3A_1729, %mul3A_1731 : vector<16xf32>
      %add3A_1733 = arith.constant 8 : i32
      %add3A_1734 = vector.broadcast %add3A_1733 : i32 to vector<16xi32>
      %add3A_1735 = arith.addi %add3A_1483, %add3A_1734 : vector<16xi32>
      tpu.vector_store_idx %arg9[%add3A_1735], %add3A_1732 masked %lt3A_125 : memref<672xf32, #tpu.memory_space<vmem>>[vector<16xi32>], vector<16xf32>, vector<16xi1>
      %add3A_1736 = arith.constant 256 : i32
      %add3A_1737 = arith.addi %mul3A_207, %add3A_1736 : i32
      %mul3A_1738 = arith.constant 1.250000e-01 : f32
      %mul3A_1739 = arith.mulf %squeeze3A_149, %mul3A_1738 : f32
      %mul3A_1740 = arith.constant 1.250000e-01 : f32
      %mul3A_1741 = arith.mulf %squeeze3A_151, %mul3A_1740 : f32
      %convert_element_type3A_1742 = arith.fptosi %mul3A_1739 : f32 to i32
      %convert_element_type3A_1743 = arith.sitofp %convert_element_type3A_1742 : i32 to f32
      %gt3A_1744 = arith.cmpf ogt, %convert_element_type3A_1743, %mul3A_1739 : f32
      %sub3A_1745 = arith.constant 1 : i32
      %sub3A_1746 = arith.subi %convert_element_type3A_1742, %sub3A_1745 : i32
      %select_n3A_1747 = arith.select %gt3A_1744, %sub3A_1746, %convert_element_type3A_1742 : i32
      %convert_element_type3A_1748 = arith.sitofp %select_n3A_1747 : i32 to f32
      %sub3A_1749 = arith.subf %mul3A_1739, %convert_element_type3A_1748 : f32
      %convert_element_type3A_1750 = arith.fptosi %mul3A_1741 : f32 to i32
      %convert_element_type3A_1751 = arith.sitofp %convert_element_type3A_1750 : i32 to f32
      %gt3A_1752 = arith.cmpf ogt, %convert_element_type3A_1751, %mul3A_1741 : f32
      %sub3A_1753 = arith.constant 1 : i32
      %sub3A_1754 = arith.subi %convert_element_type3A_1750, %sub3A_1753 : i32
      %select_n3A_1755 = arith.select %gt3A_1752, %sub3A_1754, %convert_element_type3A_1750 : i32
      %convert_element_type3A_1756 = arith.sitofp %select_n3A_1755 : i32 to f32
      %sub3A_1757 = arith.subf %mul3A_1741, %convert_element_type3A_1756 : f32
      %sub3A_1758 = arith.constant 4 : i32
      %sub3A_1759 = arith.subi %select_n3A_1747, %sub3A_1758 : i32
      %sub3A_1760 = arith.constant 4 : i32
      %sub3A_1761 = arith.subi %select_n3A_1755, %sub3A_1760 : i32
      %broadcast_in_dim3A_1762 = arith.constant 1.000000e+00 : f32
      %broadcast_in_dim3A_1763 = vector.broadcast %broadcast_in_dim3A_1762 : f32 to vector<16xf32>
      %broadcast_in_dim3A_1764 = arith.constant 0.000000e+00 : f32
      %broadcast_in_dim3A_1765 = vector.broadcast %broadcast_in_dim3A_1764 : f32 to vector<16xf32>
      %broadcast_in_dim3A_1766 = vector.broadcast %sub3A_1759 : i32 to vector<16xi32>
      %add3A_1767 = arith.addi %broadcast_in_dim3A_1766, %iota3A : vector<16xi32>
      %add3A_1768 = arith.constant 1 : i32
      %add3A_1769 = vector.broadcast %add3A_1768 : i32 to vector<16xi32>
      %add3A_1770 = arith.addi %add3A_1767, %add3A_1769 : vector<16xi32>
      %ge3A_1771 = arith.constant 0 : i32
      %ge3A_1772 = vector.broadcast %ge3A_1771 : i32 to vector<16xi32>
      %ge3A_1773 = arith.cmpi sge, %add3A_1767, %ge3A_1772 : vector<16xi32>
      %le3A_1774 = arith.constant 7 : i32
      %le3A_1775 = vector.broadcast %le3A_1774 : i32 to vector<16xi32>
      %le3A_1776 = arith.cmpi sle, %add3A_1767, %le3A_1775 : vector<16xi32>
      %and3A_1777 = arith.andi %ge3A_1773, %le3A_1776 : vector<16xi1>
      %select_n3A_1778 = arith.select %and3A_1777, %broadcast_in_dim3A_1763, %broadcast_in_dim3A_1765 : vector<16xi1>, vector<16xf32>
      %ge3A_1779 = arith.constant 0 : i32
      %ge3A_1780 = vector.broadcast %ge3A_1779 : i32 to vector<16xi32>
      %ge3A_1781 = arith.cmpi sge, %add3A_1770, %ge3A_1780 : vector<16xi32>
      %le3A_1782 = arith.constant 7 : i32
      %le3A_1783 = vector.broadcast %le3A_1782 : i32 to vector<16xi32>
      %le3A_1784 = arith.cmpi sle, %add3A_1770, %le3A_1783 : vector<16xi32>
      %and3A_1785 = arith.andi %ge3A_1781, %le3A_1784 : vector<16xi1>
      %select_n3A_1786 = arith.select %and3A_1785, %broadcast_in_dim3A_1763, %broadcast_in_dim3A_1765 : vector<16xi1>, vector<16xf32>
      %jit3A_1787 = arith.constant 0 : i32
      %jit3A_1788 = arith.constant 7 : i32
      %max3A_1789 = vector.broadcast %jit3A_1787 : i32 to vector<16xi32>
      %max3A_1790 = arith.maxsi %max3A_1789, %add3A_1767 : vector<16xi32>
      %min3A_1791 = vector.broadcast %jit3A_1788 : i32 to vector<16xi32>
      %min3A_1792 = arith.minsi %min3A_1791, %max3A_1790 : vector<16xi32>
      %jit3A_1793 = arith.constant 0 : i32
      %jit3A_1794 = arith.constant 7 : i32
      %max3A_1795 = vector.broadcast %jit3A_1793 : i32 to vector<16xi32>
      %max3A_1796 = arith.maxsi %max3A_1795, %add3A_1770 : vector<16xi32>
      %min3A_1797 = vector.broadcast %jit3A_1794 : i32 to vector<16xi32>
      %min3A_1798 = arith.minsi %min3A_1797, %max3A_1796 : vector<16xi32>
      %sub3A_1799 = arith.constant 1.000000e+00 : f32
      %sub3A_1800 = arith.subf %sub3A_1799, %sub3A_1749 : f32
      %broadcast_in_dim3A_1801 = vector.broadcast %sub3A_1800 : f32 to vector<16xf32>
      %mul3A_1802 = arith.mulf %broadcast_in_dim3A_1801, %select_n3A_1778 : vector<16xf32>
      %broadcast_in_dim3A_1803 = vector.broadcast %sub3A_1749 : f32 to vector<16xf32>
      %mul3A_1804 = arith.mulf %broadcast_in_dim3A_1803, %select_n3A_1786 : vector<16xf32>
      %add3A_1805 = arith.constant 0 : i32
      %add3A_1806 = arith.addi %sub3A_1761, %add3A_1805 : i32
      %jit3A_1807 = arith.constant 0 : i32
      %jit3A_1808 = arith.constant 7 : i32
      %max3A_1809 = arith.maxsi %jit3A_1807, %add3A_1806 : i32
      %min3A_1810 = arith.minsi %jit3A_1808, %max3A_1809 : i32
      %sub3A_1811 = arith.constant 0 : i32
      %sub3A_1812 = arith.subi %min3A_1810, %sub3A_1811 : i32
      %mul3A_1813 = arith.constant 8 : i32
      %mul3A_1814 = arith.muli %sub3A_1812, %mul3A_1813 : i32
      %add3A_1815 = arith.addi %add3A_1737, %mul3A_1814 : i32
      %broadcast_in_dim3A_1816 = vector.broadcast %add3A_1815 : i32 to vector<16xi32>
      %add3A_1817 = arith.addi %broadcast_in_dim3A_1816, %min3A_1792 : vector<16xi32>
      %gather3A_1818 = tpu.vector_load_idx %arg8[%add3A_1817] : memref<640xf32, #tpu.memory_space<vmem>>[vector<16xi32>], vector<16xf32>,
      %add3A_1819 = arith.addi %broadcast_in_dim3A_1816, %min3A_1798 : vector<16xi32>
      %gather3A_1820 = tpu.vector_load_idx %arg8[%add3A_1819] : memref<640xf32, #tpu.memory_space<vmem>>[vector<16xi32>], vector<16xf32>,
      %mul3A_1821 = arith.mulf %mul3A_1802, %gather3A_1818 : vector<16xf32>
      %mul3A_1822 = arith.mulf %mul3A_1804, %gather3A_1820 : vector<16xf32>
      %add3A_1823 = arith.addf %mul3A_1821, %mul3A_1822 : vector<16xf32>
      %add3A_1824 = arith.constant 1 : i32
      %add3A_1825 = arith.addi %sub3A_1761, %add3A_1824 : i32
      %jit3A_1826 = arith.constant 0 : i32
      %jit3A_1827 = arith.constant 7 : i32
      %max3A_1828 = arith.maxsi %jit3A_1826, %add3A_1825 : i32
      %min3A_1829 = arith.minsi %jit3A_1827, %max3A_1828 : i32
      %sub3A_1830 = arith.constant 0 : i32
      %sub3A_1831 = arith.subi %min3A_1829, %sub3A_1830 : i32
      %mul3A_1832 = arith.constant 8 : i32
      %mul3A_1833 = arith.muli %sub3A_1831, %mul3A_1832 : i32
      %add3A_1834 = arith.addi %add3A_1737, %mul3A_1833 : i32
      %broadcast_in_dim3A_1835 = vector.broadcast %add3A_1834 : i32 to vector<16xi32>
      %add3A_1836 = arith.addi %broadcast_in_dim3A_1835, %min3A_1792 : vector<16xi32>
      %gather3A_1837 = tpu.vector_load_idx %arg8[%add3A_1836] : memref<640xf32, #tpu.memory_space<vmem>>[vector<16xi32>], vector<16xf32>,
      %add3A_1838 = arith.addi %broadcast_in_dim3A_1835, %min3A_1798 : vector<16xi32>
      %gather3A_1839 = tpu.vector_load_idx %arg8[%add3A_1838] : memref<640xf32, #tpu.memory_space<vmem>>[vector<16xi32>], vector<16xf32>,
      %mul3A_1840 = arith.mulf %mul3A_1802, %gather3A_1837 : vector<16xf32>
      %mul3A_1841 = arith.mulf %mul3A_1804, %gather3A_1839 : vector<16xf32>
      %add3A_1842 = arith.addf %mul3A_1840, %mul3A_1841 : vector<16xf32>
      %add3A_1843 = arith.constant 2 : i32
      %add3A_1844 = arith.addi %sub3A_1761, %add3A_1843 : i32
      %jit3A_1845 = arith.constant 0 : i32
      %jit3A_1846 = arith.constant 7 : i32
      %max3A_1847 = arith.maxsi %jit3A_1845, %add3A_1844 : i32
      %min3A_1848 = arith.minsi %jit3A_1846, %max3A_1847 : i32
      %sub3A_1849 = arith.constant 0 : i32
      %sub3A_1850 = arith.subi %min3A_1848, %sub3A_1849 : i32
      %mul3A_1851 = arith.constant 8 : i32
      %mul3A_1852 = arith.muli %sub3A_1850, %mul3A_1851 : i32
      %add3A_1853 = arith.addi %add3A_1737, %mul3A_1852 : i32
      %broadcast_in_dim3A_1854 = vector.broadcast %add3A_1853 : i32 to vector<16xi32>
      %add3A_1855 = arith.addi %broadcast_in_dim3A_1854, %min3A_1792 : vector<16xi32>
      %gather3A_1856 = tpu.vector_load_idx %arg8[%add3A_1855] : memref<640xf32, #tpu.memory_space<vmem>>[vector<16xi32>], vector<16xf32>,
      %add3A_1857 = arith.addi %broadcast_in_dim3A_1854, %min3A_1798 : vector<16xi32>
      %gather3A_1858 = tpu.vector_load_idx %arg8[%add3A_1857] : memref<640xf32, #tpu.memory_space<vmem>>[vector<16xi32>], vector<16xf32>,
      %mul3A_1859 = arith.mulf %mul3A_1802, %gather3A_1856 : vector<16xf32>
      %mul3A_1860 = arith.mulf %mul3A_1804, %gather3A_1858 : vector<16xf32>
      %add3A_1861 = arith.addf %mul3A_1859, %mul3A_1860 : vector<16xf32>
      %add3A_1862 = arith.constant 3 : i32
      %add3A_1863 = arith.addi %sub3A_1761, %add3A_1862 : i32
      %jit3A_1864 = arith.constant 0 : i32
      %jit3A_1865 = arith.constant 7 : i32
      %max3A_1866 = arith.maxsi %jit3A_1864, %add3A_1863 : i32
      %min3A_1867 = arith.minsi %jit3A_1865, %max3A_1866 : i32
      %sub3A_1868 = arith.constant 0 : i32
      %sub3A_1869 = arith.subi %min3A_1867, %sub3A_1868 : i32
      %mul3A_1870 = arith.constant 8 : i32
      %mul3A_1871 = arith.muli %sub3A_1869, %mul3A_1870 : i32
      %add3A_1872 = arith.addi %add3A_1737, %mul3A_1871 : i32
      %broadcast_in_dim3A_1873 = vector.broadcast %add3A_1872 : i32 to vector<16xi32>
      %add3A_1874 = arith.addi %broadcast_in_dim3A_1873, %min3A_1792 : vector<16xi32>
      %gather3A_1875 = tpu.vector_load_idx %arg8[%add3A_1874] : memref<640xf32, #tpu.memory_space<vmem>>[vector<16xi32>], vector<16xf32>,
      %add3A_1876 = arith.addi %broadcast_in_dim3A_1873, %min3A_1798 : vector<16xi32>
      %gather3A_1877 = tpu.vector_load_idx %arg8[%add3A_1876] : memref<640xf32, #tpu.memory_space<vmem>>[vector<16xi32>], vector<16xf32>,
      %mul3A_1878 = arith.mulf %mul3A_1802, %gather3A_1875 : vector<16xf32>
      %mul3A_1879 = arith.mulf %mul3A_1804, %gather3A_1877 : vector<16xf32>
      %add3A_1880 = arith.addf %mul3A_1878, %mul3A_1879 : vector<16xf32>
      %add3A_1881 = arith.constant 4 : i32
      %add3A_1882 = arith.addi %sub3A_1761, %add3A_1881 : i32
      %jit3A_1883 = arith.constant 0 : i32
      %jit3A_1884 = arith.constant 7 : i32
      %max3A_1885 = arith.maxsi %jit3A_1883, %add3A_1882 : i32
      %min3A_1886 = arith.minsi %jit3A_1884, %max3A_1885 : i32
      %sub3A_1887 = arith.constant 0 : i32
      %sub3A_1888 = arith.subi %min3A_1886, %sub3A_1887 : i32
      %mul3A_1889 = arith.constant 8 : i32
      %mul3A_1890 = arith.muli %sub3A_1888, %mul3A_1889 : i32
      %add3A_1891 = arith.addi %add3A_1737, %mul3A_1890 : i32
      %broadcast_in_dim3A_1892 = vector.broadcast %add3A_1891 : i32 to vector<16xi32>
      %add3A_1893 = arith.addi %broadcast_in_dim3A_1892, %min3A_1792 : vector<16xi32>
      %gather3A_1894 = tpu.vector_load_idx %arg8[%add3A_1893] : memref<640xf32, #tpu.memory_space<vmem>>[vector<16xi32>], vector<16xf32>,
      %add3A_1895 = arith.addi %broadcast_in_dim3A_1892, %min3A_1798 : vector<16xi32>
      %gather3A_1896 = tpu.vector_load_idx %arg8[%add3A_1895] : memref<640xf32, #tpu.memory_space<vmem>>[vector<16xi32>], vector<16xf32>,
      %mul3A_1897 = arith.mulf %mul3A_1802, %gather3A_1894 : vector<16xf32>
      %mul3A_1898 = arith.mulf %mul3A_1804, %gather3A_1896 : vector<16xf32>
      %add3A_1899 = arith.addf %mul3A_1897, %mul3A_1898 : vector<16xf32>
      %add3A_1900 = arith.constant 5 : i32
      %add3A_1901 = arith.addi %sub3A_1761, %add3A_1900 : i32
      %jit3A_1902 = arith.constant 0 : i32
      %jit3A_1903 = arith.constant 7 : i32
      %max3A_1904 = arith.maxsi %jit3A_1902, %add3A_1901 : i32
      %min3A_1905 = arith.minsi %jit3A_1903, %max3A_1904 : i32
      %sub3A_1906 = arith.constant 0 : i32
      %sub3A_1907 = arith.subi %min3A_1905, %sub3A_1906 : i32
      %mul3A_1908 = arith.constant 8 : i32
      %mul3A_1909 = arith.muli %sub3A_1907, %mul3A_1908 : i32
      %add3A_1910 = arith.addi %add3A_1737, %mul3A_1909 : i32
      %broadcast_in_dim3A_1911 = vector.broadcast %add3A_1910 : i32 to vector<16xi32>
      %add3A_1912 = arith.addi %broadcast_in_dim3A_1911, %min3A_1792 : vector<16xi32>
      %gather3A_1913 = tpu.vector_load_idx %arg8[%add3A_1912] : memref<640xf32, #tpu.memory_space<vmem>>[vector<16xi32>], vector<16xf32>,
      %add3A_1914 = arith.addi %broadcast_in_dim3A_1911, %min3A_1798 : vector<16xi32>
      %gather3A_1915 = tpu.vector_load_idx %arg8[%add3A_1914] : memref<640xf32, #tpu.memory_space<vmem>>[vector<16xi32>], vector<16xf32>,
      %mul3A_1916 = arith.mulf %mul3A_1802, %gather3A_1913 : vector<16xf32>
      %mul3A_1917 = arith.mulf %mul3A_1804, %gather3A_1915 : vector<16xf32>
      %add3A_1918 = arith.addf %mul3A_1916, %mul3A_1917 : vector<16xf32>
      %add3A_1919 = arith.constant 6 : i32
      %add3A_1920 = arith.addi %sub3A_1761, %add3A_1919 : i32
      %jit3A_1921 = arith.constant 0 : i32
      %jit3A_1922 = arith.constant 7 : i32
      %max3A_1923 = arith.maxsi %jit3A_1921, %add3A_1920 : i32
      %min3A_1924 = arith.minsi %jit3A_1922, %max3A_1923 : i32
      %sub3A_1925 = arith.constant 0 : i32
      %sub3A_1926 = arith.subi %min3A_1924, %sub3A_1925 : i32
      %mul3A_1927 = arith.constant 8 : i32
      %mul3A_1928 = arith.muli %sub3A_1926, %mul3A_1927 : i32
      %add3A_1929 = arith.addi %add3A_1737, %mul3A_1928 : i32
      %broadcast_in_dim3A_1930 = vector.broadcast %add3A_1929 : i32 to vector<16xi32>
      %add3A_1931 = arith.addi %broadcast_in_dim3A_1930, %min3A_1792 : vector<16xi32>
      %gather3A_1932 = tpu.vector_load_idx %arg8[%add3A_1931] : memref<640xf32, #tpu.memory_space<vmem>>[vector<16xi32>], vector<16xf32>,
      %add3A_1933 = arith.addi %broadcast_in_dim3A_1930, %min3A_1798 : vector<16xi32>
      %gather3A_1934 = tpu.vector_load_idx %arg8[%add3A_1933] : memref<640xf32, #tpu.memory_space<vmem>>[vector<16xi32>], vector<16xf32>,
      %mul3A_1935 = arith.mulf %mul3A_1802, %gather3A_1932 : vector<16xf32>
      %mul3A_1936 = arith.mulf %mul3A_1804, %gather3A_1934 : vector<16xf32>
      %add3A_1937 = arith.addf %mul3A_1935, %mul3A_1936 : vector<16xf32>
      %add3A_1938 = arith.constant 7 : i32
      %add3A_1939 = arith.addi %sub3A_1761, %add3A_1938 : i32
      %jit3A_1940 = arith.constant 0 : i32
      %jit3A_1941 = arith.constant 7 : i32
      %max3A_1942 = arith.maxsi %jit3A_1940, %add3A_1939 : i32
      %min3A_1943 = arith.minsi %jit3A_1941, %max3A_1942 : i32
      %sub3A_1944 = arith.constant 0 : i32
      %sub3A_1945 = arith.subi %min3A_1943, %sub3A_1944 : i32
      %mul3A_1946 = arith.constant 8 : i32
      %mul3A_1947 = arith.muli %sub3A_1945, %mul3A_1946 : i32
      %add3A_1948 = arith.addi %add3A_1737, %mul3A_1947 : i32
      %broadcast_in_dim3A_1949 = vector.broadcast %add3A_1948 : i32 to vector<16xi32>
      %add3A_1950 = arith.addi %broadcast_in_dim3A_1949, %min3A_1792 : vector<16xi32>
      %gather3A_1951 = tpu.vector_load_idx %arg8[%add3A_1950] : memref<640xf32, #tpu.memory_space<vmem>>[vector<16xi32>], vector<16xf32>,
      %add3A_1952 = arith.addi %broadcast_in_dim3A_1949, %min3A_1798 : vector<16xi32>
      %gather3A_1953 = tpu.vector_load_idx %arg8[%add3A_1952] : memref<640xf32, #tpu.memory_space<vmem>>[vector<16xi32>], vector<16xf32>,
      %mul3A_1954 = arith.mulf %mul3A_1802, %gather3A_1951 : vector<16xf32>
      %mul3A_1955 = arith.mulf %mul3A_1804, %gather3A_1953 : vector<16xf32>
      %add3A_1956 = arith.addf %mul3A_1954, %mul3A_1955 : vector<16xf32>
      %add3A_1957 = arith.constant 8 : i32
      %add3A_1958 = arith.addi %sub3A_1761, %add3A_1957 : i32
      %jit3A_1959 = arith.constant 0 : i32
      %jit3A_1960 = arith.constant 7 : i32
      %max3A_1961 = arith.maxsi %jit3A_1959, %add3A_1958 : i32
      %min3A_1962 = arith.minsi %jit3A_1960, %max3A_1961 : i32
      %sub3A_1963 = arith.constant 0 : i32
      %sub3A_1964 = arith.subi %min3A_1962, %sub3A_1963 : i32
      %mul3A_1965 = arith.constant 8 : i32
      %mul3A_1966 = arith.muli %sub3A_1964, %mul3A_1965 : i32
      %add3A_1967 = arith.addi %add3A_1737, %mul3A_1966 : i32
      %broadcast_in_dim3A_1968 = vector.broadcast %add3A_1967 : i32 to vector<16xi32>
      %add3A_1969 = arith.addi %broadcast_in_dim3A_1968, %min3A_1792 : vector<16xi32>
      %gather3A_1970 = tpu.vector_load_idx %arg8[%add3A_1969] : memref<640xf32, #tpu.memory_space<vmem>>[vector<16xi32>], vector<16xf32>,
      %add3A_1971 = arith.addi %broadcast_in_dim3A_1968, %min3A_1798 : vector<16xi32>
      %gather3A_1972 = tpu.vector_load_idx %arg8[%add3A_1971] : memref<640xf32, #tpu.memory_space<vmem>>[vector<16xi32>], vector<16xf32>,
      %mul3A_1973 = arith.mulf %mul3A_1802, %gather3A_1970 : vector<16xf32>
      %mul3A_1974 = arith.mulf %mul3A_1804, %gather3A_1972 : vector<16xf32>
      %add3A_1975 = arith.addf %mul3A_1973, %mul3A_1974 : vector<16xf32>
      %add3A_1976 = arith.constant 9 : i32
      %add3A_1977 = arith.addi %sub3A_1761, %add3A_1976 : i32
      %jit3A_1978 = arith.constant 0 : i32
      %jit3A_1979 = arith.constant 7 : i32
      %max3A_1980 = arith.maxsi %jit3A_1978, %add3A_1977 : i32
      %min3A_1981 = arith.minsi %jit3A_1979, %max3A_1980 : i32
      %sub3A_1982 = arith.constant 0 : i32
      %sub3A_1983 = arith.subi %min3A_1981, %sub3A_1982 : i32
      %mul3A_1984 = arith.constant 8 : i32
      %mul3A_1985 = arith.muli %sub3A_1983, %mul3A_1984 : i32
      %add3A_1986 = arith.addi %add3A_1737, %mul3A_1985 : i32
      %broadcast_in_dim3A_1987 = vector.broadcast %add3A_1986 : i32 to vector<16xi32>
      %add3A_1988 = arith.addi %broadcast_in_dim3A_1987, %min3A_1792 : vector<16xi32>
      %gather3A_1989 = tpu.vector_load_idx %arg8[%add3A_1988] : memref<640xf32, #tpu.memory_space<vmem>>[vector<16xi32>], vector<16xf32>,
      %add3A_1990 = arith.addi %broadcast_in_dim3A_1987, %min3A_1798 : vector<16xi32>
      %gather3A_1991 = tpu.vector_load_idx %arg8[%add3A_1990] : memref<640xf32, #tpu.memory_space<vmem>>[vector<16xi32>], vector<16xf32>,
      %mul3A_1992 = arith.mulf %mul3A_1802, %gather3A_1989 : vector<16xf32>
      %mul3A_1993 = arith.mulf %mul3A_1804, %gather3A_1991 : vector<16xf32>
      %add3A_1994 = arith.addf %mul3A_1992, %mul3A_1993 : vector<16xf32>
      %add3A_1995 = arith.constant 243 : i32
      %add3A_1996 = arith.addi %mul3A_209, %add3A_1995 : i32
      %mul3A_1997 = arith.constant 9 : i32
      %mul3A_1998 = vector.broadcast %mul3A_1997 : i32 to vector<16xi32>
      %mul3A_1999 = arith.muli %iota3A, %mul3A_1998 : vector<16xi32>
      %add3A_2000 = vector.broadcast %add3A_1996 : i32 to vector<16xi32>
      %add3A_2001 = arith.addi %add3A_2000, %mul3A_1999 : vector<16xi32>
      %add3A_2002 = arith.constant 0 : i32
      %add3A_2003 = arith.addi %sub3A_1761, %add3A_2002 : i32
      %add3A_2004 = arith.constant 1 : i32
      %add3A_2005 = arith.addi %add3A_2003, %add3A_2004 : i32
      %ge3A_2006 = arith.constant 0 : i32
      %ge3A_2007 = arith.cmpi sge, %add3A_2003, %ge3A_2006 : i32
      %le3A_2008 = arith.constant 7 : i32
      %le3A_2009 = arith.cmpi sle, %add3A_2003, %le3A_2008 : i32
      %and3A_2010 = arith.andi %ge3A_2007, %le3A_2009 : i1
      %sub3A_2011 = arith.constant 1.000000e+00 : f32
      %sub3A_2012 = arith.subf %sub3A_2011, %sub3A_1757 : f32
      %jit3A_2013 = arith.constant 0.000000e+00 : f32
      %select_n3A_2014 = arith.select %and3A_2010, %sub3A_2012, %jit3A_2013 : f32
      %ge3A_2015 = arith.constant 0 : i32
      %ge3A_2016 = arith.cmpi sge, %add3A_2005, %ge3A_2015 : i32
      %le3A_2017 = arith.constant 7 : i32
      %le3A_2018 = arith.cmpi sle, %add3A_2005, %le3A_2017 : i32
      %and3A_2019 = arith.andi %ge3A_2016, %le3A_2018 : i1
      %jit3A_2020 = arith.constant 0.000000e+00 : f32
      %select_n3A_2021 = arith.select %and3A_2019, %sub3A_1757, %jit3A_2020 : f32
      %broadcast_in_dim3A_2022 = vector.broadcast %select_n3A_2014 : f32 to vector<16xf32>
      %mul3A_2023 = arith.mulf %broadcast_in_dim3A_2022, %add3A_1823 : vector<16xf32>
      %broadcast_in_dim3A_2024 = vector.broadcast %select_n3A_2021 : f32 to vector<16xf32>
      %mul3A_2025 = arith.mulf %broadcast_in_dim3A_2024, %add3A_1842 : vector<16xf32>
      %add3A_2026 = arith.addf %mul3A_2023, %mul3A_2025 : vector<16xf32>
      %add3A_2027 = arith.constant 0 : i32
      %add3A_2028 = vector.broadcast %add3A_2027 : i32 to vector<16xi32>
      %add3A_2029 = arith.addi %add3A_2001, %add3A_2028 : vector<16xi32>
      tpu.vector_store_idx %arg9[%add3A_2029], %add3A_2026 masked %lt3A_125 : memref<672xf32, #tpu.memory_space<vmem>>[vector<16xi32>], vector<16xf32>, vector<16xi1>
      %add3A_2030 = arith.constant 1 : i32
      %add3A_2031 = arith.addi %sub3A_1761, %add3A_2030 : i32
      %add3A_2032 = arith.constant 1 : i32
      %add3A_2033 = arith.addi %add3A_2031, %add3A_2032 : i32
      %ge3A_2034 = arith.constant 0 : i32
      %ge3A_2035 = arith.cmpi sge, %add3A_2031, %ge3A_2034 : i32
      %le3A_2036 = arith.constant 7 : i32
      %le3A_2037 = arith.cmpi sle, %add3A_2031, %le3A_2036 : i32
      %and3A_2038 = arith.andi %ge3A_2035, %le3A_2037 : i1
      %sub3A_2039 = arith.constant 1.000000e+00 : f32
      %sub3A_2040 = arith.subf %sub3A_2039, %sub3A_1757 : f32
      %jit3A_2041 = arith.constant 0.000000e+00 : f32
      %select_n3A_2042 = arith.select %and3A_2038, %sub3A_2040, %jit3A_2041 : f32
      %ge3A_2043 = arith.constant 0 : i32
      %ge3A_2044 = arith.cmpi sge, %add3A_2033, %ge3A_2043 : i32
      %le3A_2045 = arith.constant 7 : i32
      %le3A_2046 = arith.cmpi sle, %add3A_2033, %le3A_2045 : i32
      %and3A_2047 = arith.andi %ge3A_2044, %le3A_2046 : i1
      %jit3A_2048 = arith.constant 0.000000e+00 : f32
      %select_n3A_2049 = arith.select %and3A_2047, %sub3A_1757, %jit3A_2048 : f32
      %broadcast_in_dim3A_2050 = vector.broadcast %select_n3A_2042 : f32 to vector<16xf32>
      %mul3A_2051 = arith.mulf %broadcast_in_dim3A_2050, %add3A_1842 : vector<16xf32>
      %broadcast_in_dim3A_2052 = vector.broadcast %select_n3A_2049 : f32 to vector<16xf32>
      %mul3A_2053 = arith.mulf %broadcast_in_dim3A_2052, %add3A_1861 : vector<16xf32>
      %add3A_2054 = arith.addf %mul3A_2051, %mul3A_2053 : vector<16xf32>
      %add3A_2055 = arith.constant 1 : i32
      %add3A_2056 = vector.broadcast %add3A_2055 : i32 to vector<16xi32>
      %add3A_2057 = arith.addi %add3A_2001, %add3A_2056 : vector<16xi32>
      tpu.vector_store_idx %arg9[%add3A_2057], %add3A_2054 masked %lt3A_125 : memref<672xf32, #tpu.memory_space<vmem>>[vector<16xi32>], vector<16xf32>, vector<16xi1>
      %add3A_2058 = arith.constant 2 : i32
      %add3A_2059 = arith.addi %sub3A_1761, %add3A_2058 : i32
      %add3A_2060 = arith.constant 1 : i32
      %add3A_2061 = arith.addi %add3A_2059, %add3A_2060 : i32
      %ge3A_2062 = arith.constant 0 : i32
      %ge3A_2063 = arith.cmpi sge, %add3A_2059, %ge3A_2062 : i32
      %le3A_2064 = arith.constant 7 : i32
      %le3A_2065 = arith.cmpi sle, %add3A_2059, %le3A_2064 : i32
      %and3A_2066 = arith.andi %ge3A_2063, %le3A_2065 : i1
      %sub3A_2067 = arith.constant 1.000000e+00 : f32
      %sub3A_2068 = arith.subf %sub3A_2067, %sub3A_1757 : f32
      %jit3A_2069 = arith.constant 0.000000e+00 : f32
      %select_n3A_2070 = arith.select %and3A_2066, %sub3A_2068, %jit3A_2069 : f32
      %ge3A_2071 = arith.constant 0 : i32
      %ge3A_2072 = arith.cmpi sge, %add3A_2061, %ge3A_2071 : i32
      %le3A_2073 = arith.constant 7 : i32
      %le3A_2074 = arith.cmpi sle, %add3A_2061, %le3A_2073 : i32
      %and3A_2075 = arith.andi %ge3A_2072, %le3A_2074 : i1
      %jit3A_2076 = arith.constant 0.000000e+00 : f32
      %select_n3A_2077 = arith.select %and3A_2075, %sub3A_1757, %jit3A_2076 : f32
      %broadcast_in_dim3A_2078 = vector.broadcast %select_n3A_2070 : f32 to vector<16xf32>
      %mul3A_2079 = arith.mulf %broadcast_in_dim3A_2078, %add3A_1861 : vector<16xf32>
      %broadcast_in_dim3A_2080 = vector.broadcast %select_n3A_2077 : f32 to vector<16xf32>
      %mul3A_2081 = arith.mulf %broadcast_in_dim3A_2080, %add3A_1880 : vector<16xf32>
      %add3A_2082 = arith.addf %mul3A_2079, %mul3A_2081 : vector<16xf32>
      %add3A_2083 = arith.constant 2 : i32
      %add3A_2084 = vector.broadcast %add3A_2083 : i32 to vector<16xi32>
      %add3A_2085 = arith.addi %add3A_2001, %add3A_2084 : vector<16xi32>
      tpu.vector_store_idx %arg9[%add3A_2085], %add3A_2082 masked %lt3A_125 : memref<672xf32, #tpu.memory_space<vmem>>[vector<16xi32>], vector<16xf32>, vector<16xi1>
      %add3A_2086 = arith.constant 3 : i32
      %add3A_2087 = arith.addi %sub3A_1761, %add3A_2086 : i32
      %add3A_2088 = arith.constant 1 : i32
      %add3A_2089 = arith.addi %add3A_2087, %add3A_2088 : i32
      %ge3A_2090 = arith.constant 0 : i32
      %ge3A_2091 = arith.cmpi sge, %add3A_2087, %ge3A_2090 : i32
      %le3A_2092 = arith.constant 7 : i32
      %le3A_2093 = arith.cmpi sle, %add3A_2087, %le3A_2092 : i32
      %and3A_2094 = arith.andi %ge3A_2091, %le3A_2093 : i1
      %sub3A_2095 = arith.constant 1.000000e+00 : f32
      %sub3A_2096 = arith.subf %sub3A_2095, %sub3A_1757 : f32
      %jit3A_2097 = arith.constant 0.000000e+00 : f32
      %select_n3A_2098 = arith.select %and3A_2094, %sub3A_2096, %jit3A_2097 : f32
      %ge3A_2099 = arith.constant 0 : i32
      %ge3A_2100 = arith.cmpi sge, %add3A_2089, %ge3A_2099 : i32
      %le3A_2101 = arith.constant 7 : i32
      %le3A_2102 = arith.cmpi sle, %add3A_2089, %le3A_2101 : i32
      %and3A_2103 = arith.andi %ge3A_2100, %le3A_2102 : i1
      %jit3A_2104 = arith.constant 0.000000e+00 : f32
      %select_n3A_2105 = arith.select %and3A_2103, %sub3A_1757, %jit3A_2104 : f32
      %broadcast_in_dim3A_2106 = vector.broadcast %select_n3A_2098 : f32 to vector<16xf32>
      %mul3A_2107 = arith.mulf %broadcast_in_dim3A_2106, %add3A_1880 : vector<16xf32>
      %broadcast_in_dim3A_2108 = vector.broadcast %select_n3A_2105 : f32 to vector<16xf32>
      %mul3A_2109 = arith.mulf %broadcast_in_dim3A_2108, %add3A_1899 : vector<16xf32>
      %add3A_2110 = arith.addf %mul3A_2107, %mul3A_2109 : vector<16xf32>
      %add3A_2111 = arith.constant 3 : i32
      %add3A_2112 = vector.broadcast %add3A_2111 : i32 to vector<16xi32>
      %add3A_2113 = arith.addi %add3A_2001, %add3A_2112 : vector<16xi32>
      tpu.vector_store_idx %arg9[%add3A_2113], %add3A_2110 masked %lt3A_125 : memref<672xf32, #tpu.memory_space<vmem>>[vector<16xi32>], vector<16xf32>, vector<16xi1>
      %add3A_2114 = arith.constant 4 : i32
      %add3A_2115 = arith.addi %sub3A_1761, %add3A_2114 : i32
      %add3A_2116 = arith.constant 1 : i32
      %add3A_2117 = arith.addi %add3A_2115, %add3A_2116 : i32
      %ge3A_2118 = arith.constant 0 : i32
      %ge3A_2119 = arith.cmpi sge, %add3A_2115, %ge3A_2118 : i32
      %le3A_2120 = arith.constant 7 : i32
      %le3A_2121 = arith.cmpi sle, %add3A_2115, %le3A_2120 : i32
      %and3A_2122 = arith.andi %ge3A_2119, %le3A_2121 : i1
      %sub3A_2123 = arith.constant 1.000000e+00 : f32
      %sub3A_2124 = arith.subf %sub3A_2123, %sub3A_1757 : f32
      %jit3A_2125 = arith.constant 0.000000e+00 : f32
      %select_n3A_2126 = arith.select %and3A_2122, %sub3A_2124, %jit3A_2125 : f32
      %ge3A_2127 = arith.constant 0 : i32
      %ge3A_2128 = arith.cmpi sge, %add3A_2117, %ge3A_2127 : i32
      %le3A_2129 = arith.constant 7 : i32
      %le3A_2130 = arith.cmpi sle, %add3A_2117, %le3A_2129 : i32
      %and3A_2131 = arith.andi %ge3A_2128, %le3A_2130 : i1
      %jit3A_2132 = arith.constant 0.000000e+00 : f32
      %select_n3A_2133 = arith.select %and3A_2131, %sub3A_1757, %jit3A_2132 : f32
      %broadcast_in_dim3A_2134 = vector.broadcast %select_n3A_2126 : f32 to vector<16xf32>
      %mul3A_2135 = arith.mulf %broadcast_in_dim3A_2134, %add3A_1899 : vector<16xf32>
      %broadcast_in_dim3A_2136 = vector.broadcast %select_n3A_2133 : f32 to vector<16xf32>
      %mul3A_2137 = arith.mulf %broadcast_in_dim3A_2136, %add3A_1918 : vector<16xf32>
      %add3A_2138 = arith.addf %mul3A_2135, %mul3A_2137 : vector<16xf32>
      %add3A_2139 = arith.constant 4 : i32
      %add3A_2140 = vector.broadcast %add3A_2139 : i32 to vector<16xi32>
      %add3A_2141 = arith.addi %add3A_2001, %add3A_2140 : vector<16xi32>
      tpu.vector_store_idx %arg9[%add3A_2141], %add3A_2138 masked %lt3A_125 : memref<672xf32, #tpu.memory_space<vmem>>[vector<16xi32>], vector<16xf32>, vector<16xi1>
      %add3A_2142 = arith.constant 5 : i32
      %add3A_2143 = arith.addi %sub3A_1761, %add3A_2142 : i32
      %add3A_2144 = arith.constant 1 : i32
      %add3A_2145 = arith.addi %add3A_2143, %add3A_2144 : i32
      %ge3A_2146 = arith.constant 0 : i32
      %ge3A_2147 = arith.cmpi sge, %add3A_2143, %ge3A_2146 : i32
      %le3A_2148 = arith.constant 7 : i32
      %le3A_2149 = arith.cmpi sle, %add3A_2143, %le3A_2148 : i32
      %and3A_2150 = arith.andi %ge3A_2147, %le3A_2149 : i1
      %sub3A_2151 = arith.constant 1.000000e+00 : f32
      %sub3A_2152 = arith.subf %sub3A_2151, %sub3A_1757 : f32
      %jit3A_2153 = arith.constant 0.000000e+00 : f32
      %select_n3A_2154 = arith.select %and3A_2150, %sub3A_2152, %jit3A_2153 : f32
      %ge3A_2155 = arith.constant 0 : i32
      %ge3A_2156 = arith.cmpi sge, %add3A_2145, %ge3A_2155 : i32
      %le3A_2157 = arith.constant 7 : i32
      %le3A_2158 = arith.cmpi sle, %add3A_2145, %le3A_2157 : i32
      %and3A_2159 = arith.andi %ge3A_2156, %le3A_2158 : i1
      %jit3A_2160 = arith.constant 0.000000e+00 : f32
      %select_n3A_2161 = arith.select %and3A_2159, %sub3A_1757, %jit3A_2160 : f32
      %broadcast_in_dim3A_2162 = vector.broadcast %select_n3A_2154 : f32 to vector<16xf32>
      %mul3A_2163 = arith.mulf %broadcast_in_dim3A_2162, %add3A_1918 : vector<16xf32>
      %broadcast_in_dim3A_2164 = vector.broadcast %select_n3A_2161 : f32 to vector<16xf32>
      %mul3A_2165 = arith.mulf %broadcast_in_dim3A_2164, %add3A_1937 : vector<16xf32>
      %add3A_2166 = arith.addf %mul3A_2163, %mul3A_2165 : vector<16xf32>
      %add3A_2167 = arith.constant 5 : i32
      %add3A_2168 = vector.broadcast %add3A_2167 : i32 to vector<16xi32>
      %add3A_2169 = arith.addi %add3A_2001, %add3A_2168 : vector<16xi32>
      tpu.vector_store_idx %arg9[%add3A_2169], %add3A_2166 masked %lt3A_125 : memref<672xf32, #tpu.memory_space<vmem>>[vector<16xi32>], vector<16xf32>, vector<16xi1>
      %add3A_2170 = arith.constant 6 : i32
      %add3A_2171 = arith.addi %sub3A_1761, %add3A_2170 : i32
      %add3A_2172 = arith.constant 1 : i32
      %add3A_2173 = arith.addi %add3A_2171, %add3A_2172 : i32
      %ge3A_2174 = arith.constant 0 : i32
      %ge3A_2175 = arith.cmpi sge, %add3A_2171, %ge3A_2174 : i32
      %le3A_2176 = arith.constant 7 : i32
      %le3A_2177 = arith.cmpi sle, %add3A_2171, %le3A_2176 : i32
      %and3A_2178 = arith.andi %ge3A_2175, %le3A_2177 : i1
      %sub3A_2179 = arith.constant 1.000000e+00 : f32
      %sub3A_2180 = arith.subf %sub3A_2179, %sub3A_1757 : f32
      %jit3A_2181 = arith.constant 0.000000e+00 : f32
      %select_n3A_2182 = arith.select %and3A_2178, %sub3A_2180, %jit3A_2181 : f32
      %ge3A_2183 = arith.constant 0 : i32
      %ge3A_2184 = arith.cmpi sge, %add3A_2173, %ge3A_2183 : i32
      %le3A_2185 = arith.constant 7 : i32
      %le3A_2186 = arith.cmpi sle, %add3A_2173, %le3A_2185 : i32
      %and3A_2187 = arith.andi %ge3A_2184, %le3A_2186 : i1
      %jit3A_2188 = arith.constant 0.000000e+00 : f32
      %select_n3A_2189 = arith.select %and3A_2187, %sub3A_1757, %jit3A_2188 : f32
      %broadcast_in_dim3A_2190 = vector.broadcast %select_n3A_2182 : f32 to vector<16xf32>
      %mul3A_2191 = arith.mulf %broadcast_in_dim3A_2190, %add3A_1937 : vector<16xf32>
      %broadcast_in_dim3A_2192 = vector.broadcast %select_n3A_2189 : f32 to vector<16xf32>
      %mul3A_2193 = arith.mulf %broadcast_in_dim3A_2192, %add3A_1956 : vector<16xf32>
      %add3A_2194 = arith.addf %mul3A_2191, %mul3A_2193 : vector<16xf32>
      %add3A_2195 = arith.constant 6 : i32
      %add3A_2196 = vector.broadcast %add3A_2195 : i32 to vector<16xi32>
      %add3A_2197 = arith.addi %add3A_2001, %add3A_2196 : vector<16xi32>
      tpu.vector_store_idx %arg9[%add3A_2197], %add3A_2194 masked %lt3A_125 : memref<672xf32, #tpu.memory_space<vmem>>[vector<16xi32>], vector<16xf32>, vector<16xi1>
      %add3A_2198 = arith.constant 7 : i32
      %add3A_2199 = arith.addi %sub3A_1761, %add3A_2198 : i32
      %add3A_2200 = arith.constant 1 : i32
      %add3A_2201 = arith.addi %add3A_2199, %add3A_2200 : i32
      %ge3A_2202 = arith.constant 0 : i32
      %ge3A_2203 = arith.cmpi sge, %add3A_2199, %ge3A_2202 : i32
      %le3A_2204 = arith.constant 7 : i32
      %le3A_2205 = arith.cmpi sle, %add3A_2199, %le3A_2204 : i32
      %and3A_2206 = arith.andi %ge3A_2203, %le3A_2205 : i1
      %sub3A_2207 = arith.constant 1.000000e+00 : f32
      %sub3A_2208 = arith.subf %sub3A_2207, %sub3A_1757 : f32
      %jit3A_2209 = arith.constant 0.000000e+00 : f32
      %select_n3A_2210 = arith.select %and3A_2206, %sub3A_2208, %jit3A_2209 : f32
      %ge3A_2211 = arith.constant 0 : i32
      %ge3A_2212 = arith.cmpi sge, %add3A_2201, %ge3A_2211 : i32
      %le3A_2213 = arith.constant 7 : i32
      %le3A_2214 = arith.cmpi sle, %add3A_2201, %le3A_2213 : i32
      %and3A_2215 = arith.andi %ge3A_2212, %le3A_2214 : i1
      %jit3A_2216 = arith.constant 0.000000e+00 : f32
      %select_n3A_2217 = arith.select %and3A_2215, %sub3A_1757, %jit3A_2216 : f32
      %broadcast_in_dim3A_2218 = vector.broadcast %select_n3A_2210 : f32 to vector<16xf32>
      %mul3A_2219 = arith.mulf %broadcast_in_dim3A_2218, %add3A_1956 : vector<16xf32>
      %broadcast_in_dim3A_2220 = vector.broadcast %select_n3A_2217 : f32 to vector<16xf32>
      %mul3A_2221 = arith.mulf %broadcast_in_dim3A_2220, %add3A_1975 : vector<16xf32>
      %add3A_2222 = arith.addf %mul3A_2219, %mul3A_2221 : vector<16xf32>
      %add3A_2223 = arith.constant 7 : i32
      %add3A_2224 = vector.broadcast %add3A_2223 : i32 to vector<16xi32>
      %add3A_2225 = arith.addi %add3A_2001, %add3A_2224 : vector<16xi32>
      tpu.vector_store_idx %arg9[%add3A_2225], %add3A_2222 masked %lt3A_125 : memref<672xf32, #tpu.memory_space<vmem>>[vector<16xi32>], vector<16xf32>, vector<16xi1>
      %add3A_2226 = arith.constant 8 : i32
      %add3A_2227 = arith.addi %sub3A_1761, %add3A_2226 : i32
      %add3A_2228 = arith.constant 1 : i32
      %add3A_2229 = arith.addi %add3A_2227, %add3A_2228 : i32
      %ge3A_2230 = arith.constant 0 : i32
      %ge3A_2231 = arith.cmpi sge, %add3A_2227, %ge3A_2230 : i32
      %le3A_2232 = arith.constant 7 : i32
      %le3A_2233 = arith.cmpi sle, %add3A_2227, %le3A_2232 : i32
      %and3A_2234 = arith.andi %ge3A_2231, %le3A_2233 : i1
      %sub3A_2235 = arith.constant 1.000000e+00 : f32
      %sub3A_2236 = arith.subf %sub3A_2235, %sub3A_1757 : f32
      %jit3A_2237 = arith.constant 0.000000e+00 : f32
      %select_n3A_2238 = arith.select %and3A_2234, %sub3A_2236, %jit3A_2237 : f32
      %ge3A_2239 = arith.constant 0 : i32
      %ge3A_2240 = arith.cmpi sge, %add3A_2229, %ge3A_2239 : i32
      %le3A_2241 = arith.constant 7 : i32
      %le3A_2242 = arith.cmpi sle, %add3A_2229, %le3A_2241 : i32
      %and3A_2243 = arith.andi %ge3A_2240, %le3A_2242 : i1
      %jit3A_2244 = arith.constant 0.000000e+00 : f32
      %select_n3A_2245 = arith.select %and3A_2243, %sub3A_1757, %jit3A_2244 : f32
      %broadcast_in_dim3A_2246 = vector.broadcast %select_n3A_2238 : f32 to vector<16xf32>
      %mul3A_2247 = arith.mulf %broadcast_in_dim3A_2246, %add3A_1975 : vector<16xf32>
      %broadcast_in_dim3A_2248 = vector.broadcast %select_n3A_2245 : f32 to vector<16xf32>
      %mul3A_2249 = arith.mulf %broadcast_in_dim3A_2248, %add3A_1994 : vector<16xf32>
      %add3A_2250 = arith.addf %mul3A_2247, %mul3A_2249 : vector<16xf32>
      %add3A_2251 = arith.constant 8 : i32
      %add3A_2252 = vector.broadcast %add3A_2251 : i32 to vector<16xi32>
      %add3A_2253 = arith.addi %add3A_2001, %add3A_2252 : vector<16xi32>
      tpu.vector_store_idx %arg9[%add3A_2253], %add3A_2250 masked %lt3A_125 : memref<672xf32, #tpu.memory_space<vmem>>[vector<16xi32>], vector<16xf32>, vector<16xi1>
      %dma_wait3A_2254 = arith.constant 0 : i32
      %dma_wait3A_2255 = tpu.memref_slice %arg9[%dma_wait3A_2254] : memref<672xf32, #tpu.memory_space<vmem>> -> memref<336xf32, #tpu.memory_space<vmem>>
      %dma_wait3A_2256 = arith.constant 0 : i32
      %dma_wait3A_2257 = tpu.memref_slice %arg4[%dma_wait3A_2256] : memref<1376256xf32, #tpu.memory_space<hbm>> -> memref<336xf32, #tpu.memory_space<hbm>>
      %dma_wait3A_2258 = arith.constant 0 : i32
      %dma_wait3A_2259 = tpu.memref_slice %arg4[%dma_wait3A_2258] : memref<1376256xf32, #tpu.memory_space<hbm>> -> memref<336xf32, #tpu.memory_space<hbm>>
      %dma_wait3A_2260 = arith.constant 0 : i32
      %dma_wait3A_2261 = tpu.memref_slice %arg9[%dma_wait3A_2260] : memref<672xf32, #tpu.memory_space<vmem>> -> memref<336xf32, #tpu.memory_space<vmem>>
      tpu.wait_dma2 semaphore(%arg16 : memref<!tpu.dma_semaphore, #tpu.memory_space<semaphore_mem>>) src(%dma_wait3A_2261 : memref<336xf32, #tpu.memory_space<vmem>>) dst(%dma_wait3A_2259 : memref<336xf32, #tpu.memory_space<hbm>>)
      %add3A_2262 = arith.addi %mul3A_2, %scan3A_123 : i32
      %mul3A_2263 = arith.constant 336 : i32
      %mul3A_2264 = arith.muli %add3A_2262, %mul3A_2263 : i32
      %dma_start3A_2265 = tpu.memref_slice %arg9[%mul3A_209] : memref<672xf32, #tpu.memory_space<vmem>> -> memref<336xf32, #tpu.memory_space<vmem>>
      %dma_start3A_2266 = tpu.memref_slice %arg4[%mul3A_2264] : memref<1376256xf32, #tpu.memory_space<hbm>> -> memref<336xf32, #tpu.memory_space<hbm>>
      %dma_start3A_2267 = tpu.memref_slice %arg4[%mul3A_2264] : memref<1376256xf32, #tpu.memory_space<hbm>> -> memref<336xf32, #tpu.memory_space<hbm>>
      %dma_start3A_2268 = tpu.memref_slice %arg9[%mul3A_209] : memref<672xf32, #tpu.memory_space<vmem>> -> memref<336xf32, #tpu.memory_space<vmem>>
      tpu.enqueue_dma source(%dma_start3A_2268 : memref<336xf32, #tpu.memory_space<vmem>>) target(%dma_start3A_2267 : memref<336xf32, #tpu.memory_space<hbm>>) target_semaphore(%arg16 : memref<!tpu.dma_semaphore, #tpu.memory_space<semaphore_mem>>)
    }
    %scan3A_91 = arith.constant 128 : i32
    %dma_wait3A = arith.constant 0 : i32
    %dma_wait3A_92 = tpu.memref_slice %arg9[%dma_wait3A] : memref<672xf32, #tpu.memory_space<vmem>> -> memref<336xf32, #tpu.memory_space<vmem>>
    %dma_wait3A_93 = arith.constant 0 : i32
    %dma_wait3A_94 = tpu.memref_slice %arg4[%dma_wait3A_93] : memref<1376256xf32, #tpu.memory_space<hbm>> -> memref<336xf32, #tpu.memory_space<hbm>>
    %dma_wait3A_95 = arith.constant 0 : i32
    %dma_wait3A_96 = tpu.memref_slice %arg4[%dma_wait3A_95] : memref<1376256xf32, #tpu.memory_space<hbm>> -> memref<336xf32, #tpu.memory_space<hbm>>
    %dma_wait3A_97 = arith.constant 0 : i32
    %dma_wait3A_98 = tpu.memref_slice %arg9[%dma_wait3A_97] : memref<672xf32, #tpu.memory_space<vmem>> -> memref<336xf32, #tpu.memory_space<vmem>>
    tpu.wait_dma2 semaphore(%arg16 : memref<!tpu.dma_semaphore, #tpu.memory_space<semaphore_mem>>) src(%dma_wait3A_98 : memref<336xf32, #tpu.memory_space<vmem>>) dst(%dma_wait3A_96 : memref<336xf32, #tpu.memory_space<hbm>>)
    %dma_wait3A_99 = arith.constant 0 : i32
    %dma_wait3A_100 = tpu.memref_slice %arg6[%dma_wait3A_99] : memref<1280xf32, #tpu.memory_space<vmem>> -> memref<640xf32, #tpu.memory_space<vmem>>
    %dma_wait3A_101 = arith.constant 0 : i32
    %dma_wait3A_102 = tpu.memref_slice %arg2[%dma_wait3A_101] : memref<25165824xf32, #tpu.memory_space<hbm>> -> memref<640xf32, #tpu.memory_space<hbm>>
    %dma_wait3A_103 = arith.constant 0 : i32
    %dma_wait3A_104 = tpu.memref_slice %arg6[%dma_wait3A_103] : memref<1280xf32, #tpu.memory_space<vmem>> -> memref<640xf32, #tpu.memory_space<vmem>>
    %dma_wait3A_105 = arith.constant 0 : i32
    %dma_wait3A_106 = tpu.memref_slice %arg2[%dma_wait3A_105] : memref<25165824xf32, #tpu.memory_space<hbm>> -> memref<640xf32, #tpu.memory_space<hbm>>
    tpu.wait_dma2 semaphore(%arg10 : memref<!tpu.dma_semaphore, #tpu.memory_space<semaphore_mem>>) src(%dma_wait3A_106 : memref<640xf32, #tpu.memory_space<hbm>>) dst(%dma_wait3A_104 : memref<640xf32, #tpu.memory_space<vmem>>)
    %dma_wait3A_107 = arith.constant 0 : i32
    %dma_wait3A_108 = tpu.memref_slice %arg7[%dma_wait3A_107] : memref<768xf32, #tpu.memory_space<vmem>> -> memref<384xf32, #tpu.memory_space<vmem>>
    %dma_wait3A_109 = arith.constant 0 : i32
    %dma_wait3A_110 = tpu.memref_slice %arg2[%dma_wait3A_109] : memref<25165824xf32, #tpu.memory_space<hbm>> -> memref<384xf32, #tpu.memory_space<hbm>>
    %dma_wait3A_111 = arith.constant 0 : i32
    %dma_wait3A_112 = tpu.memref_slice %arg7[%dma_wait3A_111] : memref<768xf32, #tpu.memory_space<vmem>> -> memref<384xf32, #tpu.memory_space<vmem>>
    %dma_wait3A_113 = arith.constant 0 : i32
    %dma_wait3A_114 = tpu.memref_slice %arg2[%dma_wait3A_113] : memref<25165824xf32, #tpu.memory_space<hbm>> -> memref<384xf32, #tpu.memory_space<hbm>>
    tpu.wait_dma2 semaphore(%arg11 : memref<!tpu.dma_semaphore, #tpu.memory_space<semaphore_mem>>) src(%dma_wait3A_114 : memref<384xf32, #tpu.memory_space<hbm>>) dst(%dma_wait3A_112 : memref<384xf32, #tpu.memory_space<vmem>>)
    %dma_wait3A_115 = arith.constant 0 : i32
    %dma_wait3A_116 = tpu.memref_slice %arg8[%dma_wait3A_115] : memref<640xf32, #tpu.memory_space<vmem>> -> memref<320xf32, #tpu.memory_space<vmem>>
    %dma_wait3A_117 = arith.constant 0 : i32
    %dma_wait3A_118 = tpu.memref_slice %arg2[%dma_wait3A_117] : memref<25165824xf32, #tpu.memory_space<hbm>> -> memref<320xf32, #tpu.memory_space<hbm>>
    %dma_wait3A_119 = arith.constant 0 : i32
    %dma_wait3A_120 = tpu.memref_slice %arg8[%dma_wait3A_119] : memref<640xf32, #tpu.memory_space<vmem>> -> memref<320xf32, #tpu.memory_space<vmem>>
    %dma_wait3A_121 = arith.constant 0 : i32
    %dma_wait3A_122 = tpu.memref_slice %arg2[%dma_wait3A_121] : memref<25165824xf32, #tpu.memory_space<hbm>> -> memref<320xf32, #tpu.memory_space<hbm>>
    tpu.wait_dma2 semaphore(%arg12 : memref<!tpu.dma_semaphore, #tpu.memory_space<semaphore_mem>>) src(%dma_wait3A_122 : memref<320xf32, #tpu.memory_space<hbm>>) dst(%dma_wait3A_120 : memref<320xf32, #tpu.memory_space<vmem>>)
    return
  }
}

module attributes {stable_mosaic.version = 14 : i64} {
  func.func @body(%arg0: i32, %arg1: memref<128x256xf32, #tpu.memory_space<vmem>>, %arg2: memref<256x4096xf32, #tpu.memory_space<vmem>>, %arg3: memref<4096x1024xf32, #tpu.memory_space<vmem>>, %arg4: memref<1024x256xf32, #tpu.memory_space<vmem>>, %arg5: memref<256x64xf32, #tpu.memory_space<vmem>>, %arg6: memref<128x48x128xf32, #tpu.memory_space<vmem>>, %arg7: memref<256x5440xf32, #tpu.memory_space<vmem>>) attributes {dimension_semantics = [#tpu.dimension_semantics<arbitrary>], iteration_bounds = array<i64: 32>, scalar_prefetch = 0 : i64, scratch_operands = 1 : i64, tpu.core_type = #tpu.core_type<tc>, window_params = [{transform_indices = @transform_0, window_bounds = array<i64: 128, 256>}, {pipeline_mode = #tpu.pipeline_mode<synchronous>, transform_indices = @transform_1, window_bounds = array<i64: 256, 4096>}, {pipeline_mode = #tpu.pipeline_mode<synchronous>, transform_indices = @transform_2, window_bounds = array<i64: 4096, 1024>}, {pipeline_mode = #tpu.pipeline_mode<synchronous>, transform_indices = @transform_3, window_bounds = array<i64: 1024, 256>}, {pipeline_mode = #tpu.pipeline_mode<synchronous>, transform_indices = @transform_4, window_bounds = array<i64: 256, 64>}, {transform_indices = @transform_5, window_bounds = array<i64: 128, 48, 128>}]} {
    %eq3A = arith.constant 0 : i32
    %eq3A_0 = arith.cmpi eq, %arg0, %eq3A : i32
    %convert_element_type3A = arith.extui %eq3A_0 : i1 to i32
    %cond3A = arith.constant 0 : i32
    %cond3A_1 = arith.cmpi ne, %convert_element_type3A, %cond3A : i32
    scf.if %cond3A_1 {
      %get3A_311 = arith.constant 0 : index
      %get3A_312 = arith.constant 0 : index
      %get3A_313 = vector.load %arg2[%get3A_311, %get3A_312] : memref<256x4096xf32, #tpu.memory_space<vmem>>, vector<256x4096xf32>
      %mul3A_314 = arith.mulf %get3A_313, %get3A_313 : vector<256x4096xf32>
      %reduce_sum3A_315 = arith.constant dense<0.000000e+00> : vector<4096xf32>
      %reduce_sum3A_316 = vector.multi_reduction <add>, %mul3A_314, %reduce_sum3A_315 [0] : vector<256x4096xf32> to vector<4096xf32>
      %broadcast_in_dim3A_317 = vector.shape_cast %reduce_sum3A_316 : vector<4096xf32> to vector<1x4096xf32>
      %sqrt3A_318 = math.sqrt %broadcast_in_dim3A_317 : vector<1x4096xf32>
      %add3A_319 = arith.constant 9.99999993E-9 : f32
      %add3A_320 = vector.broadcast %add3A_319 : f32 to vector<1x4096xf32>
      %add3A_321 = arith.addf %sqrt3A_318, %add3A_320 : vector<1x4096xf32>
      %div3A_322 = vector.broadcast %add3A_321 : vector<1x4096xf32> to vector<256x4096xf32>
      %div3A_323 = arith.divf %get3A_313, %div3A_322 : vector<256x4096xf32>
      %swap3A_324 = arith.constant 0 : index
      %swap3A_325 = arith.constant 0 : index
      %swap3A_326 = vector.load %arg7[%swap3A_324, %swap3A_325] : memref<256x5440xf32, #tpu.memory_space<vmem>>, vector<256x4096xf32>
      tpu.vector_store %arg7[%swap3A_324, %swap3A_325], %div3A_323 {strides = array<i32>} : memref<256x5440xf32, #tpu.memory_space<vmem>>, vector<256x4096xf32>,
      %get3A_327 = arith.constant 0 : index
      %get3A_328 = arith.constant 0 : index
      %get3A_329 = vector.load %arg3[%get3A_327, %get3A_328] : memref<4096x1024xf32, #tpu.memory_space<vmem>>, vector<4096x1024xf32>
      %dot_general3A_330 = arith.constant dense<0.000000e+00> : vector<256x1024xf32>
      %dot_general3A_331 = tpu.matmul %div3A_323, %get3A_329, %dot_general3A_330 {dimension_numbers = #tpu.dot_dimension_numbers<[1], [0], [0], [1], [0, 0, 1, 1], [], []>, transpose_lhs_hint = false} : vector<256x4096xf32>, vector<4096x1024xf32>, vector<256x1024xf32> -> vector<256x1024xf32>
      %swap3A_332 = arith.constant 0 : index
      %swap3A_333 = arith.constant 4096 : index
      %swap3A_334 = vector.load %arg7[%swap3A_332, %swap3A_333] : memref<256x5440xf32, #tpu.memory_space<vmem>>, vector<256x1024xf32>
      tpu.vector_store %arg7[%swap3A_332, %swap3A_333], %dot_general3A_331 {strides = array<i32>} : memref<256x5440xf32, #tpu.memory_space<vmem>>, vector<256x1024xf32>,
      %get3A_335 = arith.constant 0 : index
      %get3A_336 = arith.constant 0 : index
      %get3A_337 = vector.load %arg4[%get3A_335, %get3A_336] : memref<1024x256xf32, #tpu.memory_space<vmem>>, vector<1024x256xf32>
      %dot_general3A_338 = arith.constant dense<0.000000e+00> : vector<256x256xf32>
      %dot_general3A_339 = tpu.matmul %dot_general3A_331, %get3A_337, %dot_general3A_338 {dimension_numbers = #tpu.dot_dimension_numbers<[1], [0], [0], [1], [0, 0, 1, 1], [], []>, transpose_lhs_hint = false} : vector<256x1024xf32>, vector<1024x256xf32>, vector<256x256xf32> -> vector<256x256xf32>
      %swap3A_340 = arith.constant 0 : index
      %swap3A_341 = arith.constant 5120 : index
      %swap3A_342 = vector.load %arg7[%swap3A_340, %swap3A_341] : memref<256x5440xf32, #tpu.memory_space<vmem>>, vector<256x256xf32>
      tpu.vector_store %arg7[%swap3A_340, %swap3A_341], %dot_general3A_339 {strides = array<i32>} : memref<256x5440xf32, #tpu.memory_space<vmem>>, vector<256x256xf32>,
      %get3A_343 = arith.constant 0 : index
      %get3A_344 = arith.constant 0 : index
      %get3A_345 = vector.load %arg5[%get3A_343, %get3A_344] : memref<256x64xf32, #tpu.memory_space<vmem>>, vector<256x64xf32>
      %dot_general3A_346 = arith.constant dense<0.000000e+00> : vector<256x64xf32>
      %dot_general3A_347 = tpu.matmul %dot_general3A_339, %get3A_345, %dot_general3A_346 {dimension_numbers = #tpu.dot_dimension_numbers<[1], [0], [0], [1], [0, 0, 1, 1], [], []>, transpose_lhs_hint = false} : vector<256x256xf32>, vector<256x64xf32>, vector<256x64xf32> -> vector<256x64xf32>
      %swap3A_348 = arith.constant 0 : index
      %swap3A_349 = arith.constant 5376 : index
      %swap3A_350 = vector.load %arg7[%swap3A_348, %swap3A_349] : memref<256x5440xf32, #tpu.memory_space<vmem>>, vector<256x64xf32>
      tpu.vector_store %arg7[%swap3A_348, %swap3A_349], %dot_general3A_347 {strides = array<i32>} : memref<256x5440xf32, #tpu.memory_space<vmem>>, vector<256x64xf32>,
    } else {
    }
    %get3A = arith.constant 0 : index
    %get3A_2 = arith.constant 0 : index
    %get3A_3 = vector.load %arg1[%get3A, %get3A_2] : memref<128x256xf32, #tpu.memory_space<vmem>>, vector<128x256xf32>
    %mul3A = arith.mulf %get3A_3, %get3A_3 : vector<128x256xf32>
    %reduce_sum3A = arith.constant dense<0.000000e+00> : vector<128xf32>
    %reduce_sum3A_4 = vector.multi_reduction <add>, %mul3A, %reduce_sum3A [1] : vector<128x256xf32> to vector<128xf32>
    %broadcast_in_dim3A = vector.shape_cast %reduce_sum3A_4 : vector<128xf32> to vector<128x1xf32>
    %sqrt3A = math.sqrt %broadcast_in_dim3A : vector<128x1xf32>
    %add3A = arith.constant 9.99999993E-9 : f32
    %add3A_5 = vector.broadcast %add3A : f32 to vector<128x1xf32>
    %add3A_6 = arith.addf %sqrt3A, %add3A_5 : vector<128x1xf32>
    %div3A = vector.broadcast %add3A_6 : vector<128x1xf32> to vector<128x256xf32>
    %div3A_7 = arith.divf %get3A_3, %div3A : vector<128x256xf32>
    %get3A_8 = arith.constant 0 : index
    %get3A_9 = arith.constant 0 : index
    %get3A_10 = vector.load %arg7[%get3A_8, %get3A_9] : memref<256x5440xf32, #tpu.memory_space<vmem>>, vector<256x5440xf32>
    %dot_general3A = arith.constant dense<0.000000e+00> : vector<128x5440xf32>
    %dot_general3A_11 = tpu.matmul %div3A_7, %get3A_10, %dot_general3A {dimension_numbers = #tpu.dot_dimension_numbers<[1], [0], [0], [1], [0, 0, 1, 1], [], []>, transpose_lhs_hint = false} : vector<128x256xf32>, vector<256x5440xf32>, vector<128x5440xf32> -> vector<128x5440xf32>
    %slice3A = vector.extract_strided_slice %dot_general3A_11 {offsets = [0, 0], sizes = [128, 128], strides = [1, 1]} : vector<128x5440xf32> to vector<128x128xf32>
    %swap3A = arith.constant 0 : index
    %swap3A_12 = arith.constant 0 : index
    %swap3A_13 = arith.constant 0 : index
    %swap3A_14 = vector.load %arg6[%swap3A, %swap3A_12, %swap3A_13] : memref<128x48x128xf32, #tpu.memory_space<vmem>>, vector<128x1x128xf32>
    %swap3A_15 = vector.shape_cast %swap3A_14 : vector<128x1x128xf32> to vector<128x128xf32>
    %swap3A_16 = vector.shape_cast %slice3A : vector<128x128xf32> to vector<128x1x128xf32>
    tpu.vector_store %arg6[%swap3A, %swap3A_12, %swap3A_13], %swap3A_16 {strides = array<i32>} : memref<128x48x128xf32, #tpu.memory_space<vmem>>, vector<128x1x128xf32>,
    %slice3A_17 = vector.extract_strided_slice %dot_general3A_11 {offsets = [0, 128], sizes = [128, 128], strides = [1, 1]} : vector<128x5440xf32> to vector<128x128xf32>
    %swap3A_18 = arith.constant 0 : index
    %swap3A_19 = arith.constant 1 : index
    %swap3A_20 = arith.constant 0 : index
    %swap3A_21 = vector.load %arg6[%swap3A_18, %swap3A_19, %swap3A_20] : memref<128x48x128xf32, #tpu.memory_space<vmem>>, vector<128x1x128xf32>
    %swap3A_22 = vector.shape_cast %swap3A_21 : vector<128x1x128xf32> to vector<128x128xf32>
    %swap3A_23 = vector.shape_cast %slice3A_17 : vector<128x128xf32> to vector<128x1x128xf32>
    tpu.vector_store %arg6[%swap3A_18, %swap3A_19, %swap3A_20], %swap3A_23 {strides = array<i32>} : memref<128x48x128xf32, #tpu.memory_space<vmem>>, vector<128x1x128xf32>,
    %slice3A_24 = vector.extract_strided_slice %dot_general3A_11 {offsets = [0, 256], sizes = [128, 128], strides = [1, 1]} : vector<128x5440xf32> to vector<128x128xf32>
    %swap3A_25 = arith.constant 0 : index
    %swap3A_26 = arith.constant 2 : index
    %swap3A_27 = arith.constant 0 : index
    %swap3A_28 = vector.load %arg6[%swap3A_25, %swap3A_26, %swap3A_27] : memref<128x48x128xf32, #tpu.memory_space<vmem>>, vector<128x1x128xf32>
    %swap3A_29 = vector.shape_cast %swap3A_28 : vector<128x1x128xf32> to vector<128x128xf32>
    %swap3A_30 = vector.shape_cast %slice3A_24 : vector<128x128xf32> to vector<128x1x128xf32>
    tpu.vector_store %arg6[%swap3A_25, %swap3A_26, %swap3A_27], %swap3A_30 {strides = array<i32>} : memref<128x48x128xf32, #tpu.memory_space<vmem>>, vector<128x1x128xf32>,
    %slice3A_31 = vector.extract_strided_slice %dot_general3A_11 {offsets = [0, 384], sizes = [128, 128], strides = [1, 1]} : vector<128x5440xf32> to vector<128x128xf32>
    %swap3A_32 = arith.constant 0 : index
    %swap3A_33 = arith.constant 3 : index
    %swap3A_34 = arith.constant 0 : index
    %swap3A_35 = vector.load %arg6[%swap3A_32, %swap3A_33, %swap3A_34] : memref<128x48x128xf32, #tpu.memory_space<vmem>>, vector<128x1x128xf32>
    %swap3A_36 = vector.shape_cast %swap3A_35 : vector<128x1x128xf32> to vector<128x128xf32>
    %swap3A_37 = vector.shape_cast %slice3A_31 : vector<128x128xf32> to vector<128x1x128xf32>
    tpu.vector_store %arg6[%swap3A_32, %swap3A_33, %swap3A_34], %swap3A_37 {strides = array<i32>} : memref<128x48x128xf32, #tpu.memory_space<vmem>>, vector<128x1x128xf32>,
    %slice3A_38 = vector.extract_strided_slice %dot_general3A_11 {offsets = [0, 512], sizes = [128, 128], strides = [1, 1]} : vector<128x5440xf32> to vector<128x128xf32>
    %swap3A_39 = arith.constant 0 : index
    %swap3A_40 = arith.constant 4 : index
    %swap3A_41 = arith.constant 0 : index
    %swap3A_42 = vector.load %arg6[%swap3A_39, %swap3A_40, %swap3A_41] : memref<128x48x128xf32, #tpu.memory_space<vmem>>, vector<128x1x128xf32>
    %swap3A_43 = vector.shape_cast %swap3A_42 : vector<128x1x128xf32> to vector<128x128xf32>
    %swap3A_44 = vector.shape_cast %slice3A_38 : vector<128x128xf32> to vector<128x1x128xf32>
    tpu.vector_store %arg6[%swap3A_39, %swap3A_40, %swap3A_41], %swap3A_44 {strides = array<i32>} : memref<128x48x128xf32, #tpu.memory_space<vmem>>, vector<128x1x128xf32>,
    %slice3A_45 = vector.extract_strided_slice %dot_general3A_11 {offsets = [0, 640], sizes = [128, 128], strides = [1, 1]} : vector<128x5440xf32> to vector<128x128xf32>
    %swap3A_46 = arith.constant 0 : index
    %swap3A_47 = arith.constant 5 : index
    %swap3A_48 = arith.constant 0 : index
    %swap3A_49 = vector.load %arg6[%swap3A_46, %swap3A_47, %swap3A_48] : memref<128x48x128xf32, #tpu.memory_space<vmem>>, vector<128x1x128xf32>
    %swap3A_50 = vector.shape_cast %swap3A_49 : vector<128x1x128xf32> to vector<128x128xf32>
    %swap3A_51 = vector.shape_cast %slice3A_45 : vector<128x128xf32> to vector<128x1x128xf32>
    tpu.vector_store %arg6[%swap3A_46, %swap3A_47, %swap3A_48], %swap3A_51 {strides = array<i32>} : memref<128x48x128xf32, #tpu.memory_space<vmem>>, vector<128x1x128xf32>,
    %slice3A_52 = vector.extract_strided_slice %dot_general3A_11 {offsets = [0, 768], sizes = [128, 128], strides = [1, 1]} : vector<128x5440xf32> to vector<128x128xf32>
    %swap3A_53 = arith.constant 0 : index
    %swap3A_54 = arith.constant 6 : index
    %swap3A_55 = arith.constant 0 : index
    %swap3A_56 = vector.load %arg6[%swap3A_53, %swap3A_54, %swap3A_55] : memref<128x48x128xf32, #tpu.memory_space<vmem>>, vector<128x1x128xf32>
    %swap3A_57 = vector.shape_cast %swap3A_56 : vector<128x1x128xf32> to vector<128x128xf32>
    %swap3A_58 = vector.shape_cast %slice3A_52 : vector<128x128xf32> to vector<128x1x128xf32>
    tpu.vector_store %arg6[%swap3A_53, %swap3A_54, %swap3A_55], %swap3A_58 {strides = array<i32>} : memref<128x48x128xf32, #tpu.memory_space<vmem>>, vector<128x1x128xf32>,
    %slice3A_59 = vector.extract_strided_slice %dot_general3A_11 {offsets = [0, 896], sizes = [128, 128], strides = [1, 1]} : vector<128x5440xf32> to vector<128x128xf32>
    %swap3A_60 = arith.constant 0 : index
    %swap3A_61 = arith.constant 7 : index
    %swap3A_62 = arith.constant 0 : index
    %swap3A_63 = vector.load %arg6[%swap3A_60, %swap3A_61, %swap3A_62] : memref<128x48x128xf32, #tpu.memory_space<vmem>>, vector<128x1x128xf32>
    %swap3A_64 = vector.shape_cast %swap3A_63 : vector<128x1x128xf32> to vector<128x128xf32>
    %swap3A_65 = vector.shape_cast %slice3A_59 : vector<128x128xf32> to vector<128x1x128xf32>
    tpu.vector_store %arg6[%swap3A_60, %swap3A_61, %swap3A_62], %swap3A_65 {strides = array<i32>} : memref<128x48x128xf32, #tpu.memory_space<vmem>>, vector<128x1x128xf32>,
    %slice3A_66 = vector.extract_strided_slice %dot_general3A_11 {offsets = [0, 1024], sizes = [128, 128], strides = [1, 1]} : vector<128x5440xf32> to vector<128x128xf32>
    %swap3A_67 = arith.constant 0 : index
    %swap3A_68 = arith.constant 8 : index
    %swap3A_69 = arith.constant 0 : index
    %swap3A_70 = vector.load %arg6[%swap3A_67, %swap3A_68, %swap3A_69] : memref<128x48x128xf32, #tpu.memory_space<vmem>>, vector<128x1x128xf32>
    %swap3A_71 = vector.shape_cast %swap3A_70 : vector<128x1x128xf32> to vector<128x128xf32>
    %swap3A_72 = vector.shape_cast %slice3A_66 : vector<128x128xf32> to vector<128x1x128xf32>
    tpu.vector_store %arg6[%swap3A_67, %swap3A_68, %swap3A_69], %swap3A_72 {strides = array<i32>} : memref<128x48x128xf32, #tpu.memory_space<vmem>>, vector<128x1x128xf32>,
    %slice3A_73 = vector.extract_strided_slice %dot_general3A_11 {offsets = [0, 1152], sizes = [128, 128], strides = [1, 1]} : vector<128x5440xf32> to vector<128x128xf32>
    %swap3A_74 = arith.constant 0 : index
    %swap3A_75 = arith.constant 9 : index
    %swap3A_76 = arith.constant 0 : index
    %swap3A_77 = vector.load %arg6[%swap3A_74, %swap3A_75, %swap3A_76] : memref<128x48x128xf32, #tpu.memory_space<vmem>>, vector<128x1x128xf32>
    %swap3A_78 = vector.shape_cast %swap3A_77 : vector<128x1x128xf32> to vector<128x128xf32>
    %swap3A_79 = vector.shape_cast %slice3A_73 : vector<128x128xf32> to vector<128x1x128xf32>
    tpu.vector_store %arg6[%swap3A_74, %swap3A_75, %swap3A_76], %swap3A_79 {strides = array<i32>} : memref<128x48x128xf32, #tpu.memory_space<vmem>>, vector<128x1x128xf32>,
    %slice3A_80 = vector.extract_strided_slice %dot_general3A_11 {offsets = [0, 1280], sizes = [128, 128], strides = [1, 1]} : vector<128x5440xf32> to vector<128x128xf32>
    %swap3A_81 = arith.constant 0 : index
    %swap3A_82 = arith.constant 10 : index
    %swap3A_83 = arith.constant 0 : index
    %swap3A_84 = vector.load %arg6[%swap3A_81, %swap3A_82, %swap3A_83] : memref<128x48x128xf32, #tpu.memory_space<vmem>>, vector<128x1x128xf32>
    %swap3A_85 = vector.shape_cast %swap3A_84 : vector<128x1x128xf32> to vector<128x128xf32>
    %swap3A_86 = vector.shape_cast %slice3A_80 : vector<128x128xf32> to vector<128x1x128xf32>
    tpu.vector_store %arg6[%swap3A_81, %swap3A_82, %swap3A_83], %swap3A_86 {strides = array<i32>} : memref<128x48x128xf32, #tpu.memory_space<vmem>>, vector<128x1x128xf32>,
    %slice3A_87 = vector.extract_strided_slice %dot_general3A_11 {offsets = [0, 1408], sizes = [128, 128], strides = [1, 1]} : vector<128x5440xf32> to vector<128x128xf32>
    %swap3A_88 = arith.constant 0 : index
    %swap3A_89 = arith.constant 11 : index
    %swap3A_90 = arith.constant 0 : index
    %swap3A_91 = vector.load %arg6[%swap3A_88, %swap3A_89, %swap3A_90] : memref<128x48x128xf32, #tpu.memory_space<vmem>>, vector<128x1x128xf32>
    %swap3A_92 = vector.shape_cast %swap3A_91 : vector<128x1x128xf32> to vector<128x128xf32>
    %swap3A_93 = vector.shape_cast %slice3A_87 : vector<128x128xf32> to vector<128x1x128xf32>
    tpu.vector_store %arg6[%swap3A_88, %swap3A_89, %swap3A_90], %swap3A_93 {strides = array<i32>} : memref<128x48x128xf32, #tpu.memory_space<vmem>>, vector<128x1x128xf32>,
    %slice3A_94 = vector.extract_strided_slice %dot_general3A_11 {offsets = [0, 1536], sizes = [128, 128], strides = [1, 1]} : vector<128x5440xf32> to vector<128x128xf32>
    %swap3A_95 = arith.constant 0 : index
    %swap3A_96 = arith.constant 12 : index
    %swap3A_97 = arith.constant 0 : index
    %swap3A_98 = vector.load %arg6[%swap3A_95, %swap3A_96, %swap3A_97] : memref<128x48x128xf32, #tpu.memory_space<vmem>>, vector<128x1x128xf32>
    %swap3A_99 = vector.shape_cast %swap3A_98 : vector<128x1x128xf32> to vector<128x128xf32>
    %swap3A_100 = vector.shape_cast %slice3A_94 : vector<128x128xf32> to vector<128x1x128xf32>
    tpu.vector_store %arg6[%swap3A_95, %swap3A_96, %swap3A_97], %swap3A_100 {strides = array<i32>} : memref<128x48x128xf32, #tpu.memory_space<vmem>>, vector<128x1x128xf32>,
    %slice3A_101 = vector.extract_strided_slice %dot_general3A_11 {offsets = [0, 1664], sizes = [128, 128], strides = [1, 1]} : vector<128x5440xf32> to vector<128x128xf32>
    %swap3A_102 = arith.constant 0 : index
    %swap3A_103 = arith.constant 13 : index
    %swap3A_104 = arith.constant 0 : index
    %swap3A_105 = vector.load %arg6[%swap3A_102, %swap3A_103, %swap3A_104] : memref<128x48x128xf32, #tpu.memory_space<vmem>>, vector<128x1x128xf32>
    %swap3A_106 = vector.shape_cast %swap3A_105 : vector<128x1x128xf32> to vector<128x128xf32>
    %swap3A_107 = vector.shape_cast %slice3A_101 : vector<128x128xf32> to vector<128x1x128xf32>
    tpu.vector_store %arg6[%swap3A_102, %swap3A_103, %swap3A_104], %swap3A_107 {strides = array<i32>} : memref<128x48x128xf32, #tpu.memory_space<vmem>>, vector<128x1x128xf32>,
    %slice3A_108 = vector.extract_strided_slice %dot_general3A_11 {offsets = [0, 1792], sizes = [128, 128], strides = [1, 1]} : vector<128x5440xf32> to vector<128x128xf32>
    %swap3A_109 = arith.constant 0 : index
    %swap3A_110 = arith.constant 14 : index
    %swap3A_111 = arith.constant 0 : index
    %swap3A_112 = vector.load %arg6[%swap3A_109, %swap3A_110, %swap3A_111] : memref<128x48x128xf32, #tpu.memory_space<vmem>>, vector<128x1x128xf32>
    %swap3A_113 = vector.shape_cast %swap3A_112 : vector<128x1x128xf32> to vector<128x128xf32>
    %swap3A_114 = vector.shape_cast %slice3A_108 : vector<128x128xf32> to vector<128x1x128xf32>
    tpu.vector_store %arg6[%swap3A_109, %swap3A_110, %swap3A_111], %swap3A_114 {strides = array<i32>} : memref<128x48x128xf32, #tpu.memory_space<vmem>>, vector<128x1x128xf32>,
    %slice3A_115 = vector.extract_strided_slice %dot_general3A_11 {offsets = [0, 1920], sizes = [128, 128], strides = [1, 1]} : vector<128x5440xf32> to vector<128x128xf32>
    %swap3A_116 = arith.constant 0 : index
    %swap3A_117 = arith.constant 15 : index
    %swap3A_118 = arith.constant 0 : index
    %swap3A_119 = vector.load %arg6[%swap3A_116, %swap3A_117, %swap3A_118] : memref<128x48x128xf32, #tpu.memory_space<vmem>>, vector<128x1x128xf32>
    %swap3A_120 = vector.shape_cast %swap3A_119 : vector<128x1x128xf32> to vector<128x128xf32>
    %swap3A_121 = vector.shape_cast %slice3A_115 : vector<128x128xf32> to vector<128x1x128xf32>
    tpu.vector_store %arg6[%swap3A_116, %swap3A_117, %swap3A_118], %swap3A_121 {strides = array<i32>} : memref<128x48x128xf32, #tpu.memory_space<vmem>>, vector<128x1x128xf32>,
    %slice3A_122 = vector.extract_strided_slice %dot_general3A_11 {offsets = [0, 2048], sizes = [128, 128], strides = [1, 1]} : vector<128x5440xf32> to vector<128x128xf32>
    %swap3A_123 = arith.constant 0 : index
    %swap3A_124 = arith.constant 16 : index
    %swap3A_125 = arith.constant 0 : index
    %swap3A_126 = vector.load %arg6[%swap3A_123, %swap3A_124, %swap3A_125] : memref<128x48x128xf32, #tpu.memory_space<vmem>>, vector<128x1x128xf32>
    %swap3A_127 = vector.shape_cast %swap3A_126 : vector<128x1x128xf32> to vector<128x128xf32>
    %swap3A_128 = vector.shape_cast %slice3A_122 : vector<128x128xf32> to vector<128x1x128xf32>
    tpu.vector_store %arg6[%swap3A_123, %swap3A_124, %swap3A_125], %swap3A_128 {strides = array<i32>} : memref<128x48x128xf32, #tpu.memory_space<vmem>>, vector<128x1x128xf32>,
    %slice3A_129 = vector.extract_strided_slice %dot_general3A_11 {offsets = [0, 2176], sizes = [128, 128], strides = [1, 1]} : vector<128x5440xf32> to vector<128x128xf32>
    %swap3A_130 = arith.constant 0 : index
    %swap3A_131 = arith.constant 17 : index
    %swap3A_132 = arith.constant 0 : index
    %swap3A_133 = vector.load %arg6[%swap3A_130, %swap3A_131, %swap3A_132] : memref<128x48x128xf32, #tpu.memory_space<vmem>>, vector<128x1x128xf32>
    %swap3A_134 = vector.shape_cast %swap3A_133 : vector<128x1x128xf32> to vector<128x128xf32>
    %swap3A_135 = vector.shape_cast %slice3A_129 : vector<128x128xf32> to vector<128x1x128xf32>
    tpu.vector_store %arg6[%swap3A_130, %swap3A_131, %swap3A_132], %swap3A_135 {strides = array<i32>} : memref<128x48x128xf32, #tpu.memory_space<vmem>>, vector<128x1x128xf32>,
    %slice3A_136 = vector.extract_strided_slice %dot_general3A_11 {offsets = [0, 2304], sizes = [128, 128], strides = [1, 1]} : vector<128x5440xf32> to vector<128x128xf32>
    %swap3A_137 = arith.constant 0 : index
    %swap3A_138 = arith.constant 18 : index
    %swap3A_139 = arith.constant 0 : index
    %swap3A_140 = vector.load %arg6[%swap3A_137, %swap3A_138, %swap3A_139] : memref<128x48x128xf32, #tpu.memory_space<vmem>>, vector<128x1x128xf32>
    %swap3A_141 = vector.shape_cast %swap3A_140 : vector<128x1x128xf32> to vector<128x128xf32>
    %swap3A_142 = vector.shape_cast %slice3A_136 : vector<128x128xf32> to vector<128x1x128xf32>
    tpu.vector_store %arg6[%swap3A_137, %swap3A_138, %swap3A_139], %swap3A_142 {strides = array<i32>} : memref<128x48x128xf32, #tpu.memory_space<vmem>>, vector<128x1x128xf32>,
    %slice3A_143 = vector.extract_strided_slice %dot_general3A_11 {offsets = [0, 2432], sizes = [128, 128], strides = [1, 1]} : vector<128x5440xf32> to vector<128x128xf32>
    %swap3A_144 = arith.constant 0 : index
    %swap3A_145 = arith.constant 19 : index
    %swap3A_146 = arith.constant 0 : index
    %swap3A_147 = vector.load %arg6[%swap3A_144, %swap3A_145, %swap3A_146] : memref<128x48x128xf32, #tpu.memory_space<vmem>>, vector<128x1x128xf32>
    %swap3A_148 = vector.shape_cast %swap3A_147 : vector<128x1x128xf32> to vector<128x128xf32>
    %swap3A_149 = vector.shape_cast %slice3A_143 : vector<128x128xf32> to vector<128x1x128xf32>
    tpu.vector_store %arg6[%swap3A_144, %swap3A_145, %swap3A_146], %swap3A_149 {strides = array<i32>} : memref<128x48x128xf32, #tpu.memory_space<vmem>>, vector<128x1x128xf32>,
    %slice3A_150 = vector.extract_strided_slice %dot_general3A_11 {offsets = [0, 2560], sizes = [128, 128], strides = [1, 1]} : vector<128x5440xf32> to vector<128x128xf32>
    %swap3A_151 = arith.constant 0 : index
    %swap3A_152 = arith.constant 20 : index
    %swap3A_153 = arith.constant 0 : index
    %swap3A_154 = vector.load %arg6[%swap3A_151, %swap3A_152, %swap3A_153] : memref<128x48x128xf32, #tpu.memory_space<vmem>>, vector<128x1x128xf32>
    %swap3A_155 = vector.shape_cast %swap3A_154 : vector<128x1x128xf32> to vector<128x128xf32>
    %swap3A_156 = vector.shape_cast %slice3A_150 : vector<128x128xf32> to vector<128x1x128xf32>
    tpu.vector_store %arg6[%swap3A_151, %swap3A_152, %swap3A_153], %swap3A_156 {strides = array<i32>} : memref<128x48x128xf32, #tpu.memory_space<vmem>>, vector<128x1x128xf32>,
    %slice3A_157 = vector.extract_strided_slice %dot_general3A_11 {offsets = [0, 2688], sizes = [128, 128], strides = [1, 1]} : vector<128x5440xf32> to vector<128x128xf32>
    %swap3A_158 = arith.constant 0 : index
    %swap3A_159 = arith.constant 21 : index
    %swap3A_160 = arith.constant 0 : index
    %swap3A_161 = vector.load %arg6[%swap3A_158, %swap3A_159, %swap3A_160] : memref<128x48x128xf32, #tpu.memory_space<vmem>>, vector<128x1x128xf32>
    %swap3A_162 = vector.shape_cast %swap3A_161 : vector<128x1x128xf32> to vector<128x128xf32>
    %swap3A_163 = vector.shape_cast %slice3A_157 : vector<128x128xf32> to vector<128x1x128xf32>
    tpu.vector_store %arg6[%swap3A_158, %swap3A_159, %swap3A_160], %swap3A_163 {strides = array<i32>} : memref<128x48x128xf32, #tpu.memory_space<vmem>>, vector<128x1x128xf32>,
    %slice3A_164 = vector.extract_strided_slice %dot_general3A_11 {offsets = [0, 2816], sizes = [128, 128], strides = [1, 1]} : vector<128x5440xf32> to vector<128x128xf32>
    %swap3A_165 = arith.constant 0 : index
    %swap3A_166 = arith.constant 22 : index
    %swap3A_167 = arith.constant 0 : index
    %swap3A_168 = vector.load %arg6[%swap3A_165, %swap3A_166, %swap3A_167] : memref<128x48x128xf32, #tpu.memory_space<vmem>>, vector<128x1x128xf32>
    %swap3A_169 = vector.shape_cast %swap3A_168 : vector<128x1x128xf32> to vector<128x128xf32>
    %swap3A_170 = vector.shape_cast %slice3A_164 : vector<128x128xf32> to vector<128x1x128xf32>
    tpu.vector_store %arg6[%swap3A_165, %swap3A_166, %swap3A_167], %swap3A_170 {strides = array<i32>} : memref<128x48x128xf32, #tpu.memory_space<vmem>>, vector<128x1x128xf32>,
    %slice3A_171 = vector.extract_strided_slice %dot_general3A_11 {offsets = [0, 2944], sizes = [128, 128], strides = [1, 1]} : vector<128x5440xf32> to vector<128x128xf32>
    %swap3A_172 = arith.constant 0 : index
    %swap3A_173 = arith.constant 23 : index
    %swap3A_174 = arith.constant 0 : index
    %swap3A_175 = vector.load %arg6[%swap3A_172, %swap3A_173, %swap3A_174] : memref<128x48x128xf32, #tpu.memory_space<vmem>>, vector<128x1x128xf32>
    %swap3A_176 = vector.shape_cast %swap3A_175 : vector<128x1x128xf32> to vector<128x128xf32>
    %swap3A_177 = vector.shape_cast %slice3A_171 : vector<128x128xf32> to vector<128x1x128xf32>
    tpu.vector_store %arg6[%swap3A_172, %swap3A_173, %swap3A_174], %swap3A_177 {strides = array<i32>} : memref<128x48x128xf32, #tpu.memory_space<vmem>>, vector<128x1x128xf32>,
    %slice3A_178 = vector.extract_strided_slice %dot_general3A_11 {offsets = [0, 3072], sizes = [128, 128], strides = [1, 1]} : vector<128x5440xf32> to vector<128x128xf32>
    %swap3A_179 = arith.constant 0 : index
    %swap3A_180 = arith.constant 24 : index
    %swap3A_181 = arith.constant 0 : index
    %swap3A_182 = vector.load %arg6[%swap3A_179, %swap3A_180, %swap3A_181] : memref<128x48x128xf32, #tpu.memory_space<vmem>>, vector<128x1x128xf32>
    %swap3A_183 = vector.shape_cast %swap3A_182 : vector<128x1x128xf32> to vector<128x128xf32>
    %swap3A_184 = vector.shape_cast %slice3A_178 : vector<128x128xf32> to vector<128x1x128xf32>
    tpu.vector_store %arg6[%swap3A_179, %swap3A_180, %swap3A_181], %swap3A_184 {strides = array<i32>} : memref<128x48x128xf32, #tpu.memory_space<vmem>>, vector<128x1x128xf32>,
    %slice3A_185 = vector.extract_strided_slice %dot_general3A_11 {offsets = [0, 3200], sizes = [128, 128], strides = [1, 1]} : vector<128x5440xf32> to vector<128x128xf32>
    %swap3A_186 = arith.constant 0 : index
    %swap3A_187 = arith.constant 25 : index
    %swap3A_188 = arith.constant 0 : index
    %swap3A_189 = vector.load %arg6[%swap3A_186, %swap3A_187, %swap3A_188] : memref<128x48x128xf32, #tpu.memory_space<vmem>>, vector<128x1x128xf32>
    %swap3A_190 = vector.shape_cast %swap3A_189 : vector<128x1x128xf32> to vector<128x128xf32>
    %swap3A_191 = vector.shape_cast %slice3A_185 : vector<128x128xf32> to vector<128x1x128xf32>
    tpu.vector_store %arg6[%swap3A_186, %swap3A_187, %swap3A_188], %swap3A_191 {strides = array<i32>} : memref<128x48x128xf32, #tpu.memory_space<vmem>>, vector<128x1x128xf32>,
    %slice3A_192 = vector.extract_strided_slice %dot_general3A_11 {offsets = [0, 3328], sizes = [128, 128], strides = [1, 1]} : vector<128x5440xf32> to vector<128x128xf32>
    %swap3A_193 = arith.constant 0 : index
    %swap3A_194 = arith.constant 26 : index
    %swap3A_195 = arith.constant 0 : index
    %swap3A_196 = vector.load %arg6[%swap3A_193, %swap3A_194, %swap3A_195] : memref<128x48x128xf32, #tpu.memory_space<vmem>>, vector<128x1x128xf32>
    %swap3A_197 = vector.shape_cast %swap3A_196 : vector<128x1x128xf32> to vector<128x128xf32>
    %swap3A_198 = vector.shape_cast %slice3A_192 : vector<128x128xf32> to vector<128x1x128xf32>
    tpu.vector_store %arg6[%swap3A_193, %swap3A_194, %swap3A_195], %swap3A_198 {strides = array<i32>} : memref<128x48x128xf32, #tpu.memory_space<vmem>>, vector<128x1x128xf32>,
    %slice3A_199 = vector.extract_strided_slice %dot_general3A_11 {offsets = [0, 3456], sizes = [128, 128], strides = [1, 1]} : vector<128x5440xf32> to vector<128x128xf32>
    %swap3A_200 = arith.constant 0 : index
    %swap3A_201 = arith.constant 27 : index
    %swap3A_202 = arith.constant 0 : index
    %swap3A_203 = vector.load %arg6[%swap3A_200, %swap3A_201, %swap3A_202] : memref<128x48x128xf32, #tpu.memory_space<vmem>>, vector<128x1x128xf32>
    %swap3A_204 = vector.shape_cast %swap3A_203 : vector<128x1x128xf32> to vector<128x128xf32>
    %swap3A_205 = vector.shape_cast %slice3A_199 : vector<128x128xf32> to vector<128x1x128xf32>
    tpu.vector_store %arg6[%swap3A_200, %swap3A_201, %swap3A_202], %swap3A_205 {strides = array<i32>} : memref<128x48x128xf32, #tpu.memory_space<vmem>>, vector<128x1x128xf32>,
    %slice3A_206 = vector.extract_strided_slice %dot_general3A_11 {offsets = [0, 3584], sizes = [128, 128], strides = [1, 1]} : vector<128x5440xf32> to vector<128x128xf32>
    %swap3A_207 = arith.constant 0 : index
    %swap3A_208 = arith.constant 28 : index
    %swap3A_209 = arith.constant 0 : index
    %swap3A_210 = vector.load %arg6[%swap3A_207, %swap3A_208, %swap3A_209] : memref<128x48x128xf32, #tpu.memory_space<vmem>>, vector<128x1x128xf32>
    %swap3A_211 = vector.shape_cast %swap3A_210 : vector<128x1x128xf32> to vector<128x128xf32>
    %swap3A_212 = vector.shape_cast %slice3A_206 : vector<128x128xf32> to vector<128x1x128xf32>
    tpu.vector_store %arg6[%swap3A_207, %swap3A_208, %swap3A_209], %swap3A_212 {strides = array<i32>} : memref<128x48x128xf32, #tpu.memory_space<vmem>>, vector<128x1x128xf32>,
    %slice3A_213 = vector.extract_strided_slice %dot_general3A_11 {offsets = [0, 3712], sizes = [128, 128], strides = [1, 1]} : vector<128x5440xf32> to vector<128x128xf32>
    %swap3A_214 = arith.constant 0 : index
    %swap3A_215 = arith.constant 29 : index
    %swap3A_216 = arith.constant 0 : index
    %swap3A_217 = vector.load %arg6[%swap3A_214, %swap3A_215, %swap3A_216] : memref<128x48x128xf32, #tpu.memory_space<vmem>>, vector<128x1x128xf32>
    %swap3A_218 = vector.shape_cast %swap3A_217 : vector<128x1x128xf32> to vector<128x128xf32>
    %swap3A_219 = vector.shape_cast %slice3A_213 : vector<128x128xf32> to vector<128x1x128xf32>
    tpu.vector_store %arg6[%swap3A_214, %swap3A_215, %swap3A_216], %swap3A_219 {strides = array<i32>} : memref<128x48x128xf32, #tpu.memory_space<vmem>>, vector<128x1x128xf32>,
    %slice3A_220 = vector.extract_strided_slice %dot_general3A_11 {offsets = [0, 3840], sizes = [128, 128], strides = [1, 1]} : vector<128x5440xf32> to vector<128x128xf32>
    %swap3A_221 = arith.constant 0 : index
    %swap3A_222 = arith.constant 30 : index
    %swap3A_223 = arith.constant 0 : index
    %swap3A_224 = vector.load %arg6[%swap3A_221, %swap3A_222, %swap3A_223] : memref<128x48x128xf32, #tpu.memory_space<vmem>>, vector<128x1x128xf32>
    %swap3A_225 = vector.shape_cast %swap3A_224 : vector<128x1x128xf32> to vector<128x128xf32>
    %swap3A_226 = vector.shape_cast %slice3A_220 : vector<128x128xf32> to vector<128x1x128xf32>
    tpu.vector_store %arg6[%swap3A_221, %swap3A_222, %swap3A_223], %swap3A_226 {strides = array<i32>} : memref<128x48x128xf32, #tpu.memory_space<vmem>>, vector<128x1x128xf32>,
    %slice3A_227 = vector.extract_strided_slice %dot_general3A_11 {offsets = [0, 3968], sizes = [128, 128], strides = [1, 1]} : vector<128x5440xf32> to vector<128x128xf32>
    %swap3A_228 = arith.constant 0 : index
    %swap3A_229 = arith.constant 31 : index
    %swap3A_230 = arith.constant 0 : index
    %swap3A_231 = vector.load %arg6[%swap3A_228, %swap3A_229, %swap3A_230] : memref<128x48x128xf32, #tpu.memory_space<vmem>>, vector<128x1x128xf32>
    %swap3A_232 = vector.shape_cast %swap3A_231 : vector<128x1x128xf32> to vector<128x128xf32>
    %swap3A_233 = vector.shape_cast %slice3A_227 : vector<128x128xf32> to vector<128x1x128xf32>
    tpu.vector_store %arg6[%swap3A_228, %swap3A_229, %swap3A_230], %swap3A_233 {strides = array<i32>} : memref<128x48x128xf32, #tpu.memory_space<vmem>>, vector<128x1x128xf32>,
    %slice3A_234 = vector.extract_strided_slice %dot_general3A_11 {offsets = [0, 4096], sizes = [128, 128], strides = [1, 1]} : vector<128x5440xf32> to vector<128x128xf32>
    %swap3A_235 = arith.constant 0 : index
    %swap3A_236 = arith.constant 32 : index
    %swap3A_237 = arith.constant 0 : index
    %swap3A_238 = vector.load %arg6[%swap3A_235, %swap3A_236, %swap3A_237] : memref<128x48x128xf32, #tpu.memory_space<vmem>>, vector<128x1x128xf32>
    %swap3A_239 = vector.shape_cast %swap3A_238 : vector<128x1x128xf32> to vector<128x128xf32>
    %swap3A_240 = vector.shape_cast %slice3A_234 : vector<128x128xf32> to vector<128x1x128xf32>
    tpu.vector_store %arg6[%swap3A_235, %swap3A_236, %swap3A_237], %swap3A_240 {strides = array<i32>} : memref<128x48x128xf32, #tpu.memory_space<vmem>>, vector<128x1x128xf32>,
    %slice3A_241 = vector.extract_strided_slice %dot_general3A_11 {offsets = [0, 4224], sizes = [128, 128], strides = [1, 1]} : vector<128x5440xf32> to vector<128x128xf32>
    %swap3A_242 = arith.constant 0 : index
    %swap3A_243 = arith.constant 33 : index
    %swap3A_244 = arith.constant 0 : index
    %swap3A_245 = vector.load %arg6[%swap3A_242, %swap3A_243, %swap3A_244] : memref<128x48x128xf32, #tpu.memory_space<vmem>>, vector<128x1x128xf32>
    %swap3A_246 = vector.shape_cast %swap3A_245 : vector<128x1x128xf32> to vector<128x128xf32>
    %swap3A_247 = vector.shape_cast %slice3A_241 : vector<128x128xf32> to vector<128x1x128xf32>
    tpu.vector_store %arg6[%swap3A_242, %swap3A_243, %swap3A_244], %swap3A_247 {strides = array<i32>} : memref<128x48x128xf32, #tpu.memory_space<vmem>>, vector<128x1x128xf32>,
    %slice3A_248 = vector.extract_strided_slice %dot_general3A_11 {offsets = [0, 4352], sizes = [128, 128], strides = [1, 1]} : vector<128x5440xf32> to vector<128x128xf32>
    %swap3A_249 = arith.constant 0 : index
    %swap3A_250 = arith.constant 34 : index
    %swap3A_251 = arith.constant 0 : index
    %swap3A_252 = vector.load %arg6[%swap3A_249, %swap3A_250, %swap3A_251] : memref<128x48x128xf32, #tpu.memory_space<vmem>>, vector<128x1x128xf32>
    %swap3A_253 = vector.shape_cast %swap3A_252 : vector<128x1x128xf32> to vector<128x128xf32>
    %swap3A_254 = vector.shape_cast %slice3A_248 : vector<128x128xf32> to vector<128x1x128xf32>
    tpu.vector_store %arg6[%swap3A_249, %swap3A_250, %swap3A_251], %swap3A_254 {strides = array<i32>} : memref<128x48x128xf32, #tpu.memory_space<vmem>>, vector<128x1x128xf32>,
    %slice3A_255 = vector.extract_strided_slice %dot_general3A_11 {offsets = [0, 4480], sizes = [128, 128], strides = [1, 1]} : vector<128x5440xf32> to vector<128x128xf32>
    %swap3A_256 = arith.constant 0 : index
    %swap3A_257 = arith.constant 35 : index
    %swap3A_258 = arith.constant 0 : index
    %swap3A_259 = vector.load %arg6[%swap3A_256, %swap3A_257, %swap3A_258] : memref<128x48x128xf32, #tpu.memory_space<vmem>>, vector<128x1x128xf32>
    %swap3A_260 = vector.shape_cast %swap3A_259 : vector<128x1x128xf32> to vector<128x128xf32>
    %swap3A_261 = vector.shape_cast %slice3A_255 : vector<128x128xf32> to vector<128x1x128xf32>
    tpu.vector_store %arg6[%swap3A_256, %swap3A_257, %swap3A_258], %swap3A_261 {strides = array<i32>} : memref<128x48x128xf32, #tpu.memory_space<vmem>>, vector<128x1x128xf32>,
    %slice3A_262 = vector.extract_strided_slice %dot_general3A_11 {offsets = [0, 4608], sizes = [128, 128], strides = [1, 1]} : vector<128x5440xf32> to vector<128x128xf32>
    %swap3A_263 = arith.constant 0 : index
    %swap3A_264 = arith.constant 36 : index
    %swap3A_265 = arith.constant 0 : index
    %swap3A_266 = vector.load %arg6[%swap3A_263, %swap3A_264, %swap3A_265] : memref<128x48x128xf32, #tpu.memory_space<vmem>>, vector<128x1x128xf32>
    %swap3A_267 = vector.shape_cast %swap3A_266 : vector<128x1x128xf32> to vector<128x128xf32>
    %swap3A_268 = vector.shape_cast %slice3A_262 : vector<128x128xf32> to vector<128x1x128xf32>
    tpu.vector_store %arg6[%swap3A_263, %swap3A_264, %swap3A_265], %swap3A_268 {strides = array<i32>} : memref<128x48x128xf32, #tpu.memory_space<vmem>>, vector<128x1x128xf32>,
    %slice3A_269 = vector.extract_strided_slice %dot_general3A_11 {offsets = [0, 4736], sizes = [128, 128], strides = [1, 1]} : vector<128x5440xf32> to vector<128x128xf32>
    %swap3A_270 = arith.constant 0 : index
    %swap3A_271 = arith.constant 37 : index
    %swap3A_272 = arith.constant 0 : index
    %swap3A_273 = vector.load %arg6[%swap3A_270, %swap3A_271, %swap3A_272] : memref<128x48x128xf32, #tpu.memory_space<vmem>>, vector<128x1x128xf32>
    %swap3A_274 = vector.shape_cast %swap3A_273 : vector<128x1x128xf32> to vector<128x128xf32>
    %swap3A_275 = vector.shape_cast %slice3A_269 : vector<128x128xf32> to vector<128x1x128xf32>
    tpu.vector_store %arg6[%swap3A_270, %swap3A_271, %swap3A_272], %swap3A_275 {strides = array<i32>} : memref<128x48x128xf32, #tpu.memory_space<vmem>>, vector<128x1x128xf32>,
    %slice3A_276 = vector.extract_strided_slice %dot_general3A_11 {offsets = [0, 4864], sizes = [128, 128], strides = [1, 1]} : vector<128x5440xf32> to vector<128x128xf32>
    %swap3A_277 = arith.constant 0 : index
    %swap3A_278 = arith.constant 38 : index
    %swap3A_279 = arith.constant 0 : index
    %swap3A_280 = vector.load %arg6[%swap3A_277, %swap3A_278, %swap3A_279] : memref<128x48x128xf32, #tpu.memory_space<vmem>>, vector<128x1x128xf32>
    %swap3A_281 = vector.shape_cast %swap3A_280 : vector<128x1x128xf32> to vector<128x128xf32>
    %swap3A_282 = vector.shape_cast %slice3A_276 : vector<128x128xf32> to vector<128x1x128xf32>
    tpu.vector_store %arg6[%swap3A_277, %swap3A_278, %swap3A_279], %swap3A_282 {strides = array<i32>} : memref<128x48x128xf32, #tpu.memory_space<vmem>>, vector<128x1x128xf32>,
    %slice3A_283 = vector.extract_strided_slice %dot_general3A_11 {offsets = [0, 4992], sizes = [128, 128], strides = [1, 1]} : vector<128x5440xf32> to vector<128x128xf32>
    %swap3A_284 = arith.constant 0 : index
    %swap3A_285 = arith.constant 39 : index
    %swap3A_286 = arith.constant 0 : index
    %swap3A_287 = vector.load %arg6[%swap3A_284, %swap3A_285, %swap3A_286] : memref<128x48x128xf32, #tpu.memory_space<vmem>>, vector<128x1x128xf32>
    %swap3A_288 = vector.shape_cast %swap3A_287 : vector<128x1x128xf32> to vector<128x128xf32>
    %swap3A_289 = vector.shape_cast %slice3A_283 : vector<128x128xf32> to vector<128x1x128xf32>
    tpu.vector_store %arg6[%swap3A_284, %swap3A_285, %swap3A_286], %swap3A_289 {strides = array<i32>} : memref<128x48x128xf32, #tpu.memory_space<vmem>>, vector<128x1x128xf32>,
    %slice3A_290 = vector.extract_strided_slice %dot_general3A_11 {offsets = [0, 5120], sizes = [128, 128], strides = [1, 1]} : vector<128x5440xf32> to vector<128x128xf32>
    %swap3A_291 = arith.constant 0 : index
    %swap3A_292 = arith.constant 40 : index
    %swap3A_293 = arith.constant 0 : index
    %swap3A_294 = vector.load %arg6[%swap3A_291, %swap3A_292, %swap3A_293] : memref<128x48x128xf32, #tpu.memory_space<vmem>>, vector<128x1x128xf32>
    %swap3A_295 = vector.shape_cast %swap3A_294 : vector<128x1x128xf32> to vector<128x128xf32>
    %swap3A_296 = vector.shape_cast %slice3A_290 : vector<128x128xf32> to vector<128x1x128xf32>
    tpu.vector_store %arg6[%swap3A_291, %swap3A_292, %swap3A_293], %swap3A_296 {strides = array<i32>} : memref<128x48x128xf32, #tpu.memory_space<vmem>>, vector<128x1x128xf32>,
    %slice3A_297 = vector.extract_strided_slice %dot_general3A_11 {offsets = [0, 5248], sizes = [128, 128], strides = [1, 1]} : vector<128x5440xf32> to vector<128x128xf32>
    %swap3A_298 = arith.constant 0 : index
    %swap3A_299 = arith.constant 41 : index
    %swap3A_300 = arith.constant 0 : index
    %swap3A_301 = vector.load %arg6[%swap3A_298, %swap3A_299, %swap3A_300] : memref<128x48x128xf32, #tpu.memory_space<vmem>>, vector<128x1x128xf32>
    %swap3A_302 = vector.shape_cast %swap3A_301 : vector<128x1x128xf32> to vector<128x128xf32>
    %swap3A_303 = vector.shape_cast %slice3A_297 : vector<128x128xf32> to vector<128x1x128xf32>
    tpu.vector_store %arg6[%swap3A_298, %swap3A_299, %swap3A_300], %swap3A_303 {strides = array<i32>} : memref<128x48x128xf32, #tpu.memory_space<vmem>>, vector<128x1x128xf32>,
    %slice3A_304 = vector.extract_strided_slice %dot_general3A_11 {offsets = [0, 5376], sizes = [128, 64], strides = [1, 1]} : vector<128x5440xf32> to vector<128x64xf32>
    %swap3A_305 = arith.constant 0 : index
    %swap3A_306 = arith.constant 42 : index
    %swap3A_307 = arith.constant 0 : index
    %swap3A_308 = vector.load %arg6[%swap3A_305, %swap3A_306, %swap3A_307] : memref<128x48x128xf32, #tpu.memory_space<vmem>>, vector<128x1x64xf32>
    %swap3A_309 = vector.shape_cast %swap3A_308 : vector<128x1x64xf32> to vector<128x64xf32>
    %swap3A_310 = vector.shape_cast %slice3A_304 : vector<128x64xf32> to vector<128x1x64xf32>
    tpu.vector_store %arg6[%swap3A_305, %swap3A_306, %swap3A_307], %swap3A_310 {strides = array<i32>} : memref<128x48x128xf32, #tpu.memory_space<vmem>>, vector<128x1x64xf32>,
    return
  }
  func.func @transform_0(%arg0: i32) -> (i32, i32) {
    %c0_i32 = arith.constant 0 : i32
    %c0_i32_0 = arith.constant 0 : i32
    return %arg0, %c0_i32 : i32, i32
  }
  func.func @transform_1(%arg0: i32) -> (i32, i32) {
    %c0_i32 = arith.constant 0 : i32
    %c0_i32_0 = arith.constant 0 : i32
    %c0_i32_1 = arith.constant 0 : i32
    return %c0_i32, %c0_i32_0 : i32, i32
  }
  func.func @transform_2(%arg0: i32) -> (i32, i32) {
    %c0_i32 = arith.constant 0 : i32
    %c0_i32_0 = arith.constant 0 : i32
    %c0_i32_1 = arith.constant 0 : i32
    return %c0_i32, %c0_i32_0 : i32, i32
  }
  func.func @transform_3(%arg0: i32) -> (i32, i32) {
    %c0_i32 = arith.constant 0 : i32
    %c0_i32_0 = arith.constant 0 : i32
    %c0_i32_1 = arith.constant 0 : i32
    return %c0_i32, %c0_i32_0 : i32, i32
  }
  func.func @transform_4(%arg0: i32) -> (i32, i32) {
    %c0_i32 = arith.constant 0 : i32
    %c0_i32_0 = arith.constant 0 : i32
    %c0_i32_1 = arith.constant 0 : i32
    return %c0_i32, %c0_i32_0 : i32, i32
  }
  func.func @transform_5(%arg0: i32) -> (i32, i32, i32) {
    %c0_i32 = arith.constant 0 : i32
    %c0_i32_0 = arith.constant 0 : i32
    %c0_i32_1 = arith.constant 0 : i32
    return %arg0, %c0_i32, %c0_i32_0 : i32, i32, i32
  }
}

</mosaic_0001>

<sc_bundles>
// kernel: kernel.4.cloned.1.call-start
scs
__scs_entry_jumppad:
0x0: {  	(pc) =	sbr.rel $0x88, $3  }
0x1: {  	(tag) =	ssettag $0x0;
	lr =	simm.s32 $0x1  }
0x2: {  	[smem:$0x3F9E] =	sst lr;
	_ =	strace $0xD0000000  }
0x3: {  	_ = 	snop  }
0x4: {  	_ = 	snop  }
0x5: {  	_ = 	snop  }
0x6: {  	_ = 	snop  }
0x7: {  	_ = 	snop  }
__scs_overlays_trampoline_lowered:
0x8: {  	[smem:$0x3FAD] =	sst s0  }
0x9: {  	[smem:$0x3FAE] =	sst s1  }
0xa: {  	[smem:$0x3FAF] =	sst s2  }
0xb: {  	[smem:$0x3FB0] =	sst s3  }
0xc: {  	[smem:$0x3FB1] =	sst s4  }
0xd: {  	[smem:$0x3FB2] =	sst s5  }
0xe: {  	[smem:$0x3FB3] =	sst s6  }
0xf: {  	[smem:$0x3FB4] =	sst s7  }
0x10: {  	[smem:$0x3FB5] =	sst s8  }
0x11: {  	[smem:$0x3FB6] =	sst s9;
	s0 =	simm.s32 @!p0 $0x0  }
0x12: {  	s1 =	sld [smem:$0x3F9C];
	s0 =	simm.s32 @p0 $0x1  }
0x13: {  	[smem:$0x3FB7] =	sst s0;
	s0 =	simm.s32 @!p1 $0x0  }
0x14: {  	s2 =	sld [smem:$0x3F9B];
	s0 =	simm.s32 @p1 $0x1  }
0x15: {  	[smem:$0x3FB8] =	sst s0;
	s0 =	simm.s32 @!p2 $0x0  }
0x16: {  	s3 =	sld [smem:$0x3FDB];
	s0 =	simm.s32 @p2 $0x1  }
0x17: {  	s4 =	simm.s32 $0x1BF5;
	[smem:$0x3FBA] =	sst s0  }
0x18: {  	s0 =	sld [smem:$0x3F9D];
	_ =	swait.ge [sflag:s4], $0x0  }
0x19: {  	s7 =	sld [smem:$0x3F9E]  }
0x1a: {  	s8 =	sadd.s32 $0xFFFFE003, lr  }
0x1b: {  	s9 =	sadd.s32 $0xFFFFFEF7, lr;
	s5 =	simm.s32 $0xFFFFFFFF;
	p2 =	slt.u32 s8, $0xFFFFF086  }
0x1c: {  	p1 =	slt.u32 s9, $0xF7A;
	s5 =	simm.s32 @!p2 $0x0  }
0x1d: {  	s5 =	simm.s32 @p1 $0x1;
	p0 =	seq.s32 s7, s2  }
0x1e: {  	s7 =	smul.u32 @!p0 $0xF7A, s2;
	p2 =	seq.s32 @!p0 s5, $0x0  }
0x1f: {  	s9 =	smul.u32 $0xF7A, s1;
	s8 =	simm.s32 @!p0 $0x1BF5;
	p2 =	por !p2, p0  }
0x20: {  	[sflag:s8] =	ssyncset.s32 @!p0 $0xFFFFF086;
	s6 =	sadd.s32 @!p0 s3, s7;
	s7 =	simm.s32 @!p0 $0x108  }
0x21: {  	s3 =	sadd.s32 s3, s9;
	s6 =	sadd.s32 @!p0 $0x88, s6;
	s7 =	simm.s32 @p2 $0x1082  }
0x22: {  	[simem:s7], [sflag:s8] =	dma.local @!p0 [hbm:s6], $0xF7A  }
0x23: {  	s9 =	sor.u32 $0xD0000000, s2;
	s6 =	simm.s32 $0x108;
	_ =	swait.ge @!p0 [sflag:s8], $0x0  }
0x24: {  	s3 =	sadd.s32 $0x88, s3;
	s6 =	simm.s32 @!p1 $0x1082;
	[sflag:s4] =	ssyncset.s32 $0xFFFFF086  }
0x25: {  	[simem:s6], [sflag:s4] =	dma.local [hbm:s3], $0xF7A  }
0x26: {  	[smem:$0x3F9E] =	sst s1;
	(tag) =	ssettag s2;
	_ =	strace s9  }
0x27: {  	s1 =	sld [smem:$0x3FAE]  }
0x28: {  	s2 =	sld [smem:$0x3FAF]  }
0x29: {  	s4 =	sld [smem:$0x3FB1]  }
0x2a: {  	p0 =	seq.s32 s5, $0x0;
	s5 =	sld [smem:$0x3FB2]  }
0x2b: {  	s6 =	sld [smem:$0x3FB3]  }
0x2c: {  	s7 =	sld [smem:$0x3FB4]  }
0x2d: {  	s3 =	simm.s32 $0x108;
	s8 =	sld [smem:$0x3FB5]  }
0x2e: {  	s3 =	simm.s32 @!p0 $0x1082;
	s9 =	sld [smem:$0x3FB6]  }
0x2f: {  	lr =	sadd.s32 s0, s3;
	s0 =	sld [smem:$0x3FAD]  }
0x30: {  	s3 =	sld [smem:$0x3FB0]  }
0x31: {  	[smem:$0x3FB9] =	sst s10  }
0x32: {  	s10 =	sld [smem:$0x3FB7];
	_ =	sdelay $0x3  }
0x33: {  	p0 =	seq.s32 s10, $0x1;
	s10 =	sld [smem:$0x3FB9];
	_ =	sdelay $0x3  }
0x34: {  	[smem:$0x3FB9] =	sst s10  }
0x35: {  	s10 =	sld [smem:$0x3FB8];
	_ =	sdelay $0x3  }
0x36: {  	p1 =	seq.s32 s10, $0x1;
	s10 =	sld [smem:$0x3FB9];
	_ =	sdelay $0x3  }
0x37: {  	[smem:$0x3FB9] =	sst s10  }
0x38: {  	s10 =	sld [smem:$0x3FBA]  }
0x39: {  	_ = 	snop;
	(pc) =	sbr.ind lr, $3  }
0x3a: {  	_ = 	snop  }
0x3b: {  	_ = 	snop  }
0x3c: {  	p2 =	seq.s32 s10, $0x1;
	s10 =	sld [smem:$0x3FB9]  }
0x3d: {  	_ =	shalt  }
0x3e: {  	_ =	shalt  }
0x3f: {  	_ =	shalt  }
0x40: {  	_ =	shalt  }
0x41: {  	_ =	shalt  }
0x42: {  	_ =	shalt  }
0x43: {  	_ =	shalt  }
0x44: {  	_ =	shalt  }
0x45: {  	_ =	shalt  }
0x46: {  	_ =	shalt  }
0x47: {  	_ =	shalt  }
0x48: {  	_ =	shalt  }
0x49: {  	_ =	shalt  }
0x4a: {  	_ =	shalt  }
0x4b: {  	_ =	shalt  }
0x4c: {  	_ =	shalt  }
0x4d: {  	_ =	shalt  }
0x4e: {  	_ =	shalt  }
0x4f: {  	_ =	shalt  }
0x50: {  	_ =	shalt  }
0x51: {  	_ =	shalt  }
0x52: {  	_ =	shalt  }
0x53: {  	_ =	shalt  }
0x54: {  	_ =	shalt  }
0x55: {  	_ =	shalt  }
0x56: {  	_ =	shalt  }
0x57: {  	_ =	shalt  }
0x58: {  	_ =	shalt  }
0x59: {  	_ =	shalt  }
0x5a: {  	_ =	shalt  }
0x5b: {  	_ =	shalt  }
0x5c: {  	_ =	shalt  }
0x5d: {  	_ =	shalt  }
0x5e: {  	_ =	shalt  }
0x5f: {  	_ =	shalt  }
0x60: {  	_ =	shalt  }
0x61: {  	_ =	shalt  }
0x62: {  	_ =	shalt  }
0x63: {  	_ =	shalt  }
0x64: {  	_ =	shalt  }
0x65: {  	_ =	shalt  }
0x66: {  	_ =	shalt  }
0x67: {  	_ =	shalt  }
0x68: {  	_ =	shalt  }
0x69: {  	_ =	shalt  }
0x6a: {  	_ =	shalt  }
0x6b: {  	_ =	shalt  }
0x6c: {  	_ =	shalt  }
0x6d: {  	_ =	shalt  }
0x6e: {  	_ =	shalt  }
0x6f: {  	_ =	shalt  }
0x70: {  	_ =	shalt  }
0x71: {  	_ =	shalt  }
0x72: {  	_ =	shalt  }
0x73: {  	_ =	shalt  }
0x74: {  	_ =	shalt  }
0x75: {  	_ =	shalt  }
0x76: {  	_ =	shalt  }
0x77: {  	_ =	shalt  }
0x78: {  	_ =	shalt  }
0x79: {  	_ =	shalt  }
0x7a: {  	_ =	shalt  }
0x7b: {  	_ =	shalt  }
0x7c: {  	_ =	shalt  }
0x7d: {  	_ =	shalt  }
0x7e: {  	_ =	shalt  }
0x7f: {  	_ =	shalt  }
0x80: {  	_ =	shalt  }
0x81: {  	_ =	shalt  }
0x82: {  	_ =	shalt  }
0x83: {  	_ =	shalt  }
0x84: {  	_ =	shalt  }
0x85: {  	_ =	shalt  }
0x86: {  	_ =	shalt  }
0x87: {  	_ =	shalt  }
.Lfunc_end0:
.L_simem_size_0:
called_computation_lowered:
.L_overlay_start_0:
0x88: {  	s2 =	sld [smem:$0x3FD9]  }
0x89: {  	s3 =	sld [smem:$0x3FFE];
	_ =	sdelay $0x1  }
0x8a: {  	s1 =	srdreg.scid  }
0x8b: {  	s0 =	sand.u32 $0x1, s1  }
0x8c: {  	s17 =	sshll.u32 s0, $0xA;
	s2 =	sadd.s32 s3, s2  }
0x8d: {  	s2 =	sadd.s32 s2, s17  }
0x8e: {  	[smem:$0x3FC5] =	sst s2  }
0x8f: {  	_ = 	snop  }
0x90: {  	s2 =	sld [smem:$0x3FD0];
	(tm) =	ssettm $0x1  }
0x91: {  	s18 =	sld [smem:$0x3FFB];
	_ =	sdelay $0x3  }
0x92: {  	_ =	strace s18  }
0x93: {  	s3 =	sld [smem:$0x3FFC];
	_ =	sdelay $0x3  }
0x94: {  	_ =	strace s3  }
0x95: {  	s3 =	sld [smem:$0x3FFD];
	_ =	sdelay $0x3  }
0x96: {  	_ =	strace s3  }
0x97: {  	_ =	strace $0x8FFFFFFF  }
0x98: {  	s19 =	sld [smem:$0x3FDB];
	_ =	sdelay $0x1  }
0x99: {  	s4 =	simm.s32 $_scs_section_size  }
0x9a: {  	s5 =	simm.s32 $_size__tile_overlayer_lowered;
	s6 =	simm.s32 $_tile_overlayer_lowered  }
0x9b: {  	s22 =	simm.s32 $0x1BFF;
	s21 =	sshll.u32 s6, $0x1;
	s3 =	sadd.s32 s4, s19  }
0x9c: {  	s7 =	simm.s32 $0x0;
	s20 =	sshll.u32 s5, $0x1;
	s5 =	sadd.s32 s21, s3  }
0x9d: {  	[timem:s7], [sflag:s22] =	dma.local [hbm:s5], s20  }
0x9e: {  	_ =	swait.ge [sflag:s22], s20  }
0x9f: {  	s4 =	ssub.s32 $0x0, s20;
	[sflag:s22] =	ssyncset.done $0x0  }
0xa0: {  	[sflag:s22] =	ssyncadd.s32 s4;
	_ =	sdelay $0x1  }
0xa1: {  	s23 =	simm.s32 $0x1B8B  }
0xa2: {  	_ =	swait.ge [sflag:s23], $0x1  }
0xa3: {  	[sflag:s23] =	ssyncset.done $0x0  }
0xa4: {  	s25 =	simm.s32 $0x1B8E;
	s24 =	sld [smem:$0x3FFE];
	[sflag:s23] =	ssyncadd.s32 $0xFFFFFFFF  }
0xa5: {  	s26 =	simm.s32 $execute0_lowered;
	[smem:$0x3FD2] =	sst s25  }
0xa6: {  	s5 =	sshll.u32 s26, $0x1;
	_ =	strace $0x80000046;
	[dreg:$0x1] =	wrdreg $0xFFFFFFFF  }
0xa7: {  	s28 =	simm.s32 $_size_execute0_lowered;
	s3 =	sadd.s32 s3, s5;
	[dreg:$0x0] =	wrdreg $0x0  }
0xa8: {  	s5 =	sshll.u32 s28, $0x1;
	[dreg:$0x2] =	wrdreg s3  }
0xa9: {  	[dreg:$0x3] =	wrdreg s5  }
0xaa: {  	[dreg:$0x4] =	wrdreg $0xC0  }
0xab: {  	_ =	task [dreg:s7], $0x5FFFF  }
0xac: {  	[dreg:$0x1] =	wrdreg $0xFFFFFFFF  }
0xad: {  	[dreg:$0x0] =	wrdreg $0x60  }
0xae: {  	[dreg:$0x2] =	wrdreg s24  }
0xaf: {  	[dreg:$0x3] =	wrdreg s2  }
0xb0: {  	[dreg:$0x4] =	wrdreg $0x9  }
0xb1: {  	_ =	task.clear_ibuf [dreg:s7], $0x5FFFF;
	_ =	strace $0x90000046  }
0xb2: {  	s29 =	simm.s32 $0x9;
	_ =	strace $0x80000048  }
0xb3: {  	_ =	swait.ge [sflag:s29], $0x1  }
0xb4: {  	[sflag:s29] =	ssyncadd.s32 $0xFFFFFFFF  }
0xb5: {  	_ =	strace $0x90000048  }
0xb6: {  	_ =	sfence  }
0xb7: {  	s30 =	sld [smem:$0x0];
	_ =	sdelay $0x2  }
0xb8: {  	s31 =	sshll.u32 s1, $0xD;
	s1 =	sshrl.u32 s1, $0x2  }
0xb9: {  	s3 =	sand.u32 $0x4000, s31;
	s1 =	sadd.s32 s1, s30  }
0xba: {  	s0 =	sor.u32 s3, s0;
	s1 =	sshll.u32 s1, $0x11  }
0xbb: {  	s0 =	sor.u32 s1, s0  }
0xbc: {  	s0 =	sadd.s32 $0x8F2B, s0  }
0xbd: {  	[sflag:s0] =	ssyncadd.remote.s32 $0x1  }
0xbe: {  	_ =	sfence.sel $0xFFFF  }
0xbf: {  	[dreg:$0x0] =	wrdreg $0xFFFFFFFF;
	(pc) =	sbr.abs _section_cstart, $3  }
0xc0: {  	[dreg:$0x1] =	wrdreg $0xFFFFFFFF  }
0xc1: {  	_ =	task.clear_ibuf [dreg:s7], $0x2FFFF;
	_ =	strace $0x9FFFFFFF  }
0xc2: {  	(tm) =	ssettm $0x7FFFFFFF  }
0xc3: {  	_ =	shalt  }
tec
execute0_lowered:
.L_overlay_start_1:
0x0: {  	(tag) =	ssettag $0x1  }
0x1: {  	s0 =	rddreg [dreg:$0x0]  }
0x2: {  	s1 =	rddreg [dreg:$0x1];
	s11 =	simm.s32 $0x0  }
0x3: {  	s3 =	srdreg.scid;
	s2 =	stileid.u32;
	s14 =	simm.s32 $0x180  }
0x4: {  	s15 =	simm.s32 $0x680;
	s4 =	sand.u32 $0x1, s3;
	s21 =	sshll.u32 s2, $0x1  }
0x5: {  	[smem:$0x7FF] =	sst s11;
	s26 =	smul.u32 $0x2A00, s2;
	s5 =	sor.u32 s4, s21  }
0x6: {  	s22 =	sadd.s32 $0x80E00, s0;
	_ =	strace $0x80000047;
	s7 =	smul.u32 $0x3000, s5  }
0x7: {  	s6 =	ssub.s32 $0x2, s4;
	[dreg:$0x3] =	wrdreg s22;
	s9 =	smul.u32 $0x18000, s5  }
0x8: {  	s23 =	sshll.u32 s5, $0x5;
	s24 =	smul.u32 $0x1500, s5;
	s5 =	sshll.u32 s5, $0x7  }
0x9: {  	s4 =	smul.u32 $0x1500, s4;
	s8 =	sshrl.u32 s6, $0x1;
	[dreg:$0x5] =	wrdreg s5  }
0xa: {  	[dreg:$0x4] =	wrdreg s7;
	s7 =	sadd.s32 s23, s0;
	s0 =	sadd.s32 $0x81000, s0  }
0xb: {  	v0 =	vlaneseq.u32;
	s6 =	ssub.s32 s6, s8;
	s29 =	sadd.s32 s1, s24;
	[dreg:$0x7] =	wrdreg s0  }
.Ltmp0:
0xc: {  	v1 =	vmul.u32 $0x9, v0;
	s31 =	smax.u32 s6, $0x1;
	[dreg:$0x9] =	wrdreg s29;
	(pc) =	sbr.rel .LBB2_1-.Ltmp0, $4  }
0xd: {  	v3 =	vimm.f32 $0.0e+00;
	s28 =	sadd.s32 s9, s22;
	s25 =	sadd.s32 $0x80A00, s7;
	[dreg:$0xa] =	wrdreg s31  }
0xe: {  	v2 =	vadd.s32 $0x1, v0;
	s30 =	sadd.s32 s26, s1;
	v4 =	vadd.s32 $0x1, v1;
	v5 =	vadd.s32 $0x2, v1;
	s0 =	sadd.s32 $0x280, s28;
	[dreg:$0x6] =	wrdreg s25  }
0xf: {  	s16 =	simm.s32 $0x980;
	v6 =	vadd.s32 $0x3, v1;
	v7 =	vadd.s32 $0x4, v1;
	v8 =	vadd.s32 $0x5, v1;
	[dreg:$0x8] =	wrdreg s0;
	s0 =	sadd.s32 s4, s30  }
0x10: {  	s17 =	simm.s32 $0xC00;
	s2 =	simm.s32 $0x0;
	v9 =	vadd.s32 $0x6, v1;
	v10 =	vadd.s32 $0x7, v1;
	v11 =	vadd.s32 $0x8, v1;
	[dreg:$0xb] =	wrdreg s0  }
.LBB2_6:
0x11: {  	s0 =	simm.s32 $0x7  }
0x12: {  	_ =	swait.ge [sflag:s0], $0x150  }
0x13: {  	[sflag:s0] =	ssyncset.done $0x0  }
0x14: {  	s29 =	simm.s32 $0x1;
	[sflag:s0] =	ssyncadd.s32 $0xFFFFFEB0  }
0x15: {  	_ =	swait.ge [sflag:s29], $0x280  }
0x16: {  	[sflag:s29] =	ssyncset.done $0x0  }
0x17: {  	s30 =	simm.s32 $0x2;
	[sflag:s29] =	ssyncadd.s32 $0xFFFFFD80  }
0x18: {  	_ =	swait.ge [sflag:s30], $0x180  }
0x19: {  	[sflag:s30] =	ssyncset.done $0x0  }
0x1a: {  	s1 =	simm.s32 $0x3;
	[sflag:s30] =	ssyncadd.s32 $0xFFFFFE80  }
0x1b: {  	_ =	swait.ge [sflag:s1], $0x140  }
0x1c: {  	s2 =	rddreg [dreg:$0xc]  }
0x1d: {  	s31 =	rddreg [dreg:$0xa];
	s2 =	sadd.s32 $0x1, s2  }
0x1e: {  	p0 =	sne.s32 s2, s31  }
.Ltmp1:
0x1f: {  	_ = 	snop;
	(pc) =	sbr.rel @!p0 .LBB2_7-.Ltmp1, $3  }
0x20: {  	_ =	sdelay $0x1  }
0x21: {  	[sflag:s1] =	ssyncset.done $0x0  }
0x22: {  	[sflag:s1] =	ssyncadd.s32 $0xFFFFFEC0  }
.LBB2_1:
0x23: {  	[dreg:$0xc] =	wrdreg s2  }
0x24: {  	s0 =	rddreg [dreg:$0x6];
	s20 =	simm.s32 $0x8  }
0x25: {  	[tilespmem:s11], [sflag:$0x8] =	stream.linear.gather [hbm4b:s0+s11], $0x100, $0x38;
	[tilespmem:$0xF00] =	vst v63  }
0x26: {  	_ =	swait.ge [sflag:s20], $0x100  }
0x27: {  	[sflag:s20] =	ssyncset.done $0x0  }
0x28: {  	[sflag:s20] =	ssyncadd.s32 $0xFFFFFF00  }
0x29: {  	v12 =	vld [tilespmem:$0x0];
	_ =	sdelay $0x4  }
0x2a: {  	(v2sf) =	vpush v12, $0x1;
	_ =	sdelay $0xe  }
0x2b: {  	s21 =	spop (v2sf)  }
0x2c: {  	s1 =	scvt.f32.s32 s21;
	_ =	sdelay $0x1  }
0x2d: {  	s4 =	scvt.s32.f32 s1;
	_ =	sdelay $0x1  }
0x2e: {  	s0 =	smul.f32 $5.000000000e-01, s21;
	p0 =	slt.f32 s21, s4  }
0x2f: {  	s4 =	simm.s32 $0x1  }
0x30: {  	s22 =	scvt.f32.s32 s0;
	s4 =	simm.s32 @!p0 $0x0  }
0x31: {  	s1 =	ssub.s32 s1, s4  }
0x32: {  	s5 =	scvt.s32.f32 s22;
	s1 =	sadd.s32 $0xFFFFFFFC, s1  }
0x33: {  	p0 =	sgt.s32 s1, $0x0  }
0x34: {  	s1 =	simm.s32 @!p0 $0x0;
	p0 =	slt.f32 s0, s5  }
0x35: {  	s3 =	rddreg [dreg:$0x4];
	s0 =	simm.s32 $0x1;
	s1 =	smin.u32 s1, $0x36  }
0x36: {  	s1 =	sor.u32 s3, s1;
	s0 =	simm.s32 @!p0 $0x0  }
0x37: {  	s23 =	rddreg [dreg:$0x3];
	s1 =	sshll.u32 s1, $0x3;
	s0 =	ssub.s32 s22, s0  }
0x38: {  	s1 =	sand.u32 $0x3F81F8, s1;
	s24 =	sadd.s32 $0xFFFFFFFC, s0;
	s0 =	sand.u32 $0x1, s0  }
0x39: {  	s1 =	sadd.s32 s23, s1;
	p6 =	slt.s32 s24, $0x1;
	p1 =	seq.s32 s0, $0x1  }
0x3a: {  	[tilespmem:s14], [sflag:$0x1] =	stream.linear.gather [hbm4b:s1+s11], $0x280, $0x38;
	[tilespmem:$0xF00] =	vst v63  }
0x3b: {  	s25 =	sshrl.u32 s24, $0x1F;
	p0 =	por !p6, !p1  }
0x3c: {  	s0 =	sadd.s32 s25, s24;
	s1 =	simm.s32 $0x1;
	p0 =	por !p0, !p0  }
0x3d: {  	s0 =	sshra.s32 s0, $0x1;
	s1 =	simm.s32 @!p0 $0x0  }
0x3e: {  	s0 =	ssub.s32 s0, s1  }
0x3f: {  	p0 =	sgt.s32 s0, $0x0  }
0x40: {  	s0 =	simm.s32 @!p0 $0x0  }
0x41: {  	s0 =	smin.u32 s0, $0xA  }
0x42: {  	s0 =	sor.u32 s3, s0  }
0x43: {  	s0 =	sshll.u32 s0, $0x3  }
0x44: {  	s26 =	rddreg [dreg:$0x7];
	s0 =	sand.u32 $0x3F8078, s0  }
0x45: {  	s0 =	sadd.s32 s0, s26  }
0x46: {  	[tilespmem:s15], [sflag:$0x2] =	stream.linear.gather [hbm4b:s0+s11], $0x180, $0x38;
	[tilespmem:$0xF00] =	vst v63  }
.Ltmp2:
0x47: {  	s28 =	rddreg [dreg:$0x8];
	(pc) =	sbr.rel .LBB2_2-.Ltmp2, $4  }
0x48: {  	s31 =	rddreg [dreg:$0x9]  }
0x49: {  	[tilespmem:s16], [sflag:$0x3] =	stream.linear.gather [hbm4b:s28+s11], $0x140, $0x38;
	[tilespmem:$0xF00] =	vst v63  }
0x4a: {  	s30 =	simm.s32 $0x0;
	s29 =	rddreg [dreg:$0xb];
	s0 =	simm.s32 $0x0  }
0x4b: {  	[hbm4b:s31+s11] =	stream.linear.scatter [tilespmem:s17], [sflag:$0x7], $0x150, $0x38;
	[tilespmem:$0xF00] =	vst v63  }
.LBB2_4:
0x4c: {  	s1 =	sshrl.u32 s1, $0x2  }
0x4d: {  	v12 =	vld [tilespmem:s1+$0x0];
	_ =	sdelay $0x4  }
0x4e: {  	(v2sf) =	vpush v12, $0x1;
	_ =	sdelay $0xe  }
0x4f: {  	s21 =	spop (v2sf)  }
0x50: {  	s4 =	scvt.f32.s32 s21;
	_ =	sdelay $0x1  }
0x51: {  	s5 =	scvt.s32.f32 s4;
	_ =	sdelay $0x1  }
0x52: {  	s1 =	smul.f32 $5.000000000e-01, s21;
	p0 =	slt.f32 s21, s5  }
0x53: {  	s5 =	simm.s32 $0x1  }
0x54: {  	s6 =	scvt.f32.s32 s1;
	s5 =	simm.s32 @!p0 $0x0  }
0x55: {  	s4 =	ssub.s32 s4, s5  }
0x56: {  	s2 =	rddreg [dreg:$0x5];
	s8 =	scvt.s32.f32 s6;
	s4 =	sadd.s32 $0xFFFFFFFC, s4  }
0x57: {  	s0 =	sadd.s32 s2, s0;
	p0 =	sgt.s32 s4, $0x0  }
0x58: {  	s22 =	smul.u32 $0x60, s0;
	s4 =	simm.s32 @!p0 $0x0;
	p0 =	slt.f32 s1, s8  }
0x59: {  	s1 =	simm.s32 $0x1;
	s4 =	smin.u32 s4, $0x36  }
0x5a: {  	s4 =	sadd.s32 s22, s4;
	s1 =	simm.s32 @!p0 $0x0  }
0x5b: {  	s23 =	rddreg [dreg:$0x3];
	s4 =	sshll.u32 s4, $0x3;
	s1 =	ssub.s32 s6, s1  }
0x5c: {  	s4 =	sand.u32 $0x1FFFFFF8, s4;
	s24 =	sadd.s32 $0xFFFFFFFC, s1;
	s1 =	sand.u32 $0x1, s1  }
0x5d: {  	s4 =	sadd.s32 s23, s4;
	p6 =	slt.s32 s24, $0x1;
	p1 =	seq.s32 s1, $0x1  }
0x5e: {  	[tilespmem:s14], [sflag:$0x1] =	stream.linear.gather [hbm4b:s4+s11], $0x280, $0x38;
	[tilespmem:$0xF00] =	vst v63  }
0x5f: {  	s25 =	sshrl.u32 s24, $0x1F;
	p0 =	por !p6, !p1  }
0x60: {  	s1 =	sadd.s32 s25, s24;
	s4 =	simm.s32 $0x1;
	p0 =	por !p0, !p0  }
0x61: {  	s1 =	sshra.s32 s1, $0x1;
	s4 =	simm.s32 @!p0 $0x0  }
0x62: {  	s1 =	ssub.s32 s1, s4  }
0x63: {  	p0 =	sgt.s32 s1, $0x0  }
0x64: {  	s1 =	simm.s32 @!p0 $0x0  }
0x65: {  	s1 =	smin.u32 s1, $0xA  }
0x66: {  	s1 =	sor.u32 s1, s22  }
0x67: {  	s0 =	smul.u32 $0x1800, s0;
	s1 =	sshll.u32 s1, $0x3  }
0x68: {  	s1 =	sadd.s32 $0x200, s1  }
0x69: {  	s0 =	sshrl.u32 s0, $0x3;
	s1 =	sand.u32 $0x1FFFFF78, s1  }
0x6a: {  	s0 =	sadd.s32 s23, s0;
	s1 =	sadd.s32 s23, s1  }
0x6b: {  	[tilespmem:s15], [sflag:$0x2] =	stream.linear.gather [hbm4b:s1+s11], $0x180, $0x38;
	[tilespmem:$0xF00] =	vst v63  }
0x6c: {  	s26 =	simm.s32 $0x4;
	s0 =	sadd.s32 $0x280, s0  }
0x6d: {  	[tilespmem:s16], [sflag:$0x3] =	stream.linear.gather [hbm4b:s0+s11], $0x140, $0x38;
	[tilespmem:$0xF00] =	vst v63  }
0x6e: {  	_ =	swait.ge [sflag:s26], $0x280  }
0x6f: {  	[sflag:s26] =	ssyncset.done $0x0  }
0x70: {  	s28 =	simm.s32 $0x5;
	[sflag:s26] =	ssyncadd.s32 $0xFFFFFD80  }
0x71: {  	_ =	swait.ge [sflag:s28], $0x180  }
0x72: {  	[sflag:s28] =	ssyncset.done $0x0  }
0x73: {  	s31 =	simm.s32 $0x6;
	[sflag:s28] =	ssyncadd.s32 $0xFFFFFE80  }
0x74: {  	_ =	swait.ge [sflag:s31], $0x140  }
0x75: {  	[sflag:s31] =	ssyncset.done $0x0  }
0x76: {  	[sflag:s31] =	ssyncadd.s32 $0xFFFFFEC0  }
.LBB2_5:
0x77: {  	v12 =	vld [tilespmem:s30+$0x0];
	_ =	sdelay $0x4  }
0x78: {  	(v2sf) =	vpush v12, $0x0  }
0x79: {  	(v2sf) =	vpush v12, $0x1;
	_ =	sdelay $0xd  }
0x7a: {  	s6 =	spop (v2sf)  }
0x7b: {  	s1 =	spop (v2sf)  }
0x7c: {  	s10 =	smul.f32 $5.000000000e-01, s1;
	s0 =	scvt.f32.s32 s1  }
0x7d: {  	_ = 	snop  }
0x7e: {  	s4 =	scvt.f32.s32 s10;
	s5 =	scvt.s32.f32 s0  }
0x7f: {  	s11 =	scvt.f32.s32 s6  }
0x80: {  	s8 =	scvt.s32.f32 s4;
	p0 =	slt.f32 s1, s5  }
0x81: {  	s23 =	scvt.s32.f32 s11;
	s5 =	simm.s32 $0x1  }
0x82: {  	p1 =	slt.f32 s10, s8;
	s5 =	simm.s32 @!p0 $0x0  }
0x83: {  	s9 =	simm.s32 $0x1;
	p0 =	slt.f32 s6, s23;
	s12 =	ssub.s32 s0, s5  }
0x84: {  	s0 =	simm.s32 $0x1;
	s9 =	simm.s32 @!p1 $0x0;
	s28 =	sadd.s32 $0xFFFFFFFC, s12  }
0x85: {  	s0 =	simm.s32 @!p0 $0x0;
	s22 =	sadd.s32 $0xFFFFFFFD, s12;
	s8 =	ssub.s32 s4, s9  }
0x86: {  	p0 =	sgt.s32 s28, $0x0;
	s5 =	smov.u32 s28;
	s13 =	ssub.s32 s11, s0  }
0x87: {  	p2 =	sgt.s32 s22, $0x0;
	s19 =	smov.u32 s22;
	p1 =	slt.u32 s22, $0x40  }
0x88: {  	s22 =	smul.f32 $5.000000000e-01, s6;
	s9 =	sadd.s32 $0xFFFFFFFC, s8;
	s5 =	simm.s32 @!p0 $0x0  }
0x89: {  	s11 =	scvt.s32.f32 s13;
	s18 =	sand.u32 $0x1, s8;
	s13 =	sadd.s32 $0xFFFFFFFC, s13  }
0x8a: {  	s19 =	simm.s32 @!p2 $0x0;
	s24 =	sshrl.u32 s9, $0x1F;
	s4 =	smin.u32 s5, $0x36  }
0x8b: {  	p5 =	slt.s32 s9, $0x1;
	p6 =	seq.s32 s18, $0x1;
	s26 =	smin.u32 s5, $0x3F  }
0x8c: {  	s31 =	smin.u32 s19, $0x3F;
	s25 =	sadd.s32 s24, s9;
	s20 =	ssub.f32 s6, s11  }
0x8d: {  	s11 =	smul.u32 $0x280, s7;
	s18 =	ssub.s32 s26, s4;
	s24 =	sadd.s32 $0xFFFFFFFE, s12  }
0x8e: {  	v42 =	vadd.s32 s13, v0;
	v13 =	vadd.s32 s13, v2;
	s13 =	ssub.s32 s31, s4;
	p0 =	por !p5, !p6;
	s0 =	sshra.s32 s25, $0x1  }
0x8f: {  	s18 =	sshll.u32 s18, $0x6;
	p2 =	sgt.s32 s24, $0x0;
	s23 =	smov.u32 s24  }
0x90: {  	vm0 =	vgt.s32 v42, $0x0;
	vm14 =	vgt.s32 v13, $0x0;
	s25 =	sadd.s32 $0xFFFFFFFF, s12;
	s13 =	sshll.u32 s13, $0x6;
	p0 =	por !p0, !p0  }
0x91: {  	v14 =	vnsel vm0, $0x0, v42;
	v15 =	vnsel vm14, $0x0, v13;
	s5 =	ssub.f32 $1.000000000e+00, s20;
	s23 =	simm.s32 @!p2 $0x0;
	p2 =	sgt.s32 s25, $0x0  }
0x92: {  	v14 =	vmin.u32 v14, $0x3F;
	v15 =	vmin.u32 v15, $0x3F;
	s13 =	sadd.s32 s11, s13;
	s2 =	smin.u32 s23, $0x3F;
	s23 =	smov.u32 s25  }
0x93: {  	s18 =	sadd.s32 s11, s18;
	v18 =	vor.u32 s13, v14;
	v19 =	vor.u32 s13, v15;
	s13 =	sadd.s32 $0x2, s12;
	s23 =	simm.s32 @!p2 $0x0  }
0x94: {  	s19 =	ssub.s32 s2, s4;
	p2 =	sgt.s32 s12, $0x0;
	s23 =	smin.u32 s23, $0x3F  }
0x95: {  	s19 =	sshll.u32 s19, $0x6;
	s26 =	ssub.s32 s23, s4;
	s23 =	smov.u32 s12  }
0x96: {  	s3 =	sadd.s32 s11, s19;
	s19 =	sshll.u32 s26, $0x6;
	s23 =	simm.s32 @!p2 $0x0  }
0x97: {  	s26 =	sadd.s32 $0x1, s12;
	s19 =	sadd.s32 s11, s19;
	s31 =	smin.u32 s23, $0x3F  }
0x98: {  	p2 =	sgt.s32 s26, $0x0;
	s23 =	smov.u32 s26;
	s21 =	ssub.s32 s31, s4  }
0x99: {  	s23 =	simm.s32 @!p2 $0x0;
	p2 =	sgt.s32 s13, $0x0;
	s31 =	sadd.s32 $0x4, s12  }
0x9a: {  	v20 =	vor.u32 s3, v14;
	v21 =	vor.u32 s3, v15;
	s2 =	sshll.u32 s21, $0x6;
	s3 =	smin.u32 s23, $0x3F;
	s23 =	smov.u32 s13  }
0x9b: {  	v16 =	vor.u32 s18, v14;
	v17 =	vor.u32 s18, v15;
	s18 =	sadd.s32 s11, s2;
	s21 =	ssub.s32 s3, s4;
	s23 =	simm.s32 @!p2 $0x0  }
0x9c: {  	v22 =	vor.u32 s19, v14;
	s2 =	sadd.s32 $0x3, s12;
	s21 =	sshll.u32 s21, $0x6;
	s23 =	smin.u32 s23, $0x3F  }
0x9d: {  	v23 =	vor.u32 s19, v15;
	v24 =	vor.u32 s18, v14;
	p2 =	sgt.s32 s2, $0x0;
	s19 =	smov.u32 s2;
	v25 =	vor.u32 s18, v15;
	s18 =	smov.u32 s31  }
0x9e: {  	s21 =	sadd.s32 s11, s21;
	s23 =	ssub.s32 s23, s4;
	s19 =	simm.s32 @!p2 $0x0  }
0x9f: {  	p2 =	sgt.s32 s31, $0x0;
	s23 =	sshll.u32 s23, $0x6;
	s19 =	smin.u32 s19, $0x3F  }
0xa0: {  	s18 =	simm.s32 @!p2 $0x0;
	s3 =	sadd.s32 s11, s23;
	s19 =	ssub.s32 s19, s4  }
0xa1: {  	v16 =	vld.idx.msk [tilespmem:v16+s14+$0x0], $0xffff;
	s23 =	sadd.s32 $0x5, s12;
	s18 =	smin.u32 s18, $0x3F;
	s19 =	sshll.u32 s19, $0x6  }
0xa2: {  	vm1 =	vlt.u32 v13, $0x40;
	v18 =	vld.idx.msk [tilespmem:v18+s14+$0x0], $0xffff;
	v26 =	vor.u32 s21, v14;
	v27 =	vor.u32 s21, v15;
	p2 =	sgt.s32 s23, $0x0;
	s21 =	smov.u32 s23;
	s18 =	ssub.s32 s18, s4  }
0xa3: {  	v45 =	vsel vm1, $0x3F800000, v3;
	v19 =	vld.idx.msk [tilespmem:v19+s14+$0x0], $0xffff;
	v28 =	vor.u32 s3, v14;
	v29 =	vor.u32 s3, v15;
	s3 =	sadd.s32 s11, s19;
	s21 =	simm.s32 @!p2 $0x0;
	s18 =	sshll.u32 s18, $0x6  }
0xa4: {  	vm15 =	vlt.u32 v42, $0x40;
	v43 =	vld.idx.msk [tilespmem:v24+s14+$0x0], $0xffff;
	v24 =	vmul.f32 s20, v45;
	s19 =	smin.u32 s21, $0x3F;
	s20 =	sadd.s32 s11, s18;
	s18 =	simm.s32 $0x1  }
0xa5: {  	v44 =	vsel vm15, $0x3F800000, v3;
	v17 =	vld.idx.msk [tilespmem:v17+s14+$0x0], $0xffff;
	s21 =	scvt.s32.f32 s12;
	s4 =	ssub.s32 s19, s4;
	s18 =	simm.s32 @!p0 $0x0  }
0xa6: {  	v13 =	vmul.f32 s5, v44;
	s19 =	sshll.u32 s4, $0x6;
	s5 =	ssub.s32 s0, s18;
	s0 =	smul.u32 $0x150, s7  }
0xa7: {  	v20 =	vld.idx.msk [tilespmem:v20+s14+$0x0], $0xffff;
	s4 =	ssub.f32 s1, s21;
	s21 =	sadd.s32 s11, s19;
	s11 =	smul.u32 $0x180, s7  }
0xa8: {  	v18 =	vmul.f32 v13, v18;
	v25 =	vld.idx.msk [tilespmem:v25+s14+$0x0], $0xffff;
	p2 =	slt.u32 s2, $0x40;
	v19 =	vmul.f32 v24, v19;
	p0 =	sgt.s32 s5, $0x0;
	s7 =	smul.u32 $0x140, s7  }
0xa9: {  	v21 =	vld.idx.msk [tilespmem:v21+s14+$0x0], $0xffff;
	v16 =	vmul.f32 v13, v16;
	v32 =	vor.u32 s20, v14;
	v33 =	vor.u32 s20, v15;
	s20 =	ssub.f32 $1.000000000e+00, s4;
	s5 =	simm.s32 @!p0 $0x0;
	s18 =	smov.u32 s4  }
0xaa: {  	v22 =	vld.idx.msk [tilespmem:v22+s14+$0x0], $0xffff;
	v30 =	vor.u32 s3, v14;
	v17 =	vmul.f32 v24, v17;
	v18 =	vadd.f32 v19, v18;
	p0 =	slt.u32 s28, $0x40;
	s18 =	simm.s32 @!p1 $0x0;
	s5 =	smin.u32 s5, $0xA  }
0xab: {  	v23 =	vld.idx.msk [tilespmem:v23+s14+$0x0], $0xffff;
	v31 =	vor.u32 s3, v15;
	v14 =	vor.u32 s21, v14;
	v15 =	vor.u32 s21, v15;
	s3 =	smov.u32 s20;
	s19 =	smov.u32 s20;
	s21 =	smov.u32 s20  }
0xac: {  	v20 =	vmul.f32 v13, v20;
	v16 =	vadd.f32 v17, v16;
	v52 =	vmul.f32 s18, v18;
	s18 =	smov.u32 s20;
	s2 =	smov.u32 s20;
	s3 =	simm.s32 @!p0 $0x0  }
0xad: {  	v12 =	vmul.f32 v13, v43;
	v46 =	vmul.f32 v24, v25;
	s19 =	simm.s32 @!p1 $0x0;
	p0 =	slt.u32 s24, $0x40;
	s24 =	smov.u32 s4  }
0xae: {  	v26 =	vld.idx.msk [tilespmem:v26+s14+$0x0], $0xffff;
	v21 =	vmul.f32 v24, v21;
	p1 =	slt.u32 s12, $0x40;
	s12 =	smov.u32 s4;
	v16 =	vmul.f32 s3, v16;
	s3 =	smov.u32 s4  }
0xaf: {  	v27 =	vld.idx.msk [tilespmem:v27+s14+$0x0], $0xffff;
	v12 =	vadd.f32 v46, v12;
	s21 =	simm.s32 @!p0 $0x0;
	v18 =	vmul.f32 s19, v18;
	s19 =	scvt.f32.s32 s22;
	s12 =	simm.s32 @!p1 $0x0  }
0xb0: {  	v22 =	vmul.f32 v13, v22;
	v23 =	vmul.f32 v24, v23;
	v28 =	vld.idx.msk [tilespmem:v28+s14+$0x0], $0xffff;
	v20 =	vadd.f32 v21, v20;
	s3 =	simm.s32 @!p0 $0x0;
	p0 =	slt.u32 s25, $0x40;
	s25 =	smov.u32 s4  }
0xb1: {  	v29 =	vld.idx.msk [tilespmem:v29+s14+$0x0], $0xffff;
	v61 =	vmul.f32 s12, v12;
	s12 =	simm.s32 $0x1;
	s24 =	simm.s32 @!p0 $0x0;
	s18 =	simm.s32 @!p0 $0x0  }
0xb2: {  	v22 =	vadd.f32 v23, v22;
	v30 =	vld.idx.msk [tilespmem:v30+s14+$0x0], $0xffff;
	v54 =	vmul.f32 s3, v20;
	s3 =	smov.u32 s20;
	v20 =	vmul.f32 s21, v20;
	p0 =	slt.u32 s26, $0x40;
	s21 =	smov.u32 s4  }
0xb3: {  	v31 =	vld.idx.msk [tilespmem:v31+s14+$0x0], $0xffff;
	v26 =	vmul.f32 v13, v26;
	s28 =	scvt.s32.f32 s19;
	s25 =	simm.s32 @!p2 $0x0;
	s26 =	sshll.u32 s5, $0x1  }
0xb4: {  	v27 =	vmul.f32 v24, v27;
	v55 =	vmul.f32 s24, v22;
	s3 =	simm.s32 @!p1 $0x0;
	s24 =	smov.u32 s20;
	s21 =	simm.s32 @!p0 $0x0  }
0xb5: {  	p1 =	slt.u32 s13, $0x40;
	s13 =	smov.u32 s4;
	v60 =	vmul.f32 s18, v22;
	s18 =	smov.u32 s20  }
0xb6: {  	v49 =	vmul.f32 v28, v13;
	v50 =	vmul.f32 v29, v24;
	v26 =	vadd.f32 v27, v26;
	s24 =	simm.s32 @!p0 $0x0;
	s13 =	simm.s32 @!p1 $0x0;
	p0 =	slt.f32 s22, s28  }
0xb7: {  	v51 =	vmul.f32 v30, v13;
	s2 =	simm.s32 @!p1 $0x0;
	s18 =	simm.s32 @!p2 $0x0;
	p1 =	slt.u32 s31, $0x40  }
0xb8: {  	v48 =	vld.idx.msk [tilespmem:v33+s14+$0x0], $0xffff;
	v53 =	vmul.f32 v31, v24;
	v19 =	vadd.f32 v50, v49;
	s31 =	smov.u32 s4;
	v33 =	vmul.f32 s21, v26;
	s21 =	smov.u32 s9;
	s28 =	sadd.s32 $0xFFFFFFFE, s8  }
0xb9: {  	s31 =	simm.s32 @!p1 $0x0;
	s20 =	simm.s32 @!p1 $0x0;
	p1 =	sgt.s32 s9, $0x0  }
0xba: {  	v17 =	vadd.f32 v53, v51;
	v35 =	vmul.f32 s13, v19;
	s13 =	smov.u32 s28;
	s12 =	simm.s32 @!p0 $0x0;
	p0 =	slt.u32 s23, $0x40  }
0xbb: {  	v47 =	vld.idx.msk [tilespmem:v32+s14+$0x0], $0xffff;
	s21 =	simm.s32 @!p1 $0x0;
	s12 =	ssub.s32 s19, s12;
	s4 =	simm.s32 @!p0 $0x0  }
0xbc: {  	v14 =	vld.idx.msk [tilespmem:v14+s14+$0x0], $0xffff;
	v34 =	vmul.f32 s24, v26;
	v28 =	vmul.f32 s25, v17;
	s24 =	smin.u32 s21, $0x1F;
	s23 =	scvt.s32.f32 s12;
	s25 =	sadd.s32 $0xFFFFFFFC, s12  }
0xbd: {  	v15 =	vld.idx.msk [tilespmem:v15+s14+$0x0], $0xffff;
	v19 =	vmul.f32 s2, v19;
	s2 =	ssub.s32 s24, s26;
	s12 =	sadd.s32 $0xFFFFFFFD, s8;
	s24 =	sadd.s32 $0xFFFFFFFF, s8  }
0xbe: {  	s2 =	sshll.u32 s2, $0x5;
	p0 =	sgt.s32 s12, $0x0;
	s5 =	smov.u32 s12  }
0xbf: {  	v62 =	vadd.s32 s0, v1;
	p1 =	slt.u32 s12, $0x20;
	s19 =	ssub.f32 s22, s23;
	s5 =	simm.s32 @!p0 $0x0  }
0xc0: {  	v63 =	vadd.s32 s0, v4;
	v36 =	vadd.s32 s0, v6;
	v56 =	vmul.f32 v47, v13;
	s2 =	sadd.s32 s11, s2;
	p0 =	sgt.s32 s28, $0x0;
	s21 =	smin.u32 s5, $0x1F  }
0xc1: {  	v37 =	vadd.s32 s0, v7;
	v57 =	vmul.f32 v48, v24;
	v12 =	vmul.f32 s3, v12;
	s13 =	simm.s32 @!p0 $0x0;
	p0 =	sgt.s32 s24, $0x0;
	s3 =	ssub.s32 s21, s26  }
0xc2: {  	v38 =	vadd.s32 s0, v8;
	v13 =	vmul.f32 v14, v13;
	v58 =	vmul.f32 v15, v24;
	s22 =	smin.u32 s13, $0x1F;
	s13 =	smov.u32 s24;
	s3 =	sshll.u32 s3, $0x5  }
0xc3: {  	v39 =	vadd.s32 s0, v9;
	v32 =	vadd.s32 s0, v5;
	v59 =	vadd.f32 v57, v56;
	s5 =	ssub.s32 s22, s26;
	s13 =	simm.s32 @!p0 $0x0;
	p0 =	sgt.s32 s8, $0x0  }
0xc4: {  	v13 =	vadd.f32 v58, v13;
	v42 =	vadd.s32 s25, v0;
	v44 =	vadd.s32 s25, v2;
	s3 =	sadd.s32 s11, s3;
	s23 =	sshll.u32 s5, $0x5;
	s25 =	smin.u32 s13, $0x1F  }
0xc5: {  	v16 =	vadd.f32 v52, v16;
	v18 =	vadd.f32 v54, v18;
	v40 =	vmul.f32 s18, v17;
	s5 =	smov.u32 s8;
	s13 =	sadd.s32 $0x2, s8;
	s18 =	ssub.s32 s25, s26  }
0xc6: {  	v20 =	vadd.f32 v55, v20;
	v41 =	vmul.f32 s31, v59;
	v48 =	vmul.f32 s4, v13;
	s31 =	sadd.s32 s11, s23;
	s5 =	simm.s32 @!p0 $0x0;
	s4 =	sshll.u32 s18, $0x5  }
0xc7: {  	[tilespmem:v62+s17+$0x0] =	vst.idx.msk $0x1ff, v16;
	v15 =	vmul.f32 s20, v59;
	vm4 =	vgt.s32 v42, $0x0;
	vm5 =	vgt.s32 v44, $0x0;
	s18 =	sadd.s32 $0x1, s8;
	s21 =	smin.u32 s5, $0x1F;
	s20 =	sadd.s32 s11, s4  }
0xc8: {  	v43 =	vadd.s32 s0, v10;
	[tilespmem:v63+s17+$0x0] =	vst.idx.msk $0x1ff, v18;
	v45 =	vnsel vm4, $0x0, v42;
	v47 =	vnsel vm5, $0x0, v44;
	p0 =	sgt.s32 s18, $0x0;
	s5 =	smov.u32 s18;
	s4 =	ssub.s32 s21, s26  }
0xc9: {  	v21 =	vadd.f32 v61, v60;
	[tilespmem:v32+s17+$0x0] =	vst.idx.msk $0x1ff, v20;
	v20 =	vmin.u32 v45, $0x1F;
	v49 =	vmin.u32 v47, $0x1F;
	s5 =	simm.s32 @!p0 $0x0;
	s22 =	sshll.u32 s4, $0x5;
	p0 =	sgt.s32 s13, $0x0  }
0xca: {  	v12 =	vadd.f32 v33, v12;
	v50 =	vor.u32 s2, v20;
	v51 =	vor.u32 s2, v49;
	s23 =	smin.u32 s5, $0x1F;
	s5 =	smov.u32 s13;
	s2 =	sadd.s32 s11, s22  }
0xcb: {  	v46 =	vadd.s32 s0, v11;
	v22 =	vadd.f32 v35, v34;
	[tilespmem:v36+s17+$0x0] =	vst.idx.msk $0x1ff, v21;
	s22 =	sadd.s32 $0x4, s8;
	s4 =	ssub.s32 s23, s26;
	s5 =	simm.s32 @!p0 $0x0  }
0xcc: {  	v19 =	vadd.f32 v28, v19;
	[tilespmem:v37+s17+$0x0] =	vst.idx.msk $0x1ff, v12;
	v54 =	vor.u32 s31, v20;
	v55 =	vor.u32 s31, v49;
	s23 =	sadd.s32 $0x3, s8;
	s25 =	sshll.u32 s4, $0x5;
	s31 =	smin.u32 s5, $0x1F  }
0xcd: {  	v14 =	vadd.f32 v41, v40;
	[tilespmem:v38+s17+$0x0] =	vst.idx.msk $0x1ff, v22;
	v52 =	vor.u32 s3, v20;
	v53 =	vor.u32 s3, v49;
	p0 =	sgt.s32 s23, $0x0;
	s5 =	smov.u32 s23;
	s3 =	sadd.s32 s11, s25  }
0xce: {  	[tilespmem:v39+s17+$0x0] =	vst.idx.msk $0x1ff, v19;
	v12 =	vadd.f32 v48, v15;
	s4 =	ssub.s32 s31, s26;
	s5 =	simm.s32 @!p0 $0x0;
	p0 =	sgt.s32 s22, $0x0  }
0xcf: {  	[tilespmem:v43+s17+$0x0] =	vst.idx.msk $0x1ff, v14;
	v56 =	vor.u32 s20, v20;
	v57 =	vor.u32 s20, v49;
	s25 =	sadd.s32 $0x5, s8;
	s20 =	smin.u32 s5, $0x1F;
	s5 =	smov.u32 s22  }
0xd0: {  	[tilespmem:v46+s17+$0x0] =	vst.idx.msk $0x1ff, v12;
	s4 =	sshll.u32 s4, $0x5;
	s21 =	ssub.s32 s20, s26;
	s5 =	simm.s32 @!p0 $0x0  }
0xd1: {  	v18 =	vld.idx.msk [tilespmem:v50+s15+$0x0], $0xffff;
	v60 =	vor.u32 s3, v20;
	v61 =	vor.u32 s3, v49;
	p0 =	sgt.s32 s25, $0x0;
	s3 =	sshll.u32 s21, $0x5;
	s31 =	smin.u32 s5, $0x1F  }
0xd2: {  	vm6 =	vlt.u32 v42, $0x20;
	v14 =	vld.idx.msk [tilespmem:v53+s15+$0x0], $0xffff;
	s5 =	smov.u32 s25;
	s20 =	sadd.s32 s11, s3;
	s21 =	ssub.s32 s31, s26  }
0xd3: {  	vm7 =	vlt.u32 v44, $0x20;
	v39 =	vsel vm6, $0x3F800000, v3;
	v15 =	vld.idx.msk [tilespmem:v52+s15+$0x0], $0xffff;
	s5 =	simm.s32 @!p0 $0x0;
	s3 =	sshll.u32 s21, $0x5;
	s21 =	scvt.s32.f32 s8  }
0xd4: {  	v41 =	vsel vm7, $0x3F800000, v3;
	v16 =	vld.idx.msk [tilespmem:v51+s15+$0x0], $0xffff;
	v58 =	vor.u32 s2, v20;
	v59 =	vor.u32 s2, v49;
	s2 =	sadd.s32 s11, s4;
	s31 =	ssub.f32 $1.000000000e+00, s19;
	s5 =	smin.u32 s5, $0x1F  }
0xd5: {  	v26 =	vmul.f32 s19, v41;
	v12 =	vld.idx.msk [tilespmem:v54+s15+$0x0], $0xffff;
	p0 =	slt.u32 s9, $0x20;
	v37 =	vor.u32 s20, v20;
	v38 =	vor.u32 s20, v49;
	s20 =	ssub.s32 s5, s26;
	s4 =	ssub.f32 s10, s21  }
0xd6: {  	v19 =	vld.idx.msk [tilespmem:v55+s15+$0x0], $0xffff;
	v62 =	vor.u32 s2, v20;
	v63 =	vor.u32 s2, v49;
	s3 =	sadd.s32 s11, s3;
	v31 =	vmul.f32 s31, v39;
	s31 =	sadd.s32 $0x51, s0;
	s2 =	sshll.u32 s20, $0x5  }
0xd7: {  	v21 =	vld.idx.msk [tilespmem:v56+s15+$0x0], $0xffff;
	v14 =	vmul.f32 v14, v26;
	s21 =	simm.s32 $0x1;
	s2 =	sadd.s32 s11, s2;
	s19 =	ssub.f32 $1.000000000e+00, s4  }
0xd8: {  	v22 =	vld.idx.msk [tilespmem:v57+s15+$0x0], $0xffff;
	v42 =	vor.u32 s3, v20;
	v43 =	vor.u32 s3, v49;
	v15 =	vmul.f32 v15, v31;
	s3 =	smov.u32 s4;
	s9 =	smov.u32 s4;
	s11 =	smov.u32 s4  }
0xd9: {  	v24 =	vld.idx.msk [tilespmem:v58+s15+$0x0], $0xffff;
	v20 =	vor.u32 s2, v20;
	v13 =	vor.u32 s2, v49;
	s3 =	simm.s32 @!p1 $0x0;
	s2 =	smov.u32 s19;
	s5 =	smov.u32 s19  }
0xda: {  	v16 =	vmul.f32 v16, v26;
	v36 =	vld.idx.msk [tilespmem:v59+s15+$0x0], $0xffff;
	v18 =	vmul.f32 v18, v31;
	v14 =	vadd.f32 v14, v15;
	s10 =	smov.u32 s19;
	s12 =	smov.u32 s19;
	s20 =	smov.u32 s19  }
0xdb: {  	v19 =	vmul.f32 v19, v26;
	s2 =	simm.s32 @!p0 $0x0;
	p0 =	slt.u32 s28, $0x20;
	s5 =	simm.s32 @!p1 $0x0  }
0xdc: {  	v40 =	vld.idx.msk [tilespmem:v60+s15+$0x0], $0xffff;
	v12 =	vmul.f32 v12, v31;
	v16 =	vadd.f32 v16, v18;
	p1 =	slt.u32 s24, $0x20;
	v48 =	vmul.f32 s3, v14;
	s3 =	smov.u32 s4;
	s9 =	simm.s32 @!p0 $0x0  }
0xdd: {  	v27 =	vld.idx.msk [tilespmem:v61+s15+$0x0], $0xffff;
	v22 =	vmul.f32 v22, v26;
	v21 =	vmul.f32 v21, v31;
	s10 =	simm.s32 @!p0 $0x0;
	s11 =	simm.s32 @!p1 $0x0;
	s12 =	simm.s32 @!p1 $0x0  }
0xde: {  	v28 =	vld.idx.msk [tilespmem:v62+s15+$0x0], $0xffff;
	v24 =	vmul.f32 v24, v31;
	v12 =	vadd.f32 v19, v12;
	v16 =	vmul.f32 s2, v16;
	p0 =	slt.u32 s8, $0x20;
	s2 =	smov.u32 s4;
	s8 =	smul.f32 $2.500000000e-01, s1  }
0xdf: {  	v29 =	vld.idx.msk [tilespmem:v63+s15+$0x0], $0xffff;
	v17 =	vmul.f32 v36, v26;
	v21 =	vadd.f32 v22, v21;
	v14 =	vmul.f32 s5, v14;
	s5 =	smul.f32 $2.500000000e-01, s6;
	p1 =	slt.u32 s23, $0x20;
	s2 =	simm.s32 @!p0 $0x0  }
0xe0: {  	s20 =	simm.s32 @!p0 $0x0;
	v49 =	vmul.f32 s9, v12;
	p0 =	slt.u32 s18, $0x20;
	s9 =	smov.u32 s19  }
0xe1: {  	v25 =	vld.idx.msk [tilespmem:v37+s15+$0x0], $0xffff;
	v17 =	vadd.f32 v17, v24;
	v12 =	vmul.f32 s10, v12;
	v50 =	vmul.f32 s11, v21;
	s10 =	smov.u32 s4;
	s11 =	smov.u32 s19;
	s18 =	scvt.f32.s32 s8  }
0xe2: {  	v30 =	vld.idx.msk [tilespmem:v38+s15+$0x0], $0xffff;
	v23 =	vmul.f32 v40, v31;
	v27 =	vmul.f32 v27, v26;
	s3 =	simm.s32 @!p0 $0x0;
	s9 =	simm.s32 @!p0 $0x0;
	p0 =	slt.u32 s13, $0x20  }
0xe3: {  	v32 =	vld.idx.msk [tilespmem:v42+s15+$0x0], $0xffff;
	s26 =	scvt.f32.s32 s5;
	v51 =	vmul.f32 s2, v17;
	v17 =	vmul.f32 s20, v17;
	s2 =	smov.u32 s4;
	s20 =	smov.u32 s19  }
0xe4: {  	v33 =	vld.idx.msk [tilespmem:v43+s15+$0x0], $0xffff;
	v28 =	vmul.f32 v28, v31;
	v44 =	vmul.f32 v29, v26;
	v23 =	vadd.f32 v27, v23;
	s10 =	simm.s32 @!p0 $0x0;
	s11 =	simm.s32 @!p0 $0x0;
	s28 =	scvt.s32.f32 s18  }
0xe5: {  	s2 =	simm.s32 @!p1 $0x0;
	s20 =	simm.s32 @!p1 $0x0;
	s24 =	scvt.s32.f32 s26  }
0xe6: {  	v18 =	vadd.f32 v44, v28;
	v55 =	vmul.f32 s3, v23;
	p1 =	slt.u32 s22, $0x20;
	s3 =	smov.u32 s4;
	p0 =	slt.f32 s8, s28  }
0xe7: {  	s1 =	smul.f32 $1.250000000e-01, s1;
	v25 =	vmul.f32 v25, v31;
	v45 =	vmul.f32 v30, v26;
	s3 =	simm.s32 @!p1 $0x0;
	p2 =	slt.f32 s5, s24  }
0xe8: {  	v20 =	vld.idx.msk [tilespmem:v20+s15+$0x0], $0xffff;
	v23 =	vmul.f32 s9, v23;
	v56 =	vmul.f32 s10, v18;
	s10 =	simm.s32 $0x1;
	s19 =	simm.s32 @!p1 $0x0;
	s21 =	simm.s32 @!p0 $0x0  }
0xe9: {  	v13 =	vld.idx.msk [tilespmem:v13+s15+$0x0], $0xffff;
	v46 =	vmul.f32 v32, v31;
	v47 =	vmul.f32 v33, v26;
	v15 =	vadd.f32 v45, v25;
	s10 =	simm.s32 @!p2 $0x0;
	p0 =	slt.u32 s25, $0x20;
	s9 =	ssub.s32 s18, s21  }
0xea: {  	s25 =	ssub.s32 s26, s10;
	s4 =	simm.s32 @!p0 $0x0;
	s10 =	sadd.s32 $0xFFFFFFFC, s9  }
0xeb: {  	v18 =	vmul.f32 s11, v18;
	v19 =	vadd.f32 v47, v46;
	v58 =	vmul.f32 s2, v15;
	s13 =	scvt.s32.f32 s25;
	s2 =	sadd.s32 $0xFFFFFFFC, s25;
	s11 =	sadd.s32 $0xFFFFFFFD, s9  }
0xec: {  	s22 =	sadd.s32 $0x1, s9;
	p1 =	sgt.s32 s10, $0x0;
	s18 =	smov.u32 s10  }
0xed: {  	v52 =	vadd.s32 s31, v1;
	v62 =	vmul.f32 s3, v19;
	p0 =	sgt.s32 s11, $0x0;
	s3 =	smov.u32 s11;
	s18 =	simm.s32 @!p1 $0x0  }
0xee: {  	v53 =	vadd.s32 s31, v4;
	v20 =	vmul.f32 v20, v31;
	v13 =	vmul.f32 v13, v26;
	s5 =	ssub.f32 s5, s13;
	s3 =	simm.s32 @!p0 $0x0;
	s13 =	sadd.s32 $0xFFFFFFFE, s9  }
0xef: {  	v54 =	vadd.s32 s31, v5;
	v57 =	vadd.s32 s31, v6;
	v21 =	vmul.f32 s12, v21;
	s26 =	smin.u32 s18, $0xF;
	s3 =	smin.u32 s3, $0xF;
	p0 =	sgt.s32 s13, $0x0  }
0xf0: {  	v13 =	vadd.f32 v13, v20;
	v63 =	vadd.s32 s2, v0;
	v33 =	vadd.s32 s2, v2;
	s12 =	smov.u32 s13;
	s18 =	sadd.s32 $0xFFFFFFFF, s9;
	s2 =	sshll.u32 s26, $0x4  }
0xf1: {  	v59 =	vadd.s32 s31, v7;
	v60 =	vadd.s32 s31, v8;
	v61 =	vadd.s32 s31, v9;
	s3 =	sshll.u32 s3, $0x4;
	s12 =	simm.s32 @!p0 $0x0;
	p0 =	sgt.s32 s18, $0x0  }
0xf2: {  	v36 =	vadd.s32 s31, v11;
	v32 =	vadd.s32 s31, v10;
	v13 =	vmul.f32 s4, v13;
	s4 =	ssub.f32 $1.000000000e+00, s5;
	s31 =	smin.u32 s12, $0xF;
	s12 =	smov.u32 s18  }
0xf3: {  	v16 =	vadd.f32 v48, v16;
	v14 =	vadd.f32 v49, v14;
	s2 =	sadd.s32 s7, s2;
	s28 =	sadd.s32 s7, s3;
	s12 =	simm.s32 @!p0 $0x0  }
0xf4: {  	v15 =	vmul.f32 s20, v15;
	vm8 =	vgt.s32 v63, $0x0;
	vm9 =	vgt.s32 v33, $0x0;
	s3 =	sshll.u32 s31, $0x4;
	p0 =	sgt.s32 s9, $0x0;
	s20 =	smin.u32 s12, $0xF  }
0xf5: {  	v34 =	vmul.f32 s19, v19;
	v35 =	vnsel vm8, $0x0, v63;
	v37 =	vnsel vm9, $0x0, v33;
	s19 =	sadd.s32 s7, s3;
	s12 =	smov.u32 s9;
	s3 =	sshll.u32 s20, $0x4  }
0xf6: {  	v12 =	vadd.f32 v50, v12;
	[tilespmem:v52+s17+$0x0] =	vst.idx.msk $0x1ff, v16;
	v19 =	vmin.u32 v35, $0xF;
	v38 =	vmin.u32 v37, $0xF;
	s12 =	simm.s32 @!p0 $0x0;
	p0 =	sgt.s32 s22, $0x0;
	s20 =	sadd.s32 $0x2, s9  }
0xf7: {  	v21 =	vadd.f32 v51, v21;
	[tilespmem:v53+s17+$0x0] =	vst.idx.msk $0x1ff, v14;
	v43 =	vor.u32 s19, v19;
	v44 =	vor.u32 s19, v38;
	s19 =	sadd.s32 $0x3, s9;
	s23 =	smin.u32 s12, $0xF;
	s12 =	smov.u32 s22  }
0xf8: {  	v17 =	vadd.f32 v55, v17;
	[tilespmem:v54+s17+$0x0] =	vst.idx.msk $0x1ff, v12;
	s21 =	sadd.s32 s7, s3;
	s3 =	sshll.u32 s23, $0x4;
	s12 =	simm.s32 @!p0 $0x0  }
0xf9: {  	v23 =	vadd.f32 v56, v23;
	[tilespmem:v57+s17+$0x0] =	vst.idx.msk $0x1ff, v21;
	v18 =	vadd.f32 v58, v18;
	p0 =	sgt.s32 s20, $0x0;
	s23 =	sadd.s32 $0x4, s9;
	s24 =	sadd.s32 s7, s3  }
0xfa: {  	[tilespmem:v59+s17+$0x0] =	vst.idx.msk $0x1ff, v17;
	v39 =	vor.u32 s2, v19;
	v45 =	vor.u32 s21, v19;
	v46 =	vor.u32 s21, v38;
	s25 =	smin.u32 s12, $0xF;
	s12 =	smov.u32 s20;
	s21 =	smov.u32 s23  }
0xfb: {  	[tilespmem:v60+s17+$0x0] =	vst.idx.msk $0x1ff, v23;
	v15 =	vadd.f32 v62, v15;
	v40 =	vor.u32 s2, v38;
	s3 =	sshll.u32 s25, $0x4;
	s12 =	simm.s32 @!p0 $0x0;
	p0 =	sgt.s32 s19, $0x0  }
0xfc: {  	[tilespmem:v61+s17+$0x0] =	vst.idx.msk $0x1ff, v18;
	v12 =	vadd.f32 v13, v34;
	v41 =	vor.u32 s28, v19;
	v42 =	vor.u32 s28, v38;
	s26 =	sadd.s32 s7, s3;
	s28 =	smin.u32 s12, $0xF;
	s12 =	smov.u32 s19  }
0xfd: {  	[tilespmem:v32+s17+$0x0] =	vst.idx.msk $0x1ff, v15;
	s3 =	sshll.u32 s28, $0x4;
	s12 =	simm.s32 @!p0 $0x0;
	p0 =	sgt.s32 s23, $0x0  }
0xfe: {  	vm10 =	vlt.u32 v63, $0x10;
	[tilespmem:v36+s17+$0x0] =	vst.idx.msk $0x1ff, v12;
	v49 =	vor.u32 s26, v19;
	v50 =	vor.u32 s26, v38;
	s26 =	scvt.s32.f32 s9;
	s31 =	sadd.s32 s7, s3;
	s12 =	smin.u32 s12, $0xF  }
0xff: {  	v54 =	vsel vm10, $0x3F800000, v3;
	v15 =	vld.idx.msk [tilespmem:v39+s16+$0x0], $0xffff;
	s21 =	simm.s32 @!p0 $0x0;
	s3 =	sshll.u32 s12, $0x4;
	s12 =	sadd.s32 $0x5, s9  }
0x100: {  	v24 =	vmul.f32 s4, v54;
	v16 =	vld.idx.msk [tilespmem:v40+s16+$0x0], $0xffff;
	v47 =	vor.u32 s24, v19;
	v48 =	vor.u32 s24, v38;
	s25 =	smin.u32 s21, $0xF;
	s4 =	ssub.f32 s8, s26;
	s24 =	sadd.s32 s7, s3  }
0x101: {  	vm11 =	vlt.u32 v33, $0x10;
	v13 =	vld.idx.msk [tilespmem:v41+s16+$0x0], $0xffff;
	p0 =	sgt.s32 s12, $0x0;
	s21 =	smov.u32 s12;
	s3 =	sshll.u32 s25, $0x4  }
0x102: {  	p1 =	slt.u32 s11, $0x10;
	v55 =	vsel vm11, $0x3F800000, v3;
	v14 =	vld.idx.msk [tilespmem:v42+s16+$0x0], $0xffff;
	s21 =	simm.s32 @!p0 $0x0;
	s3 =	sadd.s32 s7, s3  }
0x103: {  	v29 =	vmul.f32 s5, v55;
	s8 =	ssub.f32 $1.000000000e+00, s4;
	p0 =	slt.u32 s10, $0x10;
	s10 =	smov.u32 s4  }
0x104: {  	v12 =	vld.idx.msk [tilespmem:v43+s16+$0x0], $0xffff;
	v51 =	vor.u32 s31, v19;
	v56 =	vor.u32 s24, v19;
	v57 =	vor.u32 s24, v38;
	s11 =	smov.u32 s4;
	s24 =	scvt.f32.s32 s1;
	s28 =	smin.u32 s21, $0xF  }
0x105: {  	v18 =	vld.idx.msk [tilespmem:v44+s16+$0x0], $0xffff;
	v53 =	vor.u32 s31, v38;
	v58 =	vor.u32 s3, v19;
	v59 =	vor.u32 s3, v38;
	s3 =	smov.u32 s4;
	s31 =	sshll.u32 s28, $0x4;
	s2 =	smov.u32 s8  }
0x106: {  	v21 =	vld.idx.msk [tilespmem:v45+s16+$0x0], $0xffff;
	v15 =	vmul.f32 v15, v24;
	v16 =	vmul.f32 v16, v29;
	s3 =	simm.s32 @!p1 $0x0;
	s5 =	smov.u32 s8;
	s26 =	scvt.s32.f32 s24  }
0x107: {  	v23 =	vld.idx.msk [tilespmem:v46+s16+$0x0], $0xffff;
	v13 =	vmul.f32 v13, v24;
	v14 =	vmul.f32 v14, v29;
	s28 =	sadd.s32 $0xA2, s0;
	s21 =	sadd.s32 s7, s31;
	s2 =	simm.s32 @!p0 $0x0  }
0x108: {  	v52 =	vld.idx.msk [tilespmem:v47+s16+$0x0], $0xffff;
	v15 =	vadd.f32 v16, v15;
	p0 =	slt.u32 s13, $0x10;
	s5 =	simm.s32 @!p1 $0x0;
	p1 =	slt.u32 s18, $0x10  }
0x109: {  	v25 =	vld.idx.msk [tilespmem:v48+s16+$0x0], $0xffff;
	v12 =	vmul.f32 v12, v24;
	v13 =	vadd.f32 v14, v13;
	s13 =	smov.u32 s8;
	s18 =	smov.u32 s4;
	s7 =	sadd.s32 $0x100, s7  }
0x10a: {  	v18 =	vmul.f32 v18, v29;
	v26 =	vld.idx.msk [tilespmem:v49+s16+$0x0], $0xffff;
	v15 =	vmul.f32 s2, v15;
	s10 =	simm.s32 @!p0 $0x0;
	s2 =	smov.u32 s8;
	s11 =	simm.s32 @!p1 $0x0  }
0x10b: {  	v27 =	vld.idx.msk [tilespmem:v50+s16+$0x0], $0xffff;
	v17 =	vor.u32 s21, v38;
	v38 =	vmul.f32 s3, v13;
	s3 =	smov.u32 s8;
	v13 =	vmul.f32 s5, v13;
	s5 =	smul.f32 $1.250000000e-01, s6;
	s6 =	smov.u32 s8  }
0x10c: {  	v28 =	vld.idx.msk [tilespmem:v51+s16+$0x0], $0xffff;
	p2 =	slt.f32 s1, s26;
	s2 =	simm.s32 @!p0 $0x0;
	p0 =	slt.u32 s9, $0x10  }
0x10d: {  	v21 =	vmul.f32 v21, v24;
	v23 =	vmul.f32 v23, v29;
	v12 =	vadd.f32 v18, v12;
	v30 =	vld.idx.msk [tilespmem:v56+s16+$0x0], $0xffff;
	s9 =	smov.u32 s4;
	s3 =	simm.s32 @!p1 $0x0;
	p1 =	slt.u32 s19, $0x10  }
0x10e: {  	v60 =	vmul.f32 v52, v24;
	v61 =	vmul.f32 v25, v29;
	v31 =	vld.idx.msk [tilespmem:v57+s16+$0x0], $0xffff;
	s19 =	simm.s32 $0x1;
	s9 =	simm.s32 @!p0 $0x0;
	s13 =	simm.s32 @!p0 $0x0  }
0x10f: {  	v22 =	vld.idx.msk [tilespmem:v53+s16+$0x0], $0xffff;
	v21 =	vadd.f32 v23, v21;
	v42 =	vmul.f32 s10, v12;
	p0 =	slt.u32 s22, $0x10;
	v12 =	vmul.f32 s2, v12;
	s2 =	smov.u32 s4;
	s22 =	scvt.f32.s32 s5  }
0x110: {  	v62 =	vld.idx.msk [tilespmem:v58+s16+$0x0], $0xffff;
	v63 =	vmul.f32 v26, v24;
	v36 =	vmul.f32 v27, v29;
	v16 =	vadd.f32 v61, v60;
	s18 =	simm.s32 @!p0 $0x0;
	s6 =	simm.s32 @!p0 $0x0;
	p0 =	slt.u32 s20, $0x10  }
0x111: {  	v19 =	vor.u32 s21, v19;
	v37 =	vld.idx.msk [tilespmem:v59+s16+$0x0], $0xffff;
	v43 =	vmul.f32 s11, v21;
	v21 =	vmul.f32 s3, v21;
	s3 =	smov.u32 s8;
	s20 =	smov.u32 s8;
	s2 =	simm.s32 @!p0 $0x0  }
0x112: {  	v14 =	vadd.f32 v36, v63;
	v44 =	vmul.f32 s9, v16;
	s3 =	simm.s32 @!p0 $0x0;
	s9 =	smov.u32 s4;
	s25 =	scvt.s32.f32 s22  }
0x113: {  	p0 =	slt.u32 s23, $0x10;
	s20 =	simm.s32 @!p1 $0x0;
	s9 =	simm.s32 @!p1 $0x0;
	v39 =	vmul.f32 v30, v24;
	v40 =	vmul.f32 v31, v29  }
0x114: {  	v46 =	vadd.s32 s28, v1;
	v45 =	vmul.f32 s18, v14;
	p1 =	slt.f32 s5, s25;
	s18 =	smov.u32 s4;
	v14 =	vmul.f32 s6, v14;
	s6 =	simm.s32 $0x1  }
0x115: {  	v47 =	vadd.s32 s28, v4;
	v28 =	vmul.f32 v28, v24;
	v22 =	vmul.f32 v22, v29;
	s8 =	simm.s32 @!p0 $0x0;
	s18 =	simm.s32 @!p0 $0x0;
	s6 =	simm.s32 @!p2 $0x0  }
0x116: {  	v19 =	vld.idx.msk [tilespmem:v19+s16+$0x0], $0xffff;
	v25 =	vmul.f32 v62, v24;
	v41 =	vmul.f32 v37, v29;
	p0 =	slt.u32 s12, $0x10;
	v18 =	vadd.f32 v40, v39;
	s19 =	simm.s32 @!p1 $0x0;
	s6 =	ssub.s32 s24, s6  }
0x117: {  	v48 =	vadd.s32 s28, v5;
	v50 =	vadd.s32 s28, v6;
	v17 =	vld.idx.msk [tilespmem:v17+s16+$0x0], $0xffff;
	v22 =	vadd.f32 v22, v28;
	s4 =	simm.s32 @!p0 $0x0;
	s31 =	ssub.s32 s22, s19;
	s12 =	scvt.s32.f32 s6  }
0x118: {  	v16 =	vmul.f32 s13, v16;
	v23 =	vadd.f32 v41, v25;
	s13 =	sadd.s32 $0x2, s6;
	v51 =	vmul.f32 s9, v18;
	s10 =	scvt.s32.f32 s31;
	s9 =	sadd.s32 $0xFFFFFFFC, s6  }
0x119: {  	v53 =	vadd.s32 s28, v8;
	v54 =	vadd.s32 s28, v9;
	v49 =	vmul.f32 s2, v22;
	s2 =	sadd.s32 $0xFFFFFFFC, s31;
	s31 =	sadd.s32 $0x3, s6;
	p0 =	sgt.s32 s9, $0x0  }
0x11a: {  	v52 =	vadd.s32 s28, v7;
	v22 =	vmul.f32 s3, v22;
	s3 =	smov.u32 s9;
	s1 =	ssub.f32 s1, s12;
	v60 =	vmul.f32 s8, v23;
	s8 =	sadd.s32 $0xFFFFFFFE, s6  }
0x11b: {  	v15 =	vadd.f32 v38, v15;
	v58 =	vadd.s32 s28, v10;
	v56 =	vmul.f32 s18, v23;
	s18 =	sadd.s32 $0x1, s6;
	s5 =	ssub.f32 s5, s10;
	s3 =	simm.s32 @!p0 $0x0  }
0x11c: {  	v13 =	vadd.f32 v42, v13;
	v19 =	vmul.f32 v19, v24;
	v17 =	vmul.f32 v17, v29;
	s10 =	sadd.s32 $0xFFFFFFFD, s6;
	s12 =	smov.u32 s8;
	s19 =	smin.u32 s3, $0x7  }
0x11d: {  	v12 =	vadd.f32 v43, v12;
	v21 =	vadd.f32 v44, v21;
	v62 =	vadd.s32 s28, v11;
	p0 =	sgt.s32 s10, $0x0;
	s3 =	smov.u32 s10;
	s11 =	ssub.f32 $1.000000000e+00, s5  }
0x11e: {  	[tilespmem:v46+s17+$0x0] =	vst.idx.msk $0x1ff, v15;
	v57 =	vadd.s32 s2, v0;
	v59 =	vadd.s32 s2, v2;
	v17 =	vadd.f32 v17, v19;
	s2 =	sshll.u32 s19, $0x3;
	s3 =	simm.s32 @!p0 $0x0;
	p0 =	sgt.s32 s8, $0x0  }
0x11f: {  	[tilespmem:v47+s17+$0x0] =	vst.idx.msk $0x1ff, v13;
	v16 =	vadd.f32 v45, v16;
	v14 =	vadd.f32 v49, v14;
	vm12 =	vgt.s32 v57, $0x0;
	s19 =	sadd.s32 $0xFFFFFFFF, s6;
	s2 =	sor.u32 s7, s2;
	s3 =	smin.u32 s3, $0x7  }
0x120: {  	[tilespmem:v48+s17+$0x0] =	vst.idx.msk $0x1ff, v12;
	vm13 =	vgt.s32 v59, $0x0;
	v61 =	vnsel vm12, $0x0, v57;
	v32 =	vmul.f32 s4, v17;
	s12 =	simm.s32 @!p0 $0x0;
	p0 =	sgt.s32 s19, $0x0;
	s4 =	smov.u32 s19  }
0x121: {  	[tilespmem:v50+s17+$0x0] =	vst.idx.msk $0x1ff, v21;
	v55 =	vmul.f32 s20, v18;
	v31 =	vnsel vm13, $0x0, v59;
	v63 =	vmin.u32 v61, $0x7;
	s3 =	sshll.u32 s3, $0x3;
	s21 =	smin.u32 s12, $0x7;
	s4 =	simm.s32 @!p0 $0x0  }
0x122: {  	[tilespmem:v52+s17+$0x0] =	vst.idx.msk $0x1ff, v16;
	v22 =	vadd.f32 v51, v22;
	v12 =	vmin.u32 v31, $0x7;
	v33 =	vor.u32 s2, v63;
	p0 =	sgt.s32 s6, $0x0;
	s12 =	smov.u32 s6;
	s20 =	sor.u32 s7, s3  }
0x123: {  	[tilespmem:v53+s17+$0x0] =	vst.idx.msk $0x1ff, v14;
	v34 =	vadd.f32 v56, v55;
	v35 =	vor.u32 s2, v12;
	s3 =	sshll.u32 s21, $0x3;
	s23 =	smin.u32 s4, $0x7;
	s12 =	simm.s32 @!p0 $0x0  }
0x124: {  	[tilespmem:v54+s17+$0x0] =	vst.idx.msk $0x1ff, v22;
	v16 =	vadd.f32 v32, v60;
	p0 =	sgt.s32 s18, $0x0;
	s4 =	smov.u32 s18;
	s21 =	sadd.s32 $0x4, s6;
	v36 =	vor.u32 s20, v63  }
0x125: {  	vm15 =	vlt.u32 v59, $0x8;
	[tilespmem:v58+s17+$0x0] =	vst.idx.msk $0x1ff, v34;
	v37 =	vor.u32 s20, v12;
	s22 =	sor.u32 s7, s3;
	s3 =	sshll.u32 s23, $0x3;
	s24 =	smin.u32 s12, $0x7  }
0x126: {  	v45 =	vsel vm15, $0x3F800000, v3;
	[tilespmem:v62+s17+$0x0] =	vst.idx.msk $0x1ff, v16;
	s4 =	simm.s32 @!p0 $0x0;
	p0 =	sgt.s32 s13, $0x0;
	s12 =	smov.u32 s13;
	v38 =	vor.u32 s22, v63  }
0x127: {  	v14 =	vmul.f32 s5, v45;
	s20 =	smov.u32 s31;
	s5 =	smov.u32 s21;
	v39 =	vor.u32 s22, v12;
	s25 =	sor.u32 s7, s3;
	v17 =	vld.idx.msk [tilespmem:v33+s16+$0x0], $0xffff  }
0x128: {  	s26 =	sshll.u32 s24, $0x3;
	s28 =	smin.u32 s4, $0x7;
	s12 =	simm.s32 @!p0 $0x0;
	v40 =	vor.u32 s25, v63;
	v15 =	vld.idx.msk [tilespmem:v35+s16+$0x0], $0xffff  }
0x129: {  	p0 =	sgt.s32 s31, $0x0;
	s3 =	sor.u32 s7, s26;
	v41 =	vor.u32 s25, v12;
	s2 =	sshll.u32 s28, $0x3;
	v18 =	vld.idx.msk [tilespmem:v36+s16+$0x0], $0xffff  }
0x12a: {  	s12 =	smin.u32 s12, $0x7;
	s20 =	simm.s32 @!p0 $0x0;
	p0 =	sgt.s32 s21, $0x0;
	v42 =	vor.u32 s3, v63;
	v22 =	vld.idx.msk [tilespmem:v37+s16+$0x0], $0xffff  }
0x12b: {  	s25 =	sadd.s32 $0x5, s6;
	s28 =	sadd.s32 $0xF3, s0;
	v43 =	vor.u32 s3, v12;
	s2 =	sor.u32 s7, s2;
	v16 =	vld.idx.msk [tilespmem:v38+s16+$0x0], $0xffff  }
0x12c: {  	vm14 =	vlt.u32 v57, $0x8;
	s3 =	sshll.u32 s12, $0x3;
	s20 =	smin.u32 s20, $0x7;
	s5 =	simm.s32 @!p0 $0x0;
	v46 =	vor.u32 s2, v63;
	v19 =	vld.idx.msk [tilespmem:v39+s16+$0x0], $0xffff  }
0x12d: {  	v44 =	vsel vm14, $0x3F800000, v3;
	s12 =	ssub.f32 $1.000000000e+00, s1;
	v47 =	vor.u32 s2, v12;
	s23 =	sshll.u32 s20, $0x3;
	s24 =	smin.u32 s5, $0x7;
	v20 =	vld.idx.msk [tilespmem:v40+s16+$0x0], $0xffff  }
0x12e: {  	v26 =	vmul.f32 s11, v44;
	s22 =	sor.u32 s7, s3;
	s3 =	sor.u32 s7, s23;
	s2 =	sshll.u32 s24, $0x3;
	v21 =	vld.idx.msk [tilespmem:v41+s16+$0x0], $0xffff  }
0x12f: {  	p0 =	sgt.s32 s25, $0x0;
	v48 =	vor.u32 s22, v63;
	v50 =	vor.u32 s3, v63;
	v51 =	vor.u32 s3, v12;
	s3 =	smov.u32 s25;
	s2 =	sor.u32 s7, s2;
	v23 =	vld.idx.msk [tilespmem:v42+s16+$0x0], $0xffff  }
0x130: {  	v44 =	vadd.s32 s28, v1;
	v49 =	vor.u32 s22, v12;
	s3 =	simm.s32 @!p0 $0x0;
	v55 =	vor.u32 s2, v63;
	v24 =	vld.idx.msk [tilespmem:v43+s16+$0x0], $0xffff  }
0x131: {  	s5 =	smov.u32 s12;
	v56 =	vor.u32 s2, v12;
	v17 =	vmul.f32 v17, v26;
	v15 =	vmul.f32 v15, v14;
	s3 =	smin.u32 s3, $0x7;
	v53 =	vld.idx.msk [tilespmem:v46+s16+$0x0], $0xffff  }
0x132: {  	p0 =	slt.u32 s9, $0x8;
	s9 =	smov.u32 s1;
	v54 =	vld.idx.msk [tilespmem:v47+s16+$0x0], $0xffff;
	s26 =	sshll.u32 s3, $0x3;
	v46 =	vadd.s32 s28, v4;
	v47 =	vadd.s32 s28, v5;
	v18 =	vmul.f32 v18, v26  }
0x133: {  	s5 =	simm.s32 @!p0 $0x0;
	p0 =	slt.u32 s10, $0x8;
	v22 =	vmul.f32 v22, v14;
	v15 =	vadd.f32 v15, v17;
	s2 =	sor.u32 s7, s26;
	v16 =	vmul.f32 v16, v26  }
0x134: {  	s9 =	simm.s32 @!p0 $0x0;
	s3 =	smov.u32 s12;
	v28 =	vld.idx.msk [tilespmem:v48+s16+$0x0], $0xffff;
	v19 =	vmul.f32 v19, v14;
	v13 =	vor.u32 s2, v63;
	v20 =	vmul.f32 v20, v26  }
0x135: {  	v58 =	vld.idx.msk [tilespmem:v49+s16+$0x0], $0xffff;
	s3 =	simm.s32 @!p0 $0x0;
	p0 =	slt.u32 s8, $0x8;
	s7 =	smov.u32 s12;
	v52 =	vadd.f32 v22, v18;
	v21 =	vmul.f32 v21, v14;
	v15 =	vmul.f32 s5, v15  }
0x136: {  	v61 =	vld.idx.msk [tilespmem:v50+s16+$0x0], $0xffff;
	s7 =	simm.s32 @!p0 $0x0;
	s5 =	smov.u32 s1;
	v16 =	vadd.f32 v19, v16;
	v57 =	vmul.f32 v23, v26;
	v60 =	vmul.f32 v24, v14  }
0x137: {  	v31 =	vld.idx.msk [tilespmem:v51+s16+$0x0], $0xffff;
	s5 =	simm.s32 @!p0 $0x0;
	p0 =	slt.u32 s19, $0x8;
	v59 =	vmul.f32 s9, v52;
	v20 =	vadd.f32 v21, v20;
	v17 =	vmul.f32 s3, v52;
	s3 =	smov.u32 s1  }
0x138: {  	s8 =	smov.u32 s12;
	v12 =	vor.u32 s2, v12;
	s2 =	smov.u32 s12;
	v18 =	vmul.f32 v53, v26;
	v22 =	vmul.f32 v54, v14;
	s3 =	simm.s32 @!p0 $0x0  }
0x139: {  	s8 =	simm.s32 @!p0 $0x0;
	v62 =	vmul.f32 s5, v16;
	p0 =	slt.u32 s6, $0x8;
	v19 =	vadd.f32 v60, v57;
	v63 =	vmul.f32 s3, v20;
	s3 =	smov.u32 s1  }
0x13a: {  	v48 =	vadd.s32 s28, v6;
	v36 =	vld.idx.msk [tilespmem:v55+s16+$0x0], $0xffff;
	v38 =	vmul.f32 v28, v26;
	v40 =	vmul.f32 v58, v14;
	s2 =	simm.s32 @!p0 $0x0;
	s3 =	simm.s32 @!p0 $0x0  }
0x13b: {  	v37 =	vld.idx.msk [tilespmem:v56+s16+$0x0], $0xffff;
	v18 =	vadd.f32 v22, v18;
	p0 =	slt.u32 s18, $0x8;
	v39 =	vmul.f32 s3, v19;
	s3 =	smov.u32 s1;
	v19 =	vmul.f32 s2, v19;
	s2 =	smov.u32 s12  }
0x13c: {  	v49 =	vadd.s32 s28, v7;
	v41 =	vmul.f32 v61, v26;
	v42 =	vmul.f32 v31, v14;
	v13 =	vld.idx.msk [tilespmem:v13+s16+$0x0], $0xffff;
	s3 =	simm.s32 @!p0 $0x0;
	s2 =	simm.s32 @!p0 $0x0  }
0x13d: {  	s5 =	smov.u32 s1;
	v12 =	vld.idx.msk [tilespmem:v12+s16+$0x0], $0xffff;
	v22 =	vadd.f32 v40, v38;
	p0 =	slt.u32 s13, $0x8;
	v43 =	vmul.f32 s3, v18;
	v18 =	vmul.f32 s2, v18;
	s2 =	smov.u32 s12  }
0x13e: {  	v52 =	vadd.s32 s28, v8;
	v16 =	vmul.f32 s7, v16;
	v15 =	vadd.f32 v59, v15;
	s5 =	simm.s32 @!p0 $0x0;
	s2 =	simm.s32 @!p0 $0x0  }
0x13f: {  	v23 =	vadd.f32 v42, v41;
	v45 =	vmul.f32 s5, v22;
	p0 =	slt.u32 s31, $0x8;
	v22 =	vmul.f32 s2, v22;
	s2 =	smov.u32 s1  }
0x140: {  	v54 =	vadd.s32 s28, v9;
	v20 =	vmul.f32 s8, v20;
	v21 =	vmul.f32 v36, v26;
	s2 =	simm.s32 @!p0 $0x0  }
0x141: {  	v25 =	vmul.f32 v37, v14;
	v17 =	vadd.f32 v62, v17;
	[tilespmem:v44+s17+$0x0] =	vst.idx.msk $0x1ff, v15;
	v50 =	vmul.f32 s2, v23;
	s2 =	smov.u32 s12  }
0x142: {  	v51 =	vadd.f32 v63, v16;
	v13 =	vmul.f32 v13, v26;
	v12 =	vmul.f32 v12, v14;
	s2 =	simm.s32 @!p0 $0x0  }
0x143: {  	v21 =	vadd.f32 v25, v21;
	[tilespmem:v46+s17+$0x0] =	vst.idx.msk $0x1ff, v17;
	v53 =	vadd.f32 v39, v20;
	p0 =	slt.u32 s21, $0x8;
	v55 =	vmul.f32 s2, v23;
	s2 =	smov.u32 s1  }
0x144: {  	p1 =	slt.u32 s25, $0x8;
	v57 =	vadd.s32 s28, v10;
	[tilespmem:v47+s17+$0x0] =	vst.idx.msk $0x1ff, v51;
	v56 =	vadd.f32 v43, v19;
	v12 =	vadd.f32 v12, v13;
	s2 =	simm.s32 @!p0 $0x0  }
0x145: {  	v59 =	vadd.s32 s28, v11;
	[tilespmem:v48+s17+$0x0] =	vst.idx.msk $0x1ff, v53;
	v60 =	vadd.f32 v45, v18;
	s12 =	simm.s32 @!p0 $0x0;
	s1 =	simm.s32 @!p1 $0x0;
	v58 =	vmul.f32 s2, v21  }
0x146: {  	[tilespmem:v49+s17+$0x0] =	vst.idx.msk $0x1ff, v56;
	v62 =	vadd.f32 v50, v22;
	v61 =	vmul.f32 s12, v21;
	v12 =	vmul.f32 s1, v12  }
0x147: {  	[tilespmem:v52+s17+$0x0] =	vst.idx.msk $0x1ff, v60;
	v63 =	vadd.f32 v58, v55  }
0x148: {  	[tilespmem:v54+s17+$0x0] =	vst.idx.msk $0x1ff, v62;
	v12 =	vadd.f32 v12, v61  }
0x149: {  	[tilespmem:v57+s17+$0x0] =	vst.idx.msk $0x1ff, v63  }
0x14a: {  	s31 =	simm.s32 $0x7;
	[tilespmem:v59+s17+$0x0] =	vst.idx.msk $0x1ff, v12  }
0x14b: {  	_ =	swait.ge [sflag:s31], $0x150  }
0x14c: {  	[sflag:s31] =	ssyncset.done $0x0  }
0x14d: {  	s11 =	simm.s32 $0x0;
	s0 =	sor.u32 $0xC00, s0;
	[sflag:s31] =	ssyncadd.s32 $0xFFFFFEB0  }
0x14e: {  	[hbm4b:s29+s11] =	stream.linear.scatter [tilespmem:s0], [sflag:$0x7], $0x150, $0x38;
	[tilespmem:$0xF00] =	vst v63  }
0x14f: {  	s0 =	rddreg [dreg:$0xd]  }
0x150: {  	p0 =	sne.s32 s0, $0x80  }
.Ltmp3:
0x151: {  	_ = 	snop;
	(pc) =	sbr.rel @!p0 .LBB2_6-.Ltmp3, $2  }
0x152: {  	_ =	sdelay $0x2  }
0x153: {  	s30 =	sadd.s32 $0x2, s30;
	s29 =	sadd.s32 $0x2A, s29  }
.LBB2_2:
0x154: {  	s1 =	sadd.s32 $0x1, s0  }
0x155: {  	s7 =	sand.u32 $0x1, s0;
	p0 =	seq.s32 s0, $0x7F;
	s0 =	smov.u32 s1  }
0x156: {  	s0 =	simm.s32 @p0 $0x0;
	p0 =	seq.s32 s7, $0x0  }
.Ltmp4:
0x157: {  	_ = 	snop;
	(pc) =	sbr.rel @!p0 .LBB2_4-.Ltmp4, $2  }
0x158: {  	_ =	sdelay $0x2  }
0x159: {  	[dreg:$0xd] =	wrdreg s1;
	s1 =	sshll.u32 s0, $0x3  }
0x15a: {  	s4 =	sshrl.u32 s1, $0x2  }
0x15b: {  	v12 =	vld [tilespmem:s4+$0x0];
	_ =	sdelay $0x4  }
0x15c: {  	(v2sf) =	vpush v12, $0x1;
	_ =	sdelay $0xe  }
0x15d: {  	s13 =	spop (v2sf)  }
0x15e: {  	s5 =	scvt.f32.s32 s13;
	_ =	sdelay $0x1  }
0x15f: {  	s6 =	scvt.s32.f32 s5;
	_ =	sdelay $0x1  }
0x160: {  	s4 =	smul.f32 $5.000000000e-01, s13;
	p1 =	slt.f32 s13, s6  }
0x161: {  	s6 =	simm.s32 $0x1  }
0x162: {  	s9 =	scvt.f32.s32 s4;
	s6 =	simm.s32 @!p1 $0x0  }
0x163: {  	s5 =	ssub.s32 s5, s6  }
0x164: {  	s2 =	rddreg [dreg:$0x5];
	s10 =	scvt.s32.f32 s9;
	s5 =	sadd.s32 $0xFFFFFFFC, s5  }
0x165: {  	s18 =	sor.u32 s2, s0;
	p1 =	sgt.s32 s5, $0x0  }
0x166: {  	s8 =	smul.u32 $0x60, s18;
	s5 =	simm.s32 @!p1 $0x0;
	p1 =	slt.f32 s4, s10  }
0x167: {  	s4 =	simm.s32 $0x1;
	s5 =	smin.u32 s5, $0x36  }
0x168: {  	s19 =	rddreg [dreg:$0x3];
	s5 =	sadd.s32 s8, s5;
	s4 =	simm.s32 @!p1 $0x0  }
0x169: {  	s3 =	simm.s32 $0x400;
	s5 =	sshll.u32 s5, $0x3;
	s4 =	ssub.s32 s9, s4  }
0x16a: {  	s5 =	sand.u32 $0x1FFFFFF8, s5;
	s20 =	sadd.s32 $0xFFFFFFFC, s4;
	s4 =	sand.u32 $0x1, s4  }
0x16b: {  	s5 =	sadd.s32 s19, s5;
	p6 =	slt.s32 s20, $0x1;
	p2 =	seq.s32 s4, $0x1  }
0x16c: {  	[tilespmem:s3], [sflag:$0x4] =	stream.linear.gather [hbm4b:s5+s11], $0x280, $0x38;
	[tilespmem:$0xF00] =	vst v63  }
0x16d: {  	s21 =	sshrl.u32 s20, $0x1F;
	p1 =	por !p6, !p2  }
0x16e: {  	s4 =	sadd.s32 s21, s20;
	s5 =	simm.s32 $0x1;
	p1 =	por !p1, !p1  }
0x16f: {  	s4 =	sshra.s32 s4, $0x1;
	s5 =	simm.s32 @!p1 $0x0  }
0x170: {  	s4 =	ssub.s32 s4, s5  }
0x171: {  	p1 =	sgt.s32 s4, $0x0  }
0x172: {  	s4 =	simm.s32 @!p1 $0x0  }
0x173: {  	s4 =	smin.u32 s4, $0xA  }
0x174: {  	s4 =	sor.u32 s4, s8  }
0x175: {  	s4 =	sshll.u32 s4, $0x3  }
0x176: {  	s22 =	smul.u32 $0x1800, s18;
	s4 =	sadd.s32 $0x200, s4  }
0x177: {  	s4 =	sand.u32 $0x1FFFFF78, s4  }
0x178: {  	s23 =	simm.s32 $0x800;
	s24 =	sshrl.u32 s22, $0x3;
	s4 =	sadd.s32 s19, s4  }
0x179: {  	[tilespmem:s23], [sflag:$0x5] =	stream.linear.gather [hbm4b:s4+s11], $0x180, $0x38;
	[tilespmem:$0xF00] =	vst v63  }
0x17a: {  	s4 =	sadd.s32 s19, s24  }
0x17b: {  	s25 =	simm.s32 $0xAC0;
	s26 =	simm.s32 $0x1;
	s4 =	sadd.s32 $0x280, s4  }
0x17c: {  	[tilespmem:s25], [sflag:$0x6] =	stream.linear.gather [hbm4b:s4+s11], $0x140, $0x38;
	[tilespmem:$0xF00] =	vst v63  }
0x17d: {  	_ =	swait.ge [sflag:s26], $0x280  }
0x17e: {  	[sflag:s26] =	ssyncset.done $0x0  }
0x17f: {  	s28 =	simm.s32 $0x2;
	[sflag:s26] =	ssyncadd.s32 $0xFFFFFD80  }
0x180: {  	_ =	swait.ge [sflag:s28], $0x180  }
.Ltmp5:
0x181: {  	[sflag:s28] =	ssyncset.done $0x0;
	(pc) =	sbr.rel @p0 .LBB2_5-.Ltmp5, $4  }
.Ltmp6:
0x182: {  	s31 =	simm.s32 $0x3;
	[sflag:s28] =	ssyncadd.s32 $0xFFFFFE80;
	(pc) =	sbr.rel @!p0 .LBB2_4-.Ltmp6, $4  }
0x183: {  	_ =	swait.ge [sflag:s31], $0x140  }
0x184: {  	[sflag:s31] =	ssyncset.done $0x0  }
0x185: {  	[sflag:s31] =	ssyncadd.s32 $0xFFFFFEC0  }
0x186: {  	_ = 	snop  }
.LBB2_7:
0x187: {  	_ =	sfence.sel $0x180000  }
0x188: {  	[bflag:$0x0] =	sbarrier.arrive $0xFFFF  }
0x189: {  	_ =	strace $0x90000047  }
0x18a: {  	s0 =	stileid.u32;
	[bflag:$0x2] =	sbarrier.arrive $0xFFFF  }
0x18b: {  	p0 =	sne.s32 s0, $0x0;
	s0 =	rddreg [dreg:$0x2]  }
0x18c: {  	s0 =	sadd.s32 @!p0 $0x100000, s0  }
0x18d: {  	[sflag:s0] =	ssyncadd.tile.s32 @!p0 $0x1;
	_ =	shalt  }
.Lfunc_end2:
_tile_overlayer_lowered:
.L_overlay_start_2:
0x18e: {  	(tag) =	ssettag $0x2  }
0x18f: {  	s0 =	rddreg [dreg:$0x0];
	s2 =	stileid.u32  }
0x190: {  	s1 =	rddreg [dreg:$0x1];
	p0 =	sne.s32 s2, $0x0  }
0x191: {  	s3 =	rddreg [dreg:$0x2];
	[bflag:$0x3] =	sbarrier.arrive $0xFFFF;
	s2 =	simm.s32 @!p0 $0x1C08  }
0x192: {  	[timem:s3], [sflag:s2] =	dma.local @!p0 [hbm:s0], s1  }
0x193: {  	s0 =	simm.s32 @!p0 $0x8  }
0x194: {  	_ =	swait.ge @!p0 [sflag:s0], s1  }
0x195: {  	s1 =	ssub.s32 @!p0 $0x0, s1;
	[sflag:s0] =	ssyncset.done @!p0 $0x0  }
0x196: {  	[sflag:s0] =	ssyncadd.s32 @!p0 s1  }
0x197: {  	[bflag:$0x3] =	sbarrier.arrive $0xFFFF  }
0x198: {  	_ =	shalt  }

</sc_bundles>
